<compile_context>
chip_gen: v7x
topology: tpu7x:2x2x1
jax: 0.10.2.dev20260603
libtpu: 0.0.44.dev20260713+nightly
codegen_flags: <defaults>
</compile_context>

<pallas_src>
import functools

import jax
import jax.numpy as jnp
from jax import lax
from jax.experimental import pallas as pl
from jax.experimental.pallas import tpu as pltpu
from jax.experimental.pallas import tpu_sc as plsc

BATCH = 4096
SEQ = 50
D = 32
B = BATCH * SEQ

_info = plsc.get_sparse_core_info()
NC, NS = _info.num_cores, _info.num_subcores
NW = NC * NS
B_PER_W = B // NW
CHUNK = 400
NCHUNKS = B_PER_W // CHUNK
NBUF = 2


def _sc_embed(u_hbm, i_hbm, c_hbm, wu_hbm, wi_hbm, wc_hbm):
    mesh = plsc.VectorSubcoreMesh(core_axis_name="c", subcore_axis_name="s")

    @functools.partial(
        pl.kernel,
        mesh=mesh,
        out_type=jax.ShapeDtypeStruct((3 * B, D), jnp.float32),
        compiler_params=pltpu.CompilerParams(use_tc_tiling_on_sc=False,
                                             allow_input_fusion=[True] * 6),
        scratch_types=[
            pltpu.VMEM((NCHUNKS, CHUNK), jnp.int32),
            pltpu.VMEM((NCHUNKS, CHUNK), jnp.int32),
            pltpu.VMEM((NCHUNKS, CHUNK), jnp.int32),
            pltpu.VMEM((NCHUNKS, CHUNK), jnp.int32),
            pltpu.VMEM((NCHUNKS, CHUNK), jnp.int32),
            pltpu.VMEM((NCHUNKS, CHUNK), jnp.int32),
            [pltpu.VMEM((CHUNK, D), jnp.float32)] * (3 * NBUF),
            pltpu.SemaphoreType.DMA,
            [pltpu.SemaphoreType.DMA] * NBUF,
            [pltpu.SemaphoreType.DMA] * NBUF,
        ],
    )
    def k(u, i, c, wu, wi, wc, out,
          idx_u, idx_i, idx_c, oidx_u, oidx_i, oidx_c,
          rbufs, sem0, gsems, ssems):
        wid = lax.axis_index("s") * NC + lax.axis_index("c")
        base_w = wid * B_PER_W

        c1 = pltpu.async_copy(u.at[pl.ds(wid * NCHUNKS, NCHUNKS)], idx_u, sem0)
        c2 = pltpu.async_copy(i.at[pl.ds(wid * NCHUNKS, NCHUNKS)], idx_i, sem0)
        c3 = pltpu.async_copy(c.at[pl.ds(wid * NCHUNKS, NCHUNKS)], idx_c, sem0)

        def fill_chunk(j, _):
            def fill_vec(m, _):
                v = 3 * (lax.broadcasted_iota(jnp.int32, (16,), 0)
                         + base_w + j * CHUNK + m * 16)
                oidx_u[j, pl.ds(m * 16, 16)] = v
                oidx_i[j, pl.ds(m * 16, 16)] = v + 1
                oidx_c[j, pl.ds(m * 16, 16)] = v + 2
                return 0
            return lax.fori_loop(0, CHUNK // 16, fill_vec, 0)

        lax.fori_loop(0, NCHUNKS, fill_chunk, 0)
        c1.wait()
        c2.wait()
        c3.wait()

        def gathers(j, b):
            return [
                pltpu.async_copy(wu.at[idx_u.at[j]], rbufs[3 * b + 0], gsems[b]),
                pltpu.async_copy(wi.at[idx_i.at[j]], rbufs[3 * b + 1], gsems[b]),
                pltpu.async_copy(wc.at[idx_c.at[j]], rbufs[3 * b + 2], gsems[b]),
            ]

        def scatters(j, b):
            return [
                pltpu.async_copy(rbufs[3 * b + 0], out.at[oidx_u.at[j]], ssems[b]),
                pltpu.async_copy(rbufs[3 * b + 1], out.at[oidx_i.at[j]], ssems[b]),
                pltpu.async_copy(rbufs[3 * b + 2], out.at[oidx_c.at[j]], ssems[b]),
            ]

        g = [None] * NBUF
        s = [None] * NBUF
        for j in range(NCHUNKS):
            b = j % NBUF
            if s[b] is not None:
                for d in s[b]:
                    d.wait()
            g[b] = gathers(j, b)
            pb = (j - 1) % NBUF
            if j >= 1:
                for d in g[pb]:
                    d.wait()
                s[pb] = scatters(j - 1, pb)
        lb = (NCHUNKS - 1) % NBUF
        for d in g[lb]:
            d.wait()
        s[lb] = scatters(NCHUNKS - 1, lb)
        for b in range(NBUF):
            for d in s[b]:
                d.wait()

    return k(u_hbm, i_hbm, c_hbm, wu_hbm, wi_hbm, wc_hbm)


def kernel(user_id, item_id, category, W_user_id, W_item_id, W_category):
    u = user_id.reshape(NW * NCHUNKS, CHUNK).astype(jnp.int32)
    i = item_id.reshape(NW * NCHUNKS, CHUNK).astype(jnp.int32)
    c = category.reshape(NW * NCHUNKS, CHUNK).astype(jnp.int32)
    out = _sc_embed(u, i, c, W_user_id, W_item_id, W_category)
    return out.reshape(BATCH, SEQ, 3 * D)

# --- scband reference (transcript-rebuilt; emitter-appended) ---
"""Pipeline reference for scband-embedding-layer-764504179055 (READ-ONLY COPY).

The authoritative reference and input builder live on the scoring server;
editing this copy changes nothing except your own understanding.
"""

import jax, jax.numpy as jnp
import numpy as np

BATCH = 4096
SEQ = 50
EMBED_DIM = 32
VOCABS = {"user_id": 1000000, "item_id": 100000, "category": 1000}


def setup_inputs(seed: int = 0) -> dict:
    key = jax.random.key(seed)
    ks = jax.random.split(key, 6)
    inp = {}
    inp["user_id"] = jax.random.randint(ks[0], (BATCH, SEQ), 0, VOCABS["user_id"])
    inp["item_id"] = jax.random.randint(ks[1], (BATCH, SEQ), 0, VOCABS["item_id"])
    inp["category"] = jax.random.randint(ks[2], (BATCH, SEQ), 0, VOCABS["category"])
    inp["W_user_id"] = jax.random.normal(ks[3], (VOCABS["user_id"], EMBED_DIM), dtype=jnp.float32) * 0.02
    inp["W_item_id"] = jax.random.normal(ks[4], (VOCABS["item_id"], EMBED_DIM), dtype=jnp.float32) * 0.02
    inp["W_category"] = jax.random.normal(ks[5], (VOCABS["category"], EMBED_DIM), dtype=jnp.float32) * 0.02
    return inp


def reference(user_id, item_id, category, W_user_id, W_item_id, W_category):
    # EmbeddingLayer.forward: gather each field's embedding, concat on last dim
    e_user = jnp.take(W_user_id, user_id, axis=0)        # (B, S, D)
    e_item = jnp.take(W_item_id, item_id, axis=0)        # (B, S, D)
    e_cat = jnp.take(W_category, category, axis=0)       # (B, S, D)
    return jnp.concatenate([e_user, e_item, e_cat], axis=-1)  # (B, S, 3*D)

if __name__ == "__main__":
    import jax
    _d = setup_inputs()
    print(jax.jit(kernel)(*tuple(_d.values())))

</pallas_src>

<mosaic_0001>
#map = affine_map<(d0, d1) -> (0, 0)>
module attributes {stable_mosaic.version = 14 : i64} {
  func.func @k(%arg0: i32, %arg1: i32, %arg2: memref<512x400xi32, #tpu.memory_space<hbm>>, %arg3: memref<512x400xi32, #tpu.memory_space<hbm>>, %arg4: memref<512x400xi32, #tpu.memory_space<hbm>>, %arg5: memref<1000000x32xf32, #tpu.memory_space<hbm>>, %arg6: memref<100000x32xf32, #tpu.memory_space<hbm>>, %arg7: memref<1000x32xf32, #tpu.memory_space<hbm>>, %arg8: memref<614400x32xf32, #tpu.memory_space<hbm>>, %arg9: memref<16x400xi32, #tpu.memory_space<vmem>>, %arg10: memref<16x400xi32, #tpu.memory_space<vmem>>, %arg11: memref<16x400xi32, #tpu.memory_space<vmem>>, %arg12: memref<16x400xi32, #tpu.memory_space<vmem>>, %arg13: memref<16x400xi32, #tpu.memory_space<vmem>>, %arg14: memref<16x400xi32, #tpu.memory_space<vmem>>, %arg15: memref<400x32xf32, #tpu.memory_space<vmem>>, %arg16: memref<400x32xf32, #tpu.memory_space<vmem>>, %arg17: memref<400x32xf32, #tpu.memory_space<vmem>>, %arg18: memref<400x32xf32, #tpu.memory_space<vmem>>, %arg19: memref<400x32xf32, #tpu.memory_space<vmem>>, %arg20: memref<400x32xf32, #tpu.memory_space<vmem>>, %arg21: memref<!tpu.dma_semaphore, #tpu.memory_space<semaphore_mem>>, %arg22: memref<!tpu.dma_semaphore, #tpu.memory_space<semaphore_mem>>, %arg23: memref<!tpu.dma_semaphore, #tpu.memory_space<semaphore_mem>>, %arg24: memref<!tpu.dma_semaphore, #tpu.memory_space<semaphore_mem>>, %arg25: memref<!tpu.dma_semaphore, #tpu.memory_space<semaphore_mem>>) attributes {dimension_semantics = [#tpu.dimension_semantics<core_parallel>, #tpu.dimension_semantics<subcore_parallel>], iteration_bounds = array<i64: 2, 16>, scalar_prefetch = 0 : i64, scratch_operands = 17 : i64, tpu.core_type = #tpu.core_type<sc_vector_subcore>, window_params = [{transform_indices = #map}, {transform_indices = #map}, {transform_indices = #map}, {transform_indices = #map}, {transform_indices = #map}, {transform_indices = #map}, {transform_indices = #map}]} {
    %mul3A = arith.constant 2 : i32
    %mul3A_0 = arith.muli %arg1, %mul3A : i32
    %add3A = arith.addi %mul3A_0, %arg0 : i32
    %mul3A_1 = arith.constant 6400 : i32
    %mul3A_2 = arith.muli %add3A, %mul3A_1 : i32
    %mul3A_3 = arith.constant 16 : i32
    %mul3A_4 = arith.muli %add3A, %mul3A_3 : i32
    %dma_start3A = arith.constant 0 : i32
    %dma_start3A_5 = tpu.memref_slice %arg2[%mul3A_4, %dma_start3A] : memref<512x400xi32, #tpu.memory_space<hbm>> -> memref<16x400xi32, #tpu.memory_space<hbm>>
    %dma_start3A_6 = arith.constant 0 : i32
    %dma_start3A_7 = tpu.memref_slice %arg2[%mul3A_4, %dma_start3A_6] : memref<512x400xi32, #tpu.memory_space<hbm>> -> memref<16x400xi32, #tpu.memory_space<hbm>>
    tpu.enqueue_dma source(%dma_start3A_7 : memref<16x400xi32, #tpu.memory_space<hbm>>) target(%arg9 : memref<16x400xi32, #tpu.memory_space<vmem>>) target_semaphore(%arg21 : memref<!tpu.dma_semaphore, #tpu.memory_space<semaphore_mem>>)
    %mul3A_8 = arith.constant 16 : i32
    %mul3A_9 = arith.muli %add3A, %mul3A_8 : i32
    %dma_start3A_10 = arith.constant 0 : i32
    %dma_start3A_11 = tpu.memref_slice %arg3[%mul3A_9, %dma_start3A_10] : memref<512x400xi32, #tpu.memory_space<hbm>> -> memref<16x400xi32, #tpu.memory_space<hbm>>
    %dma_start3A_12 = arith.constant 0 : i32
    %dma_start3A_13 = tpu.memref_slice %arg3[%mul3A_9, %dma_start3A_12] : memref<512x400xi32, #tpu.memory_space<hbm>> -> memref<16x400xi32, #tpu.memory_space<hbm>>
    tpu.enqueue_dma source(%dma_start3A_13 : memref<16x400xi32, #tpu.memory_space<hbm>>) target(%arg10 : memref<16x400xi32, #tpu.memory_space<vmem>>) target_semaphore(%arg21 : memref<!tpu.dma_semaphore, #tpu.memory_space<semaphore_mem>>)
    %mul3A_14 = arith.constant 16 : i32
    %mul3A_15 = arith.muli %add3A, %mul3A_14 : i32
    %dma_start3A_16 = arith.constant 0 : i32
    %dma_start3A_17 = tpu.memref_slice %arg4[%mul3A_15, %dma_start3A_16] : memref<512x400xi32, #tpu.memory_space<hbm>> -> memref<16x400xi32, #tpu.memory_space<hbm>>
    %dma_start3A_18 = arith.constant 0 : i32
    %dma_start3A_19 = tpu.memref_slice %arg4[%mul3A_15, %dma_start3A_18] : memref<512x400xi32, #tpu.memory_space<hbm>> -> memref<16x400xi32, #tpu.memory_space<hbm>>
    tpu.enqueue_dma source(%dma_start3A_19 : memref<16x400xi32, #tpu.memory_space<hbm>>) target(%arg11 : memref<16x400xi32, #tpu.memory_space<vmem>>) target_semaphore(%arg21 : memref<!tpu.dma_semaphore, #tpu.memory_space<semaphore_mem>>)
    %scan3A = arith.constant 0 : i32
    %scan3A_20 = arith.constant 0 : i32
    %scan3A_21 = arith.constant 16 : i32
    %scan3A_22 = arith.addi %scan3A_20, %scan3A_21 : i32
    %scan3A_23 = arith.constant 1 : i32
    %scan3A_24 = scf.for %scan3A_1381 = %scan3A_20 to %scan3A_22 step %scan3A_23 iter_args(%scan3A_1382 = %scan3A) -> (i32)  : i32 {
      %scan3A_1383 = arith.constant 0 : i32
      %scan3A_1384 = arith.constant 0 : i32
      %scan3A_1385 = arith.constant 25 : i32
      %scan3A_1386 = arith.addi %scan3A_1384, %scan3A_1385 : i32
      %scan3A_1387 = arith.constant 1 : i32
      %scan3A_1388 = scf.for %scan3A_1390 = %scan3A_1384 to %scan3A_1386 step %scan3A_1387 iter_args(%scan3A_1391 = %scan3A_1383) -> (i32)  : i32 {
        %iota3A = tpu.iota {dimensions = array<i32: 0>} : vector<16xi32>
        %add3A_1392 = vector.broadcast %mul3A_2 : i32 to vector<16xi32>
        %add3A_1393 = arith.addi %iota3A, %add3A_1392 : vector<16xi32>
        %mul3A_1394 = arith.constant 400 : i32
        %mul3A_1395 = arith.muli %scan3A_1381, %mul3A_1394 : i32
        %add3A_1396 = vector.broadcast %mul3A_1395 : i32 to vector<16xi32>
        %add3A_1397 = arith.addi %add3A_1393, %add3A_1396 : vector<16xi32>
        %mul3A_1398 = arith.constant 16 : i32
        %mul3A_1399 = arith.muli %scan3A_1390, %mul3A_1398 : i32
        %add3A_1400 = vector.broadcast %mul3A_1399 : i32 to vector<16xi32>
        %add3A_1401 = arith.addi %add3A_1397, %add3A_1400 : vector<16xi32>
        %mul3A_1402 = arith.constant 3 : i32
        %mul3A_1403 = vector.broadcast %mul3A_1402 : i32 to vector<16xi32>
        %mul3A_1404 = arith.muli %mul3A_1403, %add3A_1401 : vector<16xi32>
        %mul3A_1405 = arith.constant 16 : i32
        %mul3A_1406 = arith.muli %scan3A_1390, %mul3A_1405 : i32
        %swap3A = arith.index_cast %scan3A_1381 : i32 to index
        %swap3A_1407 = arith.index_cast %mul3A_1406 : i32 to index
        %swap3A_1408 = tpu.vector_load %arg12[%swap3A, %swap3A_1407] {strides = array<i32>} : memref<16x400xi32, #tpu.memory_space<vmem>>, vector<1x16xi32>,
        %swap3A_1409 = vector.shape_cast %swap3A_1408 : vector<1x16xi32> to vector<16xi32>
        %swap3A_1410 = vector.shape_cast %mul3A_1404 : vector<16xi32> to vector<1x16xi32>
        tpu.vector_store %arg12[%swap3A, %swap3A_1407], %swap3A_1410 {strides = array<i32>} : memref<16x400xi32, #tpu.memory_space<vmem>>, vector<1x16xi32>,
        %add3A_1411 = arith.constant 1 : i32
        %add3A_1412 = vector.broadcast %add3A_1411 : i32 to vector<16xi32>
        %add3A_1413 = arith.addi %mul3A_1404, %add3A_1412 : vector<16xi32>
        %mul3A_1414 = arith.constant 16 : i32
        %mul3A_1415 = arith.muli %scan3A_1390, %mul3A_1414 : i32
        %swap3A_1416 = arith.index_cast %scan3A_1381 : i32 to index
        %swap3A_1417 = arith.index_cast %mul3A_1415 : i32 to index
        %swap3A_1418 = tpu.vector_load %arg13[%swap3A_1416, %swap3A_1417] {strides = array<i32>} : memref<16x400xi32, #tpu.memory_space<vmem>>, vector<1x16xi32>,
        %swap3A_1419 = vector.shape_cast %swap3A_1418 : vector<1x16xi32> to vector<16xi32>
        %swap3A_1420 = vector.shape_cast %add3A_1413 : vector<16xi32> to vector<1x16xi32>
        tpu.vector_store %arg13[%swap3A_1416, %swap3A_1417], %swap3A_1420 {strides = array<i32>} : memref<16x400xi32, #tpu.memory_space<vmem>>, vector<1x16xi32>,
        %add3A_1421 = arith.constant 2 : i32
        %add3A_1422 = vector.broadcast %add3A_1421 : i32 to vector<16xi32>
        %add3A_1423 = arith.addi %mul3A_1404, %add3A_1422 : vector<16xi32>
        %mul3A_1424 = arith.constant 16 : i32
        %mul3A_1425 = arith.muli %scan3A_1390, %mul3A_1424 : i32
        %swap3A_1426 = arith.index_cast %scan3A_1381 : i32 to index
        %swap3A_1427 = arith.index_cast %mul3A_1425 : i32 to index
        %swap3A_1428 = tpu.vector_load %arg14[%swap3A_1426, %swap3A_1427] {strides = array<i32>} : memref<16x400xi32, #tpu.memory_space<vmem>>, vector<1x16xi32>,
        %swap3A_1429 = vector.shape_cast %swap3A_1428 : vector<1x16xi32> to vector<16xi32>
        %swap3A_1430 = vector.shape_cast %add3A_1423 : vector<16xi32> to vector<1x16xi32>
        tpu.vector_store %arg14[%swap3A_1426, %swap3A_1427], %swap3A_1430 {strides = array<i32>} : memref<16x400xi32, #tpu.memory_space<vmem>>, vector<1x16xi32>,
        %scan3A_1431 = arith.constant 0 : i32
        scf.yield %scan3A_1431 : i32
      }
      %scan3A_1389 = arith.constant 25 : i32
      scf.yield %scan3A_1388 : i32
    }
    %scan3A_25 = arith.constant 16 : i32
    %dma_wait3A = arith.constant 0 : i32
    %dma_wait3A_26 = tpu.memref_slice %arg2[%mul3A_4, %dma_wait3A] : memref<512x400xi32, #tpu.memory_space<hbm>> -> memref<16x400xi32, #tpu.memory_space<hbm>>
    %dma_wait3A_27 = arith.constant 0 : i32
    %dma_wait3A_28 = tpu.memref_slice %arg2[%mul3A_4, %dma_wait3A_27] : memref<512x400xi32, #tpu.memory_space<hbm>> -> memref<16x400xi32, #tpu.memory_space<hbm>>
    tpu.wait_dma2 semaphore(%arg21 : memref<!tpu.dma_semaphore, #tpu.memory_space<semaphore_mem>>) src(%dma_wait3A_28 : memref<16x400xi32, #tpu.memory_space<hbm>>) dst(%arg9 : memref<16x400xi32, #tpu.memory_space<vmem>>)
    %dma_wait3A_29 = arith.constant 0 : i32
    %dma_wait3A_30 = tpu.memref_slice %arg3[%mul3A_9, %dma_wait3A_29] : memref<512x400xi32, #tpu.memory_space<hbm>> -> memref<16x400xi32, #tpu.memory_space<hbm>>
    %dma_wait3A_31 = arith.constant 0 : i32
    %dma_wait3A_32 = tpu.memref_slice %arg3[%mul3A_9, %dma_wait3A_31] : memref<512x400xi32, #tpu.memory_space<hbm>> -> memref<16x400xi32, #tpu.memory_space<hbm>>
    tpu.wait_dma2 semaphore(%arg21 : memref<!tpu.dma_semaphore, #tpu.memory_space<semaphore_mem>>) src(%dma_wait3A_32 : memref<16x400xi32, #tpu.memory_space<hbm>>) dst(%arg10 : memref<16x400xi32, #tpu.memory_space<vmem>>)
    %dma_wait3A_33 = arith.constant 0 : i32
    %dma_wait3A_34 = tpu.memref_slice %arg4[%mul3A_15, %dma_wait3A_33] : memref<512x400xi32, #tpu.memory_space<hbm>> -> memref<16x400xi32, #tpu.memory_space<hbm>>
    %dma_wait3A_35 = arith.constant 0 : i32
    %dma_wait3A_36 = tpu.memref_slice %arg4[%mul3A_15, %dma_wait3A_35] : memref<512x400xi32, #tpu.memory_space<hbm>> -> memref<16x400xi32, #tpu.memory_space<hbm>>
    tpu.wait_dma2 semaphore(%arg21 : memref<!tpu.dma_semaphore, #tpu.memory_space<semaphore_mem>>) src(%dma_wait3A_36 : memref<16x400xi32, #tpu.memory_space<hbm>>) dst(%arg11 : memref<16x400xi32, #tpu.memory_space<vmem>>)
    %dma_start3A_37 = arith.constant 0 : i32
    %dma_start3A_38 = arith.constant 0 : i32
    %dma_start3A_39 = tpu.memref_slice %arg9[%dma_start3A_37, %dma_start3A_38] : memref<16x400xi32, #tpu.memory_space<vmem>> -> memref<1x400xi32, #tpu.memory_space<vmem>>
    %dma_start3A_40 = tpu.memref_squeeze %dma_start3A_39 : memref<1x400xi32, #tpu.memory_space<vmem>> -> memref<400xi32, #tpu.memory_space<vmem>>
    %dma_start3A_41 = arith.constant 0 : i32
    %dma_start3A_42 = arith.constant 0 : i32
    %dma_start3A_43 = tpu.memref_slice %arg5[%dma_start3A_41, %dma_start3A_42] : memref<1000000x32xf32, #tpu.memory_space<hbm>> -> memref<1000000x32xf32, #tpu.memory_space<hbm>>
    tpu.enqueue_indirect_dma source(%dma_start3A_43 : memref<1000000x32xf32, #tpu.memory_space<hbm>>) target(%arg15 : memref<400x32xf32, #tpu.memory_space<vmem>>) offsets(%dma_start3A_40 : memref<400xi32, #tpu.memory_space<vmem>>) semaphore(%arg22 : memref<!tpu.dma_semaphore, #tpu.memory_space<semaphore_mem>>)
    %dma_start3A_44 = arith.constant 0 : i32
    %dma_start3A_45 = arith.constant 0 : i32
    %dma_start3A_46 = tpu.memref_slice %arg10[%dma_start3A_44, %dma_start3A_45] : memref<16x400xi32, #tpu.memory_space<vmem>> -> memref<1x400xi32, #tpu.memory_space<vmem>>
    %dma_start3A_47 = tpu.memref_squeeze %dma_start3A_46 : memref<1x400xi32, #tpu.memory_space<vmem>> -> memref<400xi32, #tpu.memory_space<vmem>>
    %dma_start3A_48 = arith.constant 0 : i32
    %dma_start3A_49 = arith.constant 0 : i32
    %dma_start3A_50 = tpu.memref_slice %arg6[%dma_start3A_48, %dma_start3A_49] : memref<100000x32xf32, #tpu.memory_space<hbm>> -> memref<100000x32xf32, #tpu.memory_space<hbm>>
    tpu.enqueue_indirect_dma source(%dma_start3A_50 : memref<100000x32xf32, #tpu.memory_space<hbm>>) target(%arg16 : memref<400x32xf32, #tpu.memory_space<vmem>>) offsets(%dma_start3A_47 : memref<400xi32, #tpu.memory_space<vmem>>) semaphore(%arg22 : memref<!tpu.dma_semaphore, #tpu.memory_space<semaphore_mem>>)
    %dma_start3A_51 = arith.constant 0 : i32
    %dma_start3A_52 = arith.constant 0 : i32
    %dma_start3A_53 = tpu.memref_slice %arg11[%dma_start3A_51, %dma_start3A_52] : memref<16x400xi32, #tpu.memory_space<vmem>> -> memref<1x400xi32, #tpu.memory_space<vmem>>
    %dma_start3A_54 = tpu.memref_squeeze %dma_start3A_53 : memref<1x400xi32, #tpu.memory_space<vmem>> -> memref<400xi32, #tpu.memory_space<vmem>>
    %dma_start3A_55 = arith.constant 0 : i32
    %dma_start3A_56 = arith.constant 0 : i32
    %dma_start3A_57 = tpu.memref_slice %arg7[%dma_start3A_55, %dma_start3A_56] : memref<1000x32xf32, #tpu.memory_space<hbm>> -> memref<1000x32xf32, #tpu.memory_space<hbm>>
    tpu.enqueue_indirect_dma source(%dma_start3A_57 : memref<1000x32xf32, #tpu.memory_space<hbm>>) target(%arg17 : memref<400x32xf32, #tpu.memory_space<vmem>>) offsets(%dma_start3A_54 : memref<400xi32, #tpu.memory_space<vmem>>) semaphore(%arg22 : memref<!tpu.dma_semaphore, #tpu.memory_space<semaphore_mem>>)
    %dma_start3A_58 = arith.constant 1 : i32
    %dma_start3A_59 = arith.constant 0 : i32
    %dma_start3A_60 = tpu.memref_slice %arg9[%dma_start3A_58, %dma_start3A_59] : memref<16x400xi32, #tpu.memory_space<vmem>> -> memref<1x400xi32, #tpu.memory_space<vmem>>
    %dma_start3A_61 = tpu.memref_squeeze %dma_start3A_60 : memref<1x400xi32, #tpu.memory_space<vmem>> -> memref<400xi32, #tpu.memory_space<vmem>>
    %dma_start3A_62 = arith.constant 0 : i32
    %dma_start3A_63 = arith.constant 0 : i32
    %dma_start3A_64 = tpu.memref_slice %arg5[%dma_start3A_62, %dma_start3A_63] : memref<1000000x32xf32, #tpu.memory_space<hbm>> -> memref<1000000x32xf32, #tpu.memory_space<hbm>>
    tpu.enqueue_indirect_dma source(%dma_start3A_64 : memref<1000000x32xf32, #tpu.memory_space<hbm>>) target(%arg18 : memref<400x32xf32, #tpu.memory_space<vmem>>) offsets(%dma_start3A_61 : memref<400xi32, #tpu.memory_space<vmem>>) semaphore(%arg23 : memref<!tpu.dma_semaphore, #tpu.memory_space<semaphore_mem>>)
    %dma_start3A_65 = arith.constant 1 : i32
    %dma_start3A_66 = arith.constant 0 : i32
    %dma_start3A_67 = tpu.memref_slice %arg10[%dma_start3A_65, %dma_start3A_66] : memref<16x400xi32, #tpu.memory_space<vmem>> -> memref<1x400xi32, #tpu.memory_space<vmem>>
    %dma_start3A_68 = tpu.memref_squeeze %dma_start3A_67 : memref<1x400xi32, #tpu.memory_space<vmem>> -> memref<400xi32, #tpu.memory_space<vmem>>
    %dma_start3A_69 = arith.constant 0 : i32
    %dma_start3A_70 = arith.constant 0 : i32
    %dma_start3A_71 = tpu.memref_slice %arg6[%dma_start3A_69, %dma_start3A_70] : memref<100000x32xf32, #tpu.memory_space<hbm>> -> memref<100000x32xf32, #tpu.memory_space<hbm>>
    tpu.enqueue_indirect_dma source(%dma_start3A_71 : memref<100000x32xf32, #tpu.memory_space<hbm>>) target(%arg19 : memref<400x32xf32, #tpu.memory_space<vmem>>) offsets(%dma_start3A_68 : memref<400xi32, #tpu.memory_space<vmem>>) semaphore(%arg23 : memref<!tpu.dma_semaphore, #tpu.memory_space<semaphore_mem>>)
    %dma_start3A_72 = arith.constant 1 : i32
    %dma_start3A_73 = arith.constant 0 : i32
    %dma_start3A_74 = tpu.memref_slice %arg11[%dma_start3A_72, %dma_start3A_73] : memref<16x400xi32, #tpu.memory_space<vmem>> -> memref<1x400xi32, #tpu.memory_space<vmem>>
    %dma_start3A_75 = tpu.memref_squeeze %dma_start3A_74 : memref<1x400xi32, #tpu.memory_space<vmem>> -> memref<400xi32, #tpu.memory_space<vmem>>
    %dma_start3A_76 = arith.constant 0 : i32
    %dma_start3A_77 = arith.constant 0 : i32
    %dma_start3A_78 = tpu.memref_slice %arg7[%dma_start3A_76, %dma_start3A_77] : memref<1000x32xf32, #tpu.memory_space<hbm>> -> memref<1000x32xf32, #tpu.memory_space<hbm>>
    tpu.enqueue_indirect_dma source(%dma_start3A_78 : memref<1000x32xf32, #tpu.memory_space<hbm>>) target(%arg20 : memref<400x32xf32, #tpu.memory_space<vmem>>) offsets(%dma_start3A_75 : memref<400xi32, #tpu.memory_space<vmem>>) semaphore(%arg23 : memref<!tpu.dma_semaphore, #tpu.memory_space<semaphore_mem>>)
    %dma_wait3A_79 = arith.constant 0 : i32
    %dma_wait3A_80 = arith.constant 0 : i32
    %dma_wait3A_81 = tpu.memref_slice %arg9[%dma_wait3A_79, %dma_wait3A_80] : memref<16x400xi32, #tpu.memory_space<vmem>> -> memref<1x400xi32, #tpu.memory_space<vmem>>
    %dma_wait3A_82 = tpu.memref_squeeze %dma_wait3A_81 : memref<1x400xi32, #tpu.memory_space<vmem>> -> memref<400xi32, #tpu.memory_space<vmem>>
    %dma_wait3A_83 = arith.constant 0 : i32
    %dma_wait3A_84 = arith.constant 0 : i32
    %dma_wait3A_85 = tpu.memref_slice %arg5[%dma_wait3A_83, %dma_wait3A_84] : memref<1000000x32xf32, #tpu.memory_space<hbm>> -> memref<1000000x32xf32, #tpu.memory_space<hbm>>
    tpu.wait_indirect_dma semaphore(%arg22 : memref<!tpu.dma_semaphore, #tpu.memory_space<semaphore_mem>>) src(%dma_wait3A_85 : memref<1000000x32xf32, #tpu.memory_space<hbm>>) dst(%arg15 : memref<400x32xf32, #tpu.memory_space<vmem>>)
    %dma_wait3A_86 = arith.constant 0 : i32
    %dma_wait3A_87 = arith.constant 0 : i32
    %dma_wait3A_88 = tpu.memref_slice %arg10[%dma_wait3A_86, %dma_wait3A_87] : memref<16x400xi32, #tpu.memory_space<vmem>> -> memref<1x400xi32, #tpu.memory_space<vmem>>
    %dma_wait3A_89 = tpu.memref_squeeze %dma_wait3A_88 : memref<1x400xi32, #tpu.memory_space<vmem>> -> memref<400xi32, #tpu.memory_space<vmem>>
    %dma_wait3A_90 = arith.constant 0 : i32
    %dma_wait3A_91 = arith.constant 0 : i32
    %dma_wait3A_92 = tpu.memref_slice %arg6[%dma_wait3A_90, %dma_wait3A_91] : memref<100000x32xf32, #tpu.memory_space<hbm>> -> memref<100000x32xf32, #tpu.memory_space<hbm>>
    tpu.wait_indirect_dma semaphore(%arg22 : memref<!tpu.dma_semaphore, #tpu.memory_space<semaphore_mem>>) src(%dma_wait3A_92 : memref<100000x32xf32, #tpu.memory_space<hbm>>) dst(%arg16 : memref<400x32xf32, #tpu.memory_space<vmem>>)
    %dma_wait3A_93 = arith.constant 0 : i32
    %dma_wait3A_94 = arith.constant 0 : i32
    %dma_wait3A_95 = tpu.memref_slice %arg11[%dma_wait3A_93, %dma_wait3A_94] : memref<16x400xi32, #tpu.memory_space<vmem>> -> memref<1x400xi32, #tpu.memory_space<vmem>>
    %dma_wait3A_96 = tpu.memref_squeeze %dma_wait3A_95 : memref<1x400xi32, #tpu.memory_space<vmem>> -> memref<400xi32, #tpu.memory_space<vmem>>
    %dma_wait3A_97 = arith.constant 0 : i32
    %dma_wait3A_98 = arith.constant 0 : i32
    %dma_wait3A_99 = tpu.memref_slice %arg7[%dma_wait3A_97, %dma_wait3A_98] : memref<1000x32xf32, #tpu.memory_space<hbm>> -> memref<1000x32xf32, #tpu.memory_space<hbm>>
    tpu.wait_indirect_dma semaphore(%arg22 : memref<!tpu.dma_semaphore, #tpu.memory_space<semaphore_mem>>) src(%dma_wait3A_99 : memref<1000x32xf32, #tpu.memory_space<hbm>>) dst(%arg17 : memref<400x32xf32, #tpu.memory_space<vmem>>)
    %dma_start3A_100 = arith.constant 0 : i32
    %dma_start3A_101 = arith.constant 0 : i32
    %dma_start3A_102 = tpu.memref_slice %arg12[%dma_start3A_100, %dma_start3A_101] : memref<16x400xi32, #tpu.memory_space<vmem>> -> memref<1x400xi32, #tpu.memory_space<vmem>>
    %dma_start3A_103 = tpu.memref_squeeze %dma_start3A_102 : memref<1x400xi32, #tpu.memory_space<vmem>> -> memref<400xi32, #tpu.memory_space<vmem>>
    %dma_start3A_104 = arith.constant 0 : i32
    %dma_start3A_105 = arith.constant 0 : i32
    %dma_start3A_106 = tpu.memref_slice %arg8[%dma_start3A_104, %dma_start3A_105] : memref<614400x32xf32, #tpu.memory_space<hbm>> -> memref<614400x32xf32, #tpu.memory_space<hbm>>
    tpu.enqueue_indirect_dma source(%arg15 : memref<400x32xf32, #tpu.memory_space<vmem>>) target(%dma_start3A_106 : memref<614400x32xf32, #tpu.memory_space<hbm>>) offsets(%dma_start3A_103 : memref<400xi32, #tpu.memory_space<vmem>>) semaphore(%arg24 : memref<!tpu.dma_semaphore, #tpu.memory_space<semaphore_mem>>)
    %dma_start3A_107 = arith.constant 0 : i32
    %dma_start3A_108 = arith.constant 0 : i32
    %dma_start3A_109 = tpu.memref_slice %arg13[%dma_start3A_107, %dma_start3A_108] : memref<16x400xi32, #tpu.memory_space<vmem>> -> memref<1x400xi32, #tpu.memory_space<vmem>>
    %dma_start3A_110 = tpu.memref_squeeze %dma_start3A_109 : memref<1x400xi32, #tpu.memory_space<vmem>> -> memref<400xi32, #tpu.memory_space<vmem>>
    %dma_start3A_111 = arith.constant 0 : i32
    %dma_start3A_112 = arith.constant 0 : i32
    %dma_start3A_113 = tpu.memref_slice %arg8[%dma_start3A_111, %dma_start3A_112] : memref<614400x32xf32, #tpu.memory_space<hbm>> -> memref<614400x32xf32, #tpu.memory_space<hbm>>
    tpu.enqueue_indirect_dma source(%arg16 : memref<400x32xf32, #tpu.memory_space<vmem>>) target(%dma_start3A_113 : memref<614400x32xf32, #tpu.memory_space<hbm>>) offsets(%dma_start3A_110 : memref<400xi32, #tpu.memory_space<vmem>>) semaphore(%arg24 : memref<!tpu.dma_semaphore, #tpu.memory_space<semaphore_mem>>)
    %dma_start3A_114 = arith.constant 0 : i32
    %dma_start3A_115 = arith.constant 0 : i32
    %dma_start3A_116 = tpu.memref_slice %arg14[%dma_start3A_114, %dma_start3A_115] : memref<16x400xi32, #tpu.memory_space<vmem>> -> memref<1x400xi32, #tpu.memory_space<vmem>>
    %dma_start3A_117 = tpu.memref_squeeze %dma_start3A_116 : memref<1x400xi32, #tpu.memory_space<vmem>> -> memref<400xi32, #tpu.memory_space<vmem>>
    %dma_start3A_118 = arith.constant 0 : i32
    %dma_start3A_119 = arith.constant 0 : i32
    %dma_start3A_120 = tpu.memref_slice %arg8[%dma_start3A_118, %dma_start3A_119] : memref<614400x32xf32, #tpu.memory_space<hbm>> -> memref<614400x32xf32, #tpu.memory_space<hbm>>
    tpu.enqueue_indirect_dma source(%arg17 : memref<400x32xf32, #tpu.memory_space<vmem>>) target(%dma_start3A_120 : memref<614400x32xf32, #tpu.memory_space<hbm>>) offsets(%dma_start3A_117 : memref<400xi32, #tpu.memory_space<vmem>>) semaphore(%arg24 : memref<!tpu.dma_semaphore, #tpu.memory_space<semaphore_mem>>)
    %dma_wait3A_121 = arith.constant 0 : i32
    %dma_wait3A_122 = arith.constant 0 : i32
    %dma_wait3A_123 = tpu.memref_slice %arg12[%dma_wait3A_121, %dma_wait3A_122] : memref<16x400xi32, #tpu.memory_space<vmem>> -> memref<1x400xi32, #tpu.memory_space<vmem>>
    %dma_wait3A_124 = tpu.memref_squeeze %dma_wait3A_123 : memref<1x400xi32, #tpu.memory_space<vmem>> -> memref<400xi32, #tpu.memory_space<vmem>>
    %dma_wait3A_125 = arith.constant 0 : i32
    %dma_wait3A_126 = arith.constant 0 : i32
    %dma_wait3A_127 = tpu.memref_slice %arg8[%dma_wait3A_125, %dma_wait3A_126] : memref<614400x32xf32, #tpu.memory_space<hbm>> -> memref<614400x32xf32, #tpu.memory_space<hbm>>
    tpu.wait_indirect_dma semaphore(%arg24 : memref<!tpu.dma_semaphore, #tpu.memory_space<semaphore_mem>>) src(%arg15 : memref<400x32xf32, #tpu.memory_space<vmem>>) dst(%dma_wait3A_127 : memref<614400x32xf32, #tpu.memory_space<hbm>>)
    %dma_wait3A_128 = arith.constant 0 : i32
    %dma_wait3A_129 = arith.constant 0 : i32
    %dma_wait3A_130 = tpu.memref_slice %arg13[%dma_wait3A_128, %dma_wait3A_129] : memref<16x400xi32, #tpu.memory_space<vmem>> -> memref<1x400xi32, #tpu.memory_space<vmem>>
    %dma_wait3A_131 = tpu.memref_squeeze %dma_wait3A_130 : memref<1x400xi32, #tpu.memory_space<vmem>> -> memref<400xi32, #tpu.memory_space<vmem>>
    %dma_wait3A_132 = arith.constant 0 : i32
    %dma_wait3A_133 = arith.constant 0 : i32
    %dma_wait3A_134 = tpu.memref_slice %arg8[%dma_wait3A_132, %dma_wait3A_133] : memref<614400x32xf32, #tpu.memory_space<hbm>> -> memref<614400x32xf32, #tpu.memory_space<hbm>>
    tpu.wait_indirect_dma semaphore(%arg24 : memref<!tpu.dma_semaphore, #tpu.memory_space<semaphore_mem>>) src(%arg16 : memref<400x32xf32, #tpu.memory_space<vmem>>) dst(%dma_wait3A_134 : memref<614400x32xf32, #tpu.memory_space<hbm>>)
    %dma_wait3A_135 = arith.constant 0 : i32
    %dma_wait3A_136 = arith.constant 0 : i32
    %dma_wait3A_137 = tpu.memref_slice %arg14[%dma_wait3A_135, %dma_wait3A_136] : memref<16x400xi32, #tpu.memory_space<vmem>> -> memref<1x400xi32, #tpu.memory_space<vmem>>
    %dma_wait3A_138 = tpu.memref_squeeze %dma_wait3A_137 : memref<1x400xi32, #tpu.memory_space<vmem>> -> memref<400xi32, #tpu.memory_space<vmem>>
    %dma_wait3A_139 = arith.constant 0 : i32
    %dma_wait3A_140 = arith.constant 0 : i32
    %dma_wait3A_141 = tpu.memref_slice %arg8[%dma_wait3A_139, %dma_wait3A_140] : memref<614400x32xf32, #tpu.memory_space<hbm>> -> memref<614400x32xf32, #tpu.memory_space<hbm>>
    tpu.wait_indirect_dma semaphore(%arg24 : memref<!tpu.dma_semaphore, #tpu.memory_space<semaphore_mem>>) src(%arg17 : memref<400x32xf32, #tpu.memory_space<vmem>>) dst(%dma_wait3A_141 : memref<614400x32xf32, #tpu.memory_space<hbm>>)
    %dma_start3A_142 = arith.constant 2 : i32
    %dma_start3A_143 = arith.constant 0 : i32
    %dma_start3A_144 = tpu.memref_slice %arg9[%dma_start3A_142, %dma_start3A_143] : memref<16x400xi32, #tpu.memory_space<vmem>> -> memref<1x400xi32, #tpu.memory_space<vmem>>
    %dma_start3A_145 = tpu.memref_squeeze %dma_start3A_144 : memref<1x400xi32, #tpu.memory_space<vmem>> -> memref<400xi32, #tpu.memory_space<vmem>>
    %dma_start3A_146 = arith.constant 0 : i32
    %dma_start3A_147 = arith.constant 0 : i32
    %dma_start3A_148 = tpu.memref_slice %arg5[%dma_start3A_146, %dma_start3A_147] : memref<1000000x32xf32, #tpu.memory_space<hbm>> -> memref<1000000x32xf32, #tpu.memory_space<hbm>>
    tpu.enqueue_indirect_dma source(%dma_start3A_148 : memref<1000000x32xf32, #tpu.memory_space<hbm>>) target(%arg15 : memref<400x32xf32, #tpu.memory_space<vmem>>) offsets(%dma_start3A_145 : memref<400xi32, #tpu.memory_space<vmem>>) semaphore(%arg22 : memref<!tpu.dma_semaphore, #tpu.memory_space<semaphore_mem>>)
    %dma_start3A_149 = arith.constant 2 : i32
    %dma_start3A_150 = arith.constant 0 : i32
    %dma_start3A_151 = tpu.memref_slice %arg10[%dma_start3A_149, %dma_start3A_150] : memref<16x400xi32, #tpu.memory_space<vmem>> -> memref<1x400xi32, #tpu.memory_space<vmem>>
    %dma_start3A_152 = tpu.memref_squeeze %dma_start3A_151 : memref<1x400xi32, #tpu.memory_space<vmem>> -> memref<400xi32, #tpu.memory_space<vmem>>
    %dma_start3A_153 = arith.constant 0 : i32
    %dma_start3A_154 = arith.constant 0 : i32
    %dma_start3A_155 = tpu.memref_slice %arg6[%dma_start3A_153, %dma_start3A_154] : memref<100000x32xf32, #tpu.memory_space<hbm>> -> memref<100000x32xf32, #tpu.memory_space<hbm>>
    tpu.enqueue_indirect_dma source(%dma_start3A_155 : memref<100000x32xf32, #tpu.memory_space<hbm>>) target(%arg16 : memref<400x32xf32, #tpu.memory_space<vmem>>) offsets(%dma_start3A_152 : memref<400xi32, #tpu.memory_space<vmem>>) semaphore(%arg22 : memref<!tpu.dma_semaphore, #tpu.memory_space<semaphore_mem>>)
    %dma_start3A_156 = arith.constant 2 : i32
    %dma_start3A_157 = arith.constant 0 : i32
    %dma_start3A_158 = tpu.memref_slice %arg11[%dma_start3A_156, %dma_start3A_157] : memref<16x400xi32, #tpu.memory_space<vmem>> -> memref<1x400xi32, #tpu.memory_space<vmem>>
    %dma_start3A_159 = tpu.memref_squeeze %dma_start3A_158 : memref<1x400xi32, #tpu.memory_space<vmem>> -> memref<400xi32, #tpu.memory_space<vmem>>
    %dma_start3A_160 = arith.constant 0 : i32
    %dma_start3A_161 = arith.constant 0 : i32
    %dma_start3A_162 = tpu.memref_slice %arg7[%dma_start3A_160, %dma_start3A_161] : memref<1000x32xf32, #tpu.memory_space<hbm>> -> memref<1000x32xf32, #tpu.memory_space<hbm>>
    tpu.enqueue_indirect_dma source(%dma_start3A_162 : memref<1000x32xf32, #tpu.memory_space<hbm>>) target(%arg17 : memref<400x32xf32, #tpu.memory_space<vmem>>) offsets(%dma_start3A_159 : memref<400xi32, #tpu.memory_space<vmem>>) semaphore(%arg22 : memref<!tpu.dma_semaphore, #tpu.memory_space<semaphore_mem>>)
    %dma_wait3A_163 = arith.constant 1 : i32
    %dma_wait3A_164 = arith.constant 0 : i32
    %dma_wait3A_165 = tpu.memref_slice %arg9[%dma_wait3A_163, %dma_wait3A_164] : memref<16x400xi32, #tpu.memory_space<vmem>> -> memref<1x400xi32, #tpu.memory_space<vmem>>
    %dma_wait3A_166 = tpu.memref_squeeze %dma_wait3A_165 : memref<1x400xi32, #tpu.memory_space<vmem>> -> memref<400xi32, #tpu.memory_space<vmem>>
    %dma_wait3A_167 = arith.constant 0 : i32
    %dma_wait3A_168 = arith.constant 0 : i32
    %dma_wait3A_169 = tpu.memref_slice %arg5[%dma_wait3A_167, %dma_wait3A_168] : memref<1000000x32xf32, #tpu.memory_space<hbm>> -> memref<1000000x32xf32, #tpu.memory_space<hbm>>
    tpu.wait_indirect_dma semaphore(%arg23 : memref<!tpu.dma_semaphore, #tpu.memory_space<semaphore_mem>>) src(%dma_wait3A_169 : memref<1000000x32xf32, #tpu.memory_space<hbm>>) dst(%arg18 : memref<400x32xf32, #tpu.memory_space<vmem>>)
    %dma_wait3A_170 = arith.constant 1 : i32
    %dma_wait3A_171 = arith.constant 0 : i32
    %dma_wait3A_172 = tpu.memref_slice %arg10[%dma_wait3A_170, %dma_wait3A_171] : memref<16x400xi32, #tpu.memory_space<vmem>> -> memref<1x400xi32, #tpu.memory_space<vmem>>
    %dma_wait3A_173 = tpu.memref_squeeze %dma_wait3A_172 : memref<1x400xi32, #tpu.memory_space<vmem>> -> memref<400xi32, #tpu.memory_space<vmem>>
    %dma_wait3A_174 = arith.constant 0 : i32
    %dma_wait3A_175 = arith.constant 0 : i32
    %dma_wait3A_176 = tpu.memref_slice %arg6[%dma_wait3A_174, %dma_wait3A_175] : memref<100000x32xf32, #tpu.memory_space<hbm>> -> memref<100000x32xf32, #tpu.memory_space<hbm>>
    tpu.wait_indirect_dma semaphore(%arg23 : memref<!tpu.dma_semaphore, #tpu.memory_space<semaphore_mem>>) src(%dma_wait3A_176 : memref<100000x32xf32, #tpu.memory_space<hbm>>) dst(%arg19 : memref<400x32xf32, #tpu.memory_space<vmem>>)
    %dma_wait3A_177 = arith.constant 1 : i32
    %dma_wait3A_178 = arith.constant 0 : i32
    %dma_wait3A_179 = tpu.memref_slice %arg11[%dma_wait3A_177, %dma_wait3A_178] : memref<16x400xi32, #tpu.memory_space<vmem>> -> memref<1x400xi32, #tpu.memory_space<vmem>>
    %dma_wait3A_180 = tpu.memref_squeeze %dma_wait3A_179 : memref<1x400xi32, #tpu.memory_space<vmem>> -> memref<400xi32, #tpu.memory_space<vmem>>
    %dma_wait3A_181 = arith.constant 0 : i32
    %dma_wait3A_182 = arith.constant 0 : i32
    %dma_wait3A_183 = tpu.memref_slice %arg7[%dma_wait3A_181, %dma_wait3A_182] : memref<1000x32xf32, #tpu.memory_space<hbm>> -> memref<1000x32xf32, #tpu.memory_space<hbm>>
    tpu.wait_indirect_dma semaphore(%arg23 : memref<!tpu.dma_semaphore, #tpu.memory_space<semaphore_mem>>) src(%dma_wait3A_183 : memref<1000x32xf32, #tpu.memory_space<hbm>>) dst(%arg20 : memref<400x32xf32, #tpu.memory_space<vmem>>)
    %dma_start3A_184 = arith.constant 1 : i32
    %dma_start3A_185 = arith.constant 0 : i32
    %dma_start3A_186 = tpu.memref_slice %arg12[%dma_start3A_184, %dma_start3A_185] : memref<16x400xi32, #tpu.memory_space<vmem>> -> memref<1x400xi32, #tpu.memory_space<vmem>>
    %dma_start3A_187 = tpu.memref_squeeze %dma_start3A_186 : memref<1x400xi32, #tpu.memory_space<vmem>> -> memref<400xi32, #tpu.memory_space<vmem>>
    %dma_start3A_188 = arith.constant 0 : i32
    %dma_start3A_189 = arith.constant 0 : i32
    %dma_start3A_190 = tpu.memref_slice %arg8[%dma_start3A_188, %dma_start3A_189] : memref<614400x32xf32, #tpu.memory_space<hbm>> -> memref<614400x32xf32, #tpu.memory_space<hbm>>
    tpu.enqueue_indirect_dma source(%arg18 : memref<400x32xf32, #tpu.memory_space<vmem>>) target(%dma_start3A_190 : memref<614400x32xf32, #tpu.memory_space<hbm>>) offsets(%dma_start3A_187 : memref<400xi32, #tpu.memory_space<vmem>>) semaphore(%arg25 : memref<!tpu.dma_semaphore, #tpu.memory_space<semaphore_mem>>)
    %dma_start3A_191 = arith.constant 1 : i32
    %dma_start3A_192 = arith.constant 0 : i32
    %dma_start3A_193 = tpu.memref_slice %arg13[%dma_start3A_191, %dma_start3A_192] : memref<16x400xi32, #tpu.memory_space<vmem>> -> memref<1x400xi32, #tpu.memory_space<vmem>>
    %dma_start3A_194 = tpu.memref_squeeze %dma_start3A_193 : memref<1x400xi32, #tpu.memory_space<vmem>> -> memref<400xi32, #tpu.memory_space<vmem>>
    %dma_start3A_195 = arith.constant 0 : i32
    %dma_start3A_196 = arith.constant 0 : i32
    %dma_start3A_197 = tpu.memref_slice %arg8[%dma_start3A_195, %dma_start3A_196] : memref<614400x32xf32, #tpu.memory_space<hbm>> -> memref<614400x32xf32, #tpu.memory_space<hbm>>
    tpu.enqueue_indirect_dma source(%arg19 : memref<400x32xf32, #tpu.memory_space<vmem>>) target(%dma_start3A_197 : memref<614400x32xf32, #tpu.memory_space<hbm>>) offsets(%dma_start3A_194 : memref<400xi32, #tpu.memory_space<vmem>>) semaphore(%arg25 : memref<!tpu.dma_semaphore, #tpu.memory_space<semaphore_mem>>)
    %dma_start3A_198 = arith.constant 1 : i32
    %dma_start3A_199 = arith.constant 0 : i32
    %dma_start3A_200 = tpu.memref_slice %arg14[%dma_start3A_198, %dma_start3A_199] : memref<16x400xi32, #tpu.memory_space<vmem>> -> memref<1x400xi32, #tpu.memory_space<vmem>>
    %dma_start3A_201 = tpu.memref_squeeze %dma_start3A_200 : memref<1x400xi32, #tpu.memory_space<vmem>> -> memref<400xi32, #tpu.memory_space<vmem>>
    %dma_start3A_202 = arith.constant 0 : i32
    %dma_start3A_203 = arith.constant 0 : i32
    %dma_start3A_204 = tpu.memref_slice %arg8[%dma_start3A_202, %dma_start3A_203] : memref<614400x32xf32, #tpu.memory_space<hbm>> -> memref<614400x32xf32, #tpu.memory_space<hbm>>
    tpu.enqueue_indirect_dma source(%arg20 : memref<400x32xf32, #tpu.memory_space<vmem>>) target(%dma_start3A_204 : memref<614400x32xf32, #tpu.memory_space<hbm>>) offsets(%dma_start3A_201 : memref<400xi32, #tpu.memory_space<vmem>>) semaphore(%arg25 : memref<!tpu.dma_semaphore, #tpu.memory_space<semaphore_mem>>)
    %dma_wait3A_205 = arith.constant 1 : i32
    %dma_wait3A_206 = arith.constant 0 : i32
    %dma_wait3A_207 = tpu.memref_slice %arg12[%dma_wait3A_205, %dma_wait3A_206] : memref<16x400xi32, #tpu.memory_space<vmem>> -> memref<1x400xi32, #tpu.memory_space<vmem>>
    %dma_wait3A_208 = tpu.memref_squeeze %dma_wait3A_207 : memref<1x400xi32, #tpu.memory_space<vmem>> -> memref<400xi32, #tpu.memory_space<vmem>>
    %dma_wait3A_209 = arith.constant 0 : i32
    %dma_wait3A_210 = arith.constant 0 : i32
    %dma_wait3A_211 = tpu.memref_slice %arg8[%dma_wait3A_209, %dma_wait3A_210] : memref<614400x32xf32, #tpu.memory_space<hbm>> -> memref<614400x32xf32, #tpu.memory_space<hbm>>
    tpu.wait_indirect_dma semaphore(%arg25 : memref<!tpu.dma_semaphore, #tpu.memory_space<semaphore_mem>>) src(%arg18 : memref<400x32xf32, #tpu.memory_space<vmem>>) dst(%dma_wait3A_211 : memref<614400x32xf32, #tpu.memory_space<hbm>>)
    %dma_wait3A_212 = arith.constant 1 : i32
    %dma_wait3A_213 = arith.constant 0 : i32
    %dma_wait3A_214 = tpu.memref_slice %arg13[%dma_wait3A_212, %dma_wait3A_213] : memref<16x400xi32, #tpu.memory_space<vmem>> -> memref<1x400xi32, #tpu.memory_space<vmem>>
    %dma_wait3A_215 = tpu.memref_squeeze %dma_wait3A_214 : memref<1x400xi32, #tpu.memory_space<vmem>> -> memref<400xi32, #tpu.memory_space<vmem>>
    %dma_wait3A_216 = arith.constant 0 : i32
    %dma_wait3A_217 = arith.constant 0 : i32
    %dma_wait3A_218 = tpu.memref_slice %arg8[%dma_wait3A_216, %dma_wait3A_217] : memref<614400x32xf32, #tpu.memory_space<hbm>> -> memref<614400x32xf32, #tpu.memory_space<hbm>>
    tpu.wait_indirect_dma semaphore(%arg25 : memref<!tpu.dma_semaphore, #tpu.memory_space<semaphore_mem>>) src(%arg19 : memref<400x32xf32, #tpu.memory_space<vmem>>) dst(%dma_wait3A_218 : memref<614400x32xf32, #tpu.memory_space<hbm>>)
    %dma_wait3A_219 = arith.constant 1 : i32
    %dma_wait3A_220 = arith.constant 0 : i32
    %dma_wait3A_221 = tpu.memref_slice %arg14[%dma_wait3A_219, %dma_wait3A_220] : memref<16x400xi32, #tpu.memory_space<vmem>> -> memref<1x400xi32, #tpu.memory_space<vmem>>
    %dma_wait3A_222 = tpu.memref_squeeze %dma_wait3A_221 : memref<1x400xi32, #tpu.memory_space<vmem>> -> memref<400xi32, #tpu.memory_space<vmem>>
    %dma_wait3A_223 = arith.constant 0 : i32
    %dma_wait3A_224 = arith.constant 0 : i32
    %dma_wait3A_225 = tpu.memref_slice %arg8[%dma_wait3A_223, %dma_wait3A_224] : memref<614400x32xf32, #tpu.memory_space<hbm>> -> memref<614400x32xf32, #tpu.memory_space<hbm>>
    tpu.wait_indirect_dma semaphore(%arg25 : memref<!tpu.dma_semaphore, #tpu.memory_space<semaphore_mem>>) src(%arg20 : memref<400x32xf32, #tpu.memory_space<vmem>>) dst(%dma_wait3A_225 : memref<614400x32xf32, #tpu.memory_space<hbm>>)
    %dma_start3A_226 = arith.constant 3 : i32
    %dma_start3A_227 = arith.constant 0 : i32
    %dma_start3A_228 = tpu.memref_slice %arg9[%dma_start3A_226, %dma_start3A_227] : memref<16x400xi32, #tpu.memory_space<vmem>> -> memref<1x400xi32, #tpu.memory_space<vmem>>
    %dma_start3A_229 = tpu.memref_squeeze %dma_start3A_228 : memref<1x400xi32, #tpu.memory_space<vmem>> -> memref<400xi32, #tpu.memory_space<vmem>>
    %dma_start3A_230 = arith.constant 0 : i32
    %dma_start3A_231 = arith.constant 0 : i32
    %dma_start3A_232 = tpu.memref_slice %arg5[%dma_start3A_230, %dma_start3A_231] : memref<1000000x32xf32, #tpu.memory_space<hbm>> -> memref<1000000x32xf32, #tpu.memory_space<hbm>>
    tpu.enqueue_indirect_dma source(%dma_start3A_232 : memref<1000000x32xf32, #tpu.memory_space<hbm>>) target(%arg18 : memref<400x32xf32, #tpu.memory_space<vmem>>) offsets(%dma_start3A_229 : memref<400xi32, #tpu.memory_space<vmem>>) semaphore(%arg23 : memref<!tpu.dma_semaphore, #tpu.memory_space<semaphore_mem>>)
    %dma_start3A_233 = arith.constant 3 : i32
    %dma_start3A_234 = arith.constant 0 : i32
    %dma_start3A_235 = tpu.memref_slice %arg10[%dma_start3A_233, %dma_start3A_234] : memref<16x400xi32, #tpu.memory_space<vmem>> -> memref<1x400xi32, #tpu.memory_space<vmem>>
    %dma_start3A_236 = tpu.memref_squeeze %dma_start3A_235 : memref<1x400xi32, #tpu.memory_space<vmem>> -> memref<400xi32, #tpu.memory_space<vmem>>
    %dma_start3A_237 = arith.constant 0 : i32
    %dma_start3A_238 = arith.constant 0 : i32
    %dma_start3A_239 = tpu.memref_slice %arg6[%dma_start3A_237, %dma_start3A_238] : memref<100000x32xf32, #tpu.memory_space<hbm>> -> memref<100000x32xf32, #tpu.memory_space<hbm>>
    tpu.enqueue_indirect_dma source(%dma_start3A_239 : memref<100000x32xf32, #tpu.memory_space<hbm>>) target(%arg19 : memref<400x32xf32, #tpu.memory_space<vmem>>) offsets(%dma_start3A_236 : memref<400xi32, #tpu.memory_space<vmem>>) semaphore(%arg23 : memref<!tpu.dma_semaphore, #tpu.memory_space<semaphore_mem>>)
    %dma_start3A_240 = arith.constant 3 : i32
    %dma_start3A_241 = arith.constant 0 : i32
    %dma_start3A_242 = tpu.memref_slice %arg11[%dma_start3A_240, %dma_start3A_241] : memref<16x400xi32, #tpu.memory_space<vmem>> -> memref<1x400xi32, #tpu.memory_space<vmem>>
    %dma_start3A_243 = tpu.memref_squeeze %dma_start3A_242 : memref<1x400xi32, #tpu.memory_space<vmem>> -> memref<400xi32, #tpu.memory_space<vmem>>
    %dma_start3A_244 = arith.constant 0 : i32
    %dma_start3A_245 = arith.constant 0 : i32
    %dma_start3A_246 = tpu.memref_slice %arg7[%dma_start3A_244, %dma_start3A_245] : memref<1000x32xf32, #tpu.memory_space<hbm>> -> memref<1000x32xf32, #tpu.memory_space<hbm>>
    tpu.enqueue_indirect_dma source(%dma_start3A_246 : memref<1000x32xf32, #tpu.memory_space<hbm>>) target(%arg20 : memref<400x32xf32, #tpu.memory_space<vmem>>) offsets(%dma_start3A_243 : memref<400xi32, #tpu.memory_space<vmem>>) semaphore(%arg23 : memref<!tpu.dma_semaphore, #tpu.memory_space<semaphore_mem>>)
    %dma_wait3A_247 = arith.constant 2 : i32
    %dma_wait3A_248 = arith.constant 0 : i32
    %dma_wait3A_249 = tpu.memref_slice %arg9[%dma_wait3A_247, %dma_wait3A_248] : memref<16x400xi32, #tpu.memory_space<vmem>> -> memref<1x400xi32, #tpu.memory_space<vmem>>
    %dma_wait3A_250 = tpu.memref_squeeze %dma_wait3A_249 : memref<1x400xi32, #tpu.memory_space<vmem>> -> memref<400xi32, #tpu.memory_space<vmem>>
    %dma_wait3A_251 = arith.constant 0 : i32
    %dma_wait3A_252 = arith.constant 0 : i32
    %dma_wait3A_253 = tpu.memref_slice %arg5[%dma_wait3A_251, %dma_wait3A_252] : memref<1000000x32xf32, #tpu.memory_space<hbm>> -> memref<1000000x32xf32, #tpu.memory_space<hbm>>
    tpu.wait_indirect_dma semaphore(%arg22 : memref<!tpu.dma_semaphore, #tpu.memory_space<semaphore_mem>>) src(%dma_wait3A_253 : memref<1000000x32xf32, #tpu.memory_space<hbm>>) dst(%arg15 : memref<400x32xf32, #tpu.memory_space<vmem>>)
    %dma_wait3A_254 = arith.constant 2 : i32
    %dma_wait3A_255 = arith.constant 0 : i32
    %dma_wait3A_256 = tpu.memref_slice %arg10[%dma_wait3A_254, %dma_wait3A_255] : memref<16x400xi32, #tpu.memory_space<vmem>> -> memref<1x400xi32, #tpu.memory_space<vmem>>
    %dma_wait3A_257 = tpu.memref_squeeze %dma_wait3A_256 : memref<1x400xi32, #tpu.memory_space<vmem>> -> memref<400xi32, #tpu.memory_space<vmem>>
    %dma_wait3A_258 = arith.constant 0 : i32
    %dma_wait3A_259 = arith.constant 0 : i32
    %dma_wait3A_260 = tpu.memref_slice %arg6[%dma_wait3A_258, %dma_wait3A_259] : memref<100000x32xf32, #tpu.memory_space<hbm>> -> memref<100000x32xf32, #tpu.memory_space<hbm>>
    tpu.wait_indirect_dma semaphore(%arg22 : memref<!tpu.dma_semaphore, #tpu.memory_space<semaphore_mem>>) src(%dma_wait3A_260 : memref<100000x32xf32, #tpu.memory_space<hbm>>) dst(%arg16 : memref<400x32xf32, #tpu.memory_space<vmem>>)
    %dma_wait3A_261 = arith.constant 2 : i32
    %dma_wait3A_262 = arith.constant 0 : i32
    %dma_wait3A_263 = tpu.memref_slice %arg11[%dma_wait3A_261, %dma_wait3A_262] : memref<16x400xi32, #tpu.memory_space<vmem>> -> memref<1x400xi32, #tpu.memory_space<vmem>>
    %dma_wait3A_264 = tpu.memref_squeeze %dma_wait3A_263 : memref<1x400xi32, #tpu.memory_space<vmem>> -> memref<400xi32, #tpu.memory_space<vmem>>
    %dma_wait3A_265 = arith.constant 0 : i32
    %dma_wait3A_266 = arith.constant 0 : i32
    %dma_wait3A_267 = tpu.memref_slice %arg7[%dma_wait3A_265, %dma_wait3A_266] : memref<1000x32xf32, #tpu.memory_space<hbm>> -> memref<1000x32xf32, #tpu.memory_space<hbm>>
    tpu.wait_indirect_dma semaphore(%arg22 : memref<!tpu.dma_semaphore, #tpu.memory_space<semaphore_mem>>) src(%dma_wait3A_267 : memref<1000x32xf32, #tpu.memory_space<hbm>>) dst(%arg17 : memref<400x32xf32, #tpu.memory_space<vmem>>)
    %dma_start3A_268 = arith.constant 2 : i32
    %dma_start3A_269 = arith.constant 0 : i32
    %dma_start3A_270 = tpu.memref_slice %arg12[%dma_start3A_268, %dma_start3A_269] : memref<16x400xi32, #tpu.memory_space<vmem>> -> memref<1x400xi32, #tpu.memory_space<vmem>>
    %dma_start3A_271 = tpu.memref_squeeze %dma_start3A_270 : memref<1x400xi32, #tpu.memory_space<vmem>> -> memref<400xi32, #tpu.memory_space<vmem>>
    %dma_start3A_272 = arith.constant 0 : i32
    %dma_start3A_273 = arith.constant 0 : i32
    %dma_start3A_274 = tpu.memref_slice %arg8[%dma_start3A_272, %dma_start3A_273] : memref<614400x32xf32, #tpu.memory_space<hbm>> -> memref<614400x32xf32, #tpu.memory_space<hbm>>
    tpu.enqueue_indirect_dma source(%arg15 : memref<400x32xf32, #tpu.memory_space<vmem>>) target(%dma_start3A_274 : memref<614400x32xf32, #tpu.memory_space<hbm>>) offsets(%dma_start3A_271 : memref<400xi32, #tpu.memory_space<vmem>>) semaphore(%arg24 : memref<!tpu.dma_semaphore, #tpu.memory_space<semaphore_mem>>)
    %dma_start3A_275 = arith.constant 2 : i32
    %dma_start3A_276 = arith.constant 0 : i32
    %dma_start3A_277 = tpu.memref_slice %arg13[%dma_start3A_275, %dma_start3A_276] : memref<16x400xi32, #tpu.memory_space<vmem>> -> memref<1x400xi32, #tpu.memory_space<vmem>>
    %dma_start3A_278 = tpu.memref_squeeze %dma_start3A_277 : memref<1x400xi32, #tpu.memory_space<vmem>> -> memref<400xi32, #tpu.memory_space<vmem>>
    %dma_start3A_279 = arith.constant 0 : i32
    %dma_start3A_280 = arith.constant 0 : i32
    %dma_start3A_281 = tpu.memref_slice %arg8[%dma_start3A_279, %dma_start3A_280] : memref<614400x32xf32, #tpu.memory_space<hbm>> -> memref<614400x32xf32, #tpu.memory_space<hbm>>
    tpu.enqueue_indirect_dma source(%arg16 : memref<400x32xf32, #tpu.memory_space<vmem>>) target(%dma_start3A_281 : memref<614400x32xf32, #tpu.memory_space<hbm>>) offsets(%dma_start3A_278 : memref<400xi32, #tpu.memory_space<vmem>>) semaphore(%arg24 : memref<!tpu.dma_semaphore, #tpu.memory_space<semaphore_mem>>)
    %dma_start3A_282 = arith.constant 2 : i32
    %dma_start3A_283 = arith.constant 0 : i32
    %dma_start3A_284 = tpu.memref_slice %arg14[%dma_start3A_282, %dma_start3A_283] : memref<16x400xi32, #tpu.memory_space<vmem>> -> memref<1x400xi32, #tpu.memory_space<vmem>>
    %dma_start3A_285 = tpu.memref_squeeze %dma_start3A_284 : memref<1x400xi32, #tpu.memory_space<vmem>> -> memref<400xi32, #tpu.memory_space<vmem>>
    %dma_start3A_286 = arith.constant 0 : i32
    %dma_start3A_287 = arith.constant 0 : i32
    %dma_start3A_288 = tpu.memref_slice %arg8[%dma_start3A_286, %dma_start3A_287] : memref<614400x32xf32, #tpu.memory_space<hbm>> -> memref<614400x32xf32, #tpu.memory_space<hbm>>
    tpu.enqueue_indirect_dma source(%arg17 : memref<400x32xf32, #tpu.memory_space<vmem>>) target(%dma_start3A_288 : memref<614400x32xf32, #tpu.memory_space<hbm>>) offsets(%dma_start3A_285 : memref<400xi32, #tpu.memory_space<vmem>>) semaphore(%arg24 : memref<!tpu.dma_semaphore, #tpu.memory_space<semaphore_mem>>)
    %dma_wait3A_289 = arith.constant 2 : i32
    %dma_wait3A_290 = arith.constant 0 : i32
    %dma_wait3A_291 = tpu.memref_slice %arg12[%dma_wait3A_289, %dma_wait3A_290] : memref<16x400xi32, #tpu.memory_space<vmem>> -> memref<1x400xi32, #tpu.memory_space<vmem>>
    %dma_wait3A_292 = tpu.memref_squeeze %dma_wait3A_291 : memref<1x400xi32, #tpu.memory_space<vmem>> -> memref<400xi32, #tpu.memory_space<vmem>>
    %dma_wait3A_293 = arith.constant 0 : i32
    %dma_wait3A_294 = arith.constant 0 : i32
    %dma_wait3A_295 = tpu.memref_slice %arg8[%dma_wait3A_293, %dma_wait3A_294] : memref<614400x32xf32, #tpu.memory_space<hbm>> -> memref<614400x32xf32, #tpu.memory_space<hbm>>
    tpu.wait_indirect_dma semaphore(%arg24 : memref<!tpu.dma_semaphore, #tpu.memory_space<semaphore_mem>>) src(%arg15 : memref<400x32xf32, #tpu.memory_space<vmem>>) dst(%dma_wait3A_295 : memref<614400x32xf32, #tpu.memory_space<hbm>>)
    %dma_wait3A_296 = arith.constant 2 : i32
    %dma_wait3A_297 = arith.constant 0 : i32
    %dma_wait3A_298 = tpu.memref_slice %arg13[%dma_wait3A_296, %dma_wait3A_297] : memref<16x400xi32, #tpu.memory_space<vmem>> -> memref<1x400xi32, #tpu.memory_space<vmem>>
    %dma_wait3A_299 = tpu.memref_squeeze %dma_wait3A_298 : memref<1x400xi32, #tpu.memory_space<vmem>> -> memref<400xi32, #tpu.memory_space<vmem>>
    %dma_wait3A_300 = arith.constant 0 : i32
    %dma_wait3A_301 = arith.constant 0 : i32
    %dma_wait3A_302 = tpu.memref_slice %arg8[%dma_wait3A_300, %dma_wait3A_301] : memref<614400x32xf32, #tpu.memory_space<hbm>> -> memref<614400x32xf32, #tpu.memory_space<hbm>>
    tpu.wait_indirect_dma semaphore(%arg24 : memref<!tpu.dma_semaphore, #tpu.memory_space<semaphore_mem>>) src(%arg16 : memref<400x32xf32, #tpu.memory_space<vmem>>) dst(%dma_wait3A_302 : memref<614400x32xf32, #tpu.memory_space<hbm>>)
    %dma_wait3A_303 = arith.constant 2 : i32
    %dma_wait3A_304 = arith.constant 0 : i32
    %dma_wait3A_305 = tpu.memref_slice %arg14[%dma_wait3A_303, %dma_wait3A_304] : memref<16x400xi32, #tpu.memory_space<vmem>> -> memref<1x400xi32, #tpu.memory_space<vmem>>
    %dma_wait3A_306 = tpu.memref_squeeze %dma_wait3A_305 : memref<1x400xi32, #tpu.memory_space<vmem>> -> memref<400xi32, #tpu.memory_space<vmem>>
    %dma_wait3A_307 = arith.constant 0 : i32
    %dma_wait3A_308 = arith.constant 0 : i32
    %dma_wait3A_309 = tpu.memref_slice %arg8[%dma_wait3A_307, %dma_wait3A_308] : memref<614400x32xf32, #tpu.memory_space<hbm>> -> memref<614400x32xf32, #tpu.memory_space<hbm>>
    tpu.wait_indirect_dma semaphore(%arg24 : memref<!tpu.dma_semaphore, #tpu.memory_space<semaphore_mem>>) src(%arg17 : memref<400x32xf32, #tpu.memory_space<vmem>>) dst(%dma_wait3A_309 : memref<614400x32xf32, #tpu.memory_space<hbm>>)
    %dma_start3A_310 = arith.constant 4 : i32
    %dma_start3A_311 = arith.constant 0 : i32
    %dma_start3A_312 = tpu.memref_slice %arg9[%dma_start3A_310, %dma_start3A_311] : memref<16x400xi32, #tpu.memory_space<vmem>> -> memref<1x400xi32, #tpu.memory_space<vmem>>
    %dma_start3A_313 = tpu.memref_squeeze %dma_start3A_312 : memref<1x400xi32, #tpu.memory_space<vmem>> -> memref<400xi32, #tpu.memory_space<vmem>>
    %dma_start3A_314 = arith.constant 0 : i32
    %dma_start3A_315 = arith.constant 0 : i32
    %dma_start3A_316 = tpu.memref_slice %arg5[%dma_start3A_314, %dma_start3A_315] : memref<1000000x32xf32, #tpu.memory_space<hbm>> -> memref<1000000x32xf32, #tpu.memory_space<hbm>>
    tpu.enqueue_indirect_dma source(%dma_start3A_316 : memref<1000000x32xf32, #tpu.memory_space<hbm>>) target(%arg15 : memref<400x32xf32, #tpu.memory_space<vmem>>) offsets(%dma_start3A_313 : memref<400xi32, #tpu.memory_space<vmem>>) semaphore(%arg22 : memref<!tpu.dma_semaphore, #tpu.memory_space<semaphore_mem>>)
    %dma_start3A_317 = arith.constant 4 : i32
    %dma_start3A_318 = arith.constant 0 : i32
    %dma_start3A_319 = tpu.memref_slice %arg10[%dma_start3A_317, %dma_start3A_318] : memref<16x400xi32, #tpu.memory_space<vmem>> -> memref<1x400xi32, #tpu.memory_space<vmem>>
    %dma_start3A_320 = tpu.memref_squeeze %dma_start3A_319 : memref<1x400xi32, #tpu.memory_space<vmem>> -> memref<400xi32, #tpu.memory_space<vmem>>
    %dma_start3A_321 = arith.constant 0 : i32
    %dma_start3A_322 = arith.constant 0 : i32
    %dma_start3A_323 = tpu.memref_slice %arg6[%dma_start3A_321, %dma_start3A_322] : memref<100000x32xf32, #tpu.memory_space<hbm>> -> memref<100000x32xf32, #tpu.memory_space<hbm>>
    tpu.enqueue_indirect_dma source(%dma_start3A_323 : memref<100000x32xf32, #tpu.memory_space<hbm>>) target(%arg16 : memref<400x32xf32, #tpu.memory_space<vmem>>) offsets(%dma_start3A_320 : memref<400xi32, #tpu.memory_space<vmem>>) semaphore(%arg22 : memref<!tpu.dma_semaphore, #tpu.memory_space<semaphore_mem>>)
    %dma_start3A_324 = arith.constant 4 : i32
    %dma_start3A_325 = arith.constant 0 : i32
    %dma_start3A_326 = tpu.memref_slice %arg11[%dma_start3A_324, %dma_start3A_325] : memref<16x400xi32, #tpu.memory_space<vmem>> -> memref<1x400xi32, #tpu.memory_space<vmem>>
    %dma_start3A_327 = tpu.memref_squeeze %dma_start3A_326 : memref<1x400xi32, #tpu.memory_space<vmem>> -> memref<400xi32, #tpu.memory_space<vmem>>
    %dma_start3A_328 = arith.constant 0 : i32
    %dma_start3A_329 = arith.constant 0 : i32
    %dma_start3A_330 = tpu.memref_slice %arg7[%dma_start3A_328, %dma_start3A_329] : memref<1000x32xf32, #tpu.memory_space<hbm>> -> memref<1000x32xf32, #tpu.memory_space<hbm>>
    tpu.enqueue_indirect_dma source(%dma_start3A_330 : memref<1000x32xf32, #tpu.memory_space<hbm>>) target(%arg17 : memref<400x32xf32, #tpu.memory_space<vmem>>) offsets(%dma_start3A_327 : memref<400xi32, #tpu.memory_space<vmem>>) semaphore(%arg22 : memref<!tpu.dma_semaphore, #tpu.memory_space<semaphore_mem>>)
    %dma_wait3A_331 = arith.constant 3 : i32
    %dma_wait3A_332 = arith.constant 0 : i32
    %dma_wait3A_333 = tpu.memref_slice %arg9[%dma_wait3A_331, %dma_wait3A_332] : memref<16x400xi32, #tpu.memory_space<vmem>> -> memref<1x400xi32, #tpu.memory_space<vmem>>
    %dma_wait3A_334 = tpu.memref_squeeze %dma_wait3A_333 : memref<1x400xi32, #tpu.memory_space<vmem>> -> memref<400xi32, #tpu.memory_space<vmem>>
    %dma_wait3A_335 = arith.constant 0 : i32
    %dma_wait3A_336 = arith.constant 0 : i32
    %dma_wait3A_337 = tpu.memref_slice %arg5[%dma_wait3A_335, %dma_wait3A_336] : memref<1000000x32xf32, #tpu.memory_space<hbm>> -> memref<1000000x32xf32, #tpu.memory_space<hbm>>
    tpu.wait_indirect_dma semaphore(%arg23 : memref<!tpu.dma_semaphore, #tpu.memory_space<semaphore_mem>>) src(%dma_wait3A_337 : memref<1000000x32xf32, #tpu.memory_space<hbm>>) dst(%arg18 : memref<400x32xf32, #tpu.memory_space<vmem>>)
    %dma_wait3A_338 = arith.constant 3 : i32
    %dma_wait3A_339 = arith.constant 0 : i32
    %dma_wait3A_340 = tpu.memref_slice %arg10[%dma_wait3A_338, %dma_wait3A_339] : memref<16x400xi32, #tpu.memory_space<vmem>> -> memref<1x400xi32, #tpu.memory_space<vmem>>
    %dma_wait3A_341 = tpu.memref_squeeze %dma_wait3A_340 : memref<1x400xi32, #tpu.memory_space<vmem>> -> memref<400xi32, #tpu.memory_space<vmem>>
    %dma_wait3A_342 = arith.constant 0 : i32
    %dma_wait3A_343 = arith.constant 0 : i32
    %dma_wait3A_344 = tpu.memref_slice %arg6[%dma_wait3A_342, %dma_wait3A_343] : memref<100000x32xf32, #tpu.memory_space<hbm>> -> memref<100000x32xf32, #tpu.memory_space<hbm>>
    tpu.wait_indirect_dma semaphore(%arg23 : memref<!tpu.dma_semaphore, #tpu.memory_space<semaphore_mem>>) src(%dma_wait3A_344 : memref<100000x32xf32, #tpu.memory_space<hbm>>) dst(%arg19 : memref<400x32xf32, #tpu.memory_space<vmem>>)
    %dma_wait3A_345 = arith.constant 3 : i32
    %dma_wait3A_346 = arith.constant 0 : i32
    %dma_wait3A_347 = tpu.memref_slice %arg11[%dma_wait3A_345, %dma_wait3A_346] : memref<16x400xi32, #tpu.memory_space<vmem>> -> memref<1x400xi32, #tpu.memory_space<vmem>>
    %dma_wait3A_348 = tpu.memref_squeeze %dma_wait3A_347 : memref<1x400xi32, #tpu.memory_space<vmem>> -> memref<400xi32, #tpu.memory_space<vmem>>
    %dma_wait3A_349 = arith.constant 0 : i32
    %dma_wait3A_350 = arith.constant 0 : i32
    %dma_wait3A_351 = tpu.memref_slice %arg7[%dma_wait3A_349, %dma_wait3A_350] : memref<1000x32xf32, #tpu.memory_space<hbm>> -> memref<1000x32xf32, #tpu.memory_space<hbm>>
    tpu.wait_indirect_dma semaphore(%arg23 : memref<!tpu.dma_semaphore, #tpu.memory_space<semaphore_mem>>) src(%dma_wait3A_351 : memref<1000x32xf32, #tpu.memory_space<hbm>>) dst(%arg20 : memref<400x32xf32, #tpu.memory_space<vmem>>)
    %dma_start3A_352 = arith.constant 3 : i32
    %dma_start3A_353 = arith.constant 0 : i32
    %dma_start3A_354 = tpu.memref_slice %arg12[%dma_start3A_352, %dma_start3A_353] : memref<16x400xi32, #tpu.memory_space<vmem>> -> memref<1x400xi32, #tpu.memory_space<vmem>>
    %dma_start3A_355 = tpu.memref_squeeze %dma_start3A_354 : memref<1x400xi32, #tpu.memory_space<vmem>> -> memref<400xi32, #tpu.memory_space<vmem>>
    %dma_start3A_356 = arith.constant 0 : i32
    %dma_start3A_357 = arith.constant 0 : i32
    %dma_start3A_358 = tpu.memref_slice %arg8[%dma_start3A_356, %dma_start3A_357] : memref<614400x32xf32, #tpu.memory_space<hbm>> -> memref<614400x32xf32, #tpu.memory_space<hbm>>
    tpu.enqueue_indirect_dma source(%arg18 : memref<400x32xf32, #tpu.memory_space<vmem>>) target(%dma_start3A_358 : memref<614400x32xf32, #tpu.memory_space<hbm>>) offsets(%dma_start3A_355 : memref<400xi32, #tpu.memory_space<vmem>>) semaphore(%arg25 : memref<!tpu.dma_semaphore, #tpu.memory_space<semaphore_mem>>)
    %dma_start3A_359 = arith.constant 3 : i32
    %dma_start3A_360 = arith.constant 0 : i32
    %dma_start3A_361 = tpu.memref_slice %arg13[%dma_start3A_359, %dma_start3A_360] : memref<16x400xi32, #tpu.memory_space<vmem>> -> memref<1x400xi32, #tpu.memory_space<vmem>>
    %dma_start3A_362 = tpu.memref_squeeze %dma_start3A_361 : memref<1x400xi32, #tpu.memory_space<vmem>> -> memref<400xi32, #tpu.memory_space<vmem>>
    %dma_start3A_363 = arith.constant 0 : i32
    %dma_start3A_364 = arith.constant 0 : i32
    %dma_start3A_365 = tpu.memref_slice %arg8[%dma_start3A_363, %dma_start3A_364] : memref<614400x32xf32, #tpu.memory_space<hbm>> -> memref<614400x32xf32, #tpu.memory_space<hbm>>
    tpu.enqueue_indirect_dma source(%arg19 : memref<400x32xf32, #tpu.memory_space<vmem>>) target(%dma_start3A_365 : memref<614400x32xf32, #tpu.memory_space<hbm>>) offsets(%dma_start3A_362 : memref<400xi32, #tpu.memory_space<vmem>>) semaphore(%arg25 : memref<!tpu.dma_semaphore, #tpu.memory_space<semaphore_mem>>)
    %dma_start3A_366 = arith.constant 3 : i32
    %dma_start3A_367 = arith.constant 0 : i32
    %dma_start3A_368 = tpu.memref_slice %arg14[%dma_start3A_366, %dma_start3A_367] : memref<16x400xi32, #tpu.memory_space<vmem>> -> memref<1x400xi32, #tpu.memory_space<vmem>>
    %dma_start3A_369 = tpu.memref_squeeze %dma_start3A_368 : memref<1x400xi32, #tpu.memory_space<vmem>> -> memref<400xi32, #tpu.memory_space<vmem>>
    %dma_start3A_370 = arith.constant 0 : i32
    %dma_start3A_371 = arith.constant 0 : i32
    %dma_start3A_372 = tpu.memref_slice %arg8[%dma_start3A_370, %dma_start3A_371] : memref<614400x32xf32, #tpu.memory_space<hbm>> -> memref<614400x32xf32, #tpu.memory_space<hbm>>
    tpu.enqueue_indirect_dma source(%arg20 : memref<400x32xf32, #tpu.memory_space<vmem>>) target(%dma_start3A_372 : memref<614400x32xf32, #tpu.memory_space<hbm>>) offsets(%dma_start3A_369 : memref<400xi32, #tpu.memory_space<vmem>>) semaphore(%arg25 : memref<!tpu.dma_semaphore, #tpu.memory_space<semaphore_mem>>)
    %dma_wait3A_373 = arith.constant 3 : i32
    %dma_wait3A_374 = arith.constant 0 : i32
    %dma_wait3A_375 = tpu.memref_slice %arg12[%dma_wait3A_373, %dma_wait3A_374] : memref<16x400xi32, #tpu.memory_space<vmem>> -> memref<1x400xi32, #tpu.memory_space<vmem>>
    %dma_wait3A_376 = tpu.memref_squeeze %dma_wait3A_375 : memref<1x400xi32, #tpu.memory_space<vmem>> -> memref<400xi32, #tpu.memory_space<vmem>>
    %dma_wait3A_377 = arith.constant 0 : i32
    %dma_wait3A_378 = arith.constant 0 : i32
    %dma_wait3A_379 = tpu.memref_slice %arg8[%dma_wait3A_377, %dma_wait3A_378] : memref<614400x32xf32, #tpu.memory_space<hbm>> -> memref<614400x32xf32, #tpu.memory_space<hbm>>
    tpu.wait_indirect_dma semaphore(%arg25 : memref<!tpu.dma_semaphore, #tpu.memory_space<semaphore_mem>>) src(%arg18 : memref<400x32xf32, #tpu.memory_space<vmem>>) dst(%dma_wait3A_379 : memref<614400x32xf32, #tpu.memory_space<hbm>>)
    %dma_wait3A_380 = arith.constant 3 : i32
    %dma_wait3A_381 = arith.constant 0 : i32
    %dma_wait3A_382 = tpu.memref_slice %arg13[%dma_wait3A_380, %dma_wait3A_381] : memref<16x400xi32, #tpu.memory_space<vmem>> -> memref<1x400xi32, #tpu.memory_space<vmem>>
    %dma_wait3A_383 = tpu.memref_squeeze %dma_wait3A_382 : memref<1x400xi32, #tpu.memory_space<vmem>> -> memref<400xi32, #tpu.memory_space<vmem>>
    %dma_wait3A_384 = arith.constant 0 : i32
    %dma_wait3A_385 = arith.constant 0 : i32
    %dma_wait3A_386 = tpu.memref_slice %arg8[%dma_wait3A_384, %dma_wait3A_385] : memref<614400x32xf32, #tpu.memory_space<hbm>> -> memref<614400x32xf32, #tpu.memory_space<hbm>>
    tpu.wait_indirect_dma semaphore(%arg25 : memref<!tpu.dma_semaphore, #tpu.memory_space<semaphore_mem>>) src(%arg19 : memref<400x32xf32, #tpu.memory_space<vmem>>) dst(%dma_wait3A_386 : memref<614400x32xf32, #tpu.memory_space<hbm>>)
    %dma_wait3A_387 = arith.constant 3 : i32
    %dma_wait3A_388 = arith.constant 0 : i32
    %dma_wait3A_389 = tpu.memref_slice %arg14[%dma_wait3A_387, %dma_wait3A_388] : memref<16x400xi32, #tpu.memory_space<vmem>> -> memref<1x400xi32, #tpu.memory_space<vmem>>
    %dma_wait3A_390 = tpu.memref_squeeze %dma_wait3A_389 : memref<1x400xi32, #tpu.memory_space<vmem>> -> memref<400xi32, #tpu.memory_space<vmem>>
    %dma_wait3A_391 = arith.constant 0 : i32
    %dma_wait3A_392 = arith.constant 0 : i32
    %dma_wait3A_393 = tpu.memref_slice %arg8[%dma_wait3A_391, %dma_wait3A_392] : memref<614400x32xf32, #tpu.memory_space<hbm>> -> memref<614400x32xf32, #tpu.memory_space<hbm>>
    tpu.wait_indirect_dma semaphore(%arg25 : memref<!tpu.dma_semaphore, #tpu.memory_space<semaphore_mem>>) src(%arg20 : memref<400x32xf32, #tpu.memory_space<vmem>>) dst(%dma_wait3A_393 : memref<614400x32xf32, #tpu.memory_space<hbm>>)
    %dma_start3A_394 = arith.constant 5 : i32
    %dma_start3A_395 = arith.constant 0 : i32
    %dma_start3A_396 = tpu.memref_slice %arg9[%dma_start3A_394, %dma_start3A_395] : memref<16x400xi32, #tpu.memory_space<vmem>> -> memref<1x400xi32, #tpu.memory_space<vmem>>
    %dma_start3A_397 = tpu.memref_squeeze %dma_start3A_396 : memref<1x400xi32, #tpu.memory_space<vmem>> -> memref<400xi32, #tpu.memory_space<vmem>>
    %dma_start3A_398 = arith.constant 0 : i32
    %dma_start3A_399 = arith.constant 0 : i32
    %dma_start3A_400 = tpu.memref_slice %arg5[%dma_start3A_398, %dma_start3A_399] : memref<1000000x32xf32, #tpu.memory_space<hbm>> -> memref<1000000x32xf32, #tpu.memory_space<hbm>>
    tpu.enqueue_indirect_dma source(%dma_start3A_400 : memref<1000000x32xf32, #tpu.memory_space<hbm>>) target(%arg18 : memref<400x32xf32, #tpu.memory_space<vmem>>) offsets(%dma_start3A_397 : memref<400xi32, #tpu.memory_space<vmem>>) semaphore(%arg23 : memref<!tpu.dma_semaphore, #tpu.memory_space<semaphore_mem>>)
    %dma_start3A_401 = arith.constant 5 : i32
    %dma_start3A_402 = arith.constant 0 : i32
    %dma_start3A_403 = tpu.memref_slice %arg10[%dma_start3A_401, %dma_start3A_402] : memref<16x400xi32, #tpu.memory_space<vmem>> -> memref<1x400xi32, #tpu.memory_space<vmem>>
    %dma_start3A_404 = tpu.memref_squeeze %dma_start3A_403 : memref<1x400xi32, #tpu.memory_space<vmem>> -> memref<400xi32, #tpu.memory_space<vmem>>
    %dma_start3A_405 = arith.constant 0 : i32
    %dma_start3A_406 = arith.constant 0 : i32
    %dma_start3A_407 = tpu.memref_slice %arg6[%dma_start3A_405, %dma_start3A_406] : memref<100000x32xf32, #tpu.memory_space<hbm>> -> memref<100000x32xf32, #tpu.memory_space<hbm>>
    tpu.enqueue_indirect_dma source(%dma_start3A_407 : memref<100000x32xf32, #tpu.memory_space<hbm>>) target(%arg19 : memref<400x32xf32, #tpu.memory_space<vmem>>) offsets(%dma_start3A_404 : memref<400xi32, #tpu.memory_space<vmem>>) semaphore(%arg23 : memref<!tpu.dma_semaphore, #tpu.memory_space<semaphore_mem>>)
    %dma_start3A_408 = arith.constant 5 : i32
    %dma_start3A_409 = arith.constant 0 : i32
    %dma_start3A_410 = tpu.memref_slice %arg11[%dma_start3A_408, %dma_start3A_409] : memref<16x400xi32, #tpu.memory_space<vmem>> -> memref<1x400xi32, #tpu.memory_space<vmem>>
    %dma_start3A_411 = tpu.memref_squeeze %dma_start3A_410 : memref<1x400xi32, #tpu.memory_space<vmem>> -> memref<400xi32, #tpu.memory_space<vmem>>
    %dma_start3A_412 = arith.constant 0 : i32
    %dma_start3A_413 = arith.constant 0 : i32
    %dma_start3A_414 = tpu.memref_slice %arg7[%dma_start3A_412, %dma_start3A_413] : memref<1000x32xf32, #tpu.memory_space<hbm>> -> memref<1000x32xf32, #tpu.memory_space<hbm>>
    tpu.enqueue_indirect_dma source(%dma_start3A_414 : memref<1000x32xf32, #tpu.memory_space<hbm>>) target(%arg20 : memref<400x32xf32, #tpu.memory_space<vmem>>) offsets(%dma_start3A_411 : memref<400xi32, #tpu.memory_space<vmem>>) semaphore(%arg23 : memref<!tpu.dma_semaphore, #tpu.memory_space<semaphore_mem>>)
    %dma_wait3A_415 = arith.constant 4 : i32
    %dma_wait3A_416 = arith.constant 0 : i32
    %dma_wait3A_417 = tpu.memref_slice %arg9[%dma_wait3A_415, %dma_wait3A_416] : memref<16x400xi32, #tpu.memory_space<vmem>> -> memref<1x400xi32, #tpu.memory_space<vmem>>
    %dma_wait3A_418 = tpu.memref_squeeze %dma_wait3A_417 : memref<1x400xi32, #tpu.memory_space<vmem>> -> memref<400xi32, #tpu.memory_space<vmem>>
    %dma_wait3A_419 = arith.constant 0 : i32
    %dma_wait3A_420 = arith.constant 0 : i32
    %dma_wait3A_421 = tpu.memref_slice %arg5[%dma_wait3A_419, %dma_wait3A_420] : memref<1000000x32xf32, #tpu.memory_space<hbm>> -> memref<1000000x32xf32, #tpu.memory_space<hbm>>
    tpu.wait_indirect_dma semaphore(%arg22 : memref<!tpu.dma_semaphore, #tpu.memory_space<semaphore_mem>>) src(%dma_wait3A_421 : memref<1000000x32xf32, #tpu.memory_space<hbm>>) dst(%arg15 : memref<400x32xf32, #tpu.memory_space<vmem>>)
    %dma_wait3A_422 = arith.constant 4 : i32
    %dma_wait3A_423 = arith.constant 0 : i32
    %dma_wait3A_424 = tpu.memref_slice %arg10[%dma_wait3A_422, %dma_wait3A_423] : memref<16x400xi32, #tpu.memory_space<vmem>> -> memref<1x400xi32, #tpu.memory_space<vmem>>
    %dma_wait3A_425 = tpu.memref_squeeze %dma_wait3A_424 : memref<1x400xi32, #tpu.memory_space<vmem>> -> memref<400xi32, #tpu.memory_space<vmem>>
    %dma_wait3A_426 = arith.constant 0 : i32
    %dma_wait3A_427 = arith.constant 0 : i32
    %dma_wait3A_428 = tpu.memref_slice %arg6[%dma_wait3A_426, %dma_wait3A_427] : memref<100000x32xf32, #tpu.memory_space<hbm>> -> memref<100000x32xf32, #tpu.memory_space<hbm>>
    tpu.wait_indirect_dma semaphore(%arg22 : memref<!tpu.dma_semaphore, #tpu.memory_space<semaphore_mem>>) src(%dma_wait3A_428 : memref<100000x32xf32, #tpu.memory_space<hbm>>) dst(%arg16 : memref<400x32xf32, #tpu.memory_space<vmem>>)
    %dma_wait3A_429 = arith.constant 4 : i32
    %dma_wait3A_430 = arith.constant 0 : i32
    %dma_wait3A_431 = tpu.memref_slice %arg11[%dma_wait3A_429, %dma_wait3A_430] : memref<16x400xi32, #tpu.memory_space<vmem>> -> memref<1x400xi32, #tpu.memory_space<vmem>>
    %dma_wait3A_432 = tpu.memref_squeeze %dma_wait3A_431 : memref<1x400xi32, #tpu.memory_space<vmem>> -> memref<400xi32, #tpu.memory_space<vmem>>
    %dma_wait3A_433 = arith.constant 0 : i32
    %dma_wait3A_434 = arith.constant 0 : i32
    %dma_wait3A_435 = tpu.memref_slice %arg7[%dma_wait3A_433, %dma_wait3A_434] : memref<1000x32xf32, #tpu.memory_space<hbm>> -> memref<1000x32xf32, #tpu.memory_space<hbm>>
    tpu.wait_indirect_dma semaphore(%arg22 : memref<!tpu.dma_semaphore, #tpu.memory_space<semaphore_mem>>) src(%dma_wait3A_435 : memref<1000x32xf32, #tpu.memory_space<hbm>>) dst(%arg17 : memref<400x32xf32, #tpu.memory_space<vmem>>)
    %dma_start3A_436 = arith.constant 4 : i32
    %dma_start3A_437 = arith.constant 0 : i32
    %dma_start3A_438 = tpu.memref_slice %arg12[%dma_start3A_436, %dma_start3A_437] : memref<16x400xi32, #tpu.memory_space<vmem>> -> memref<1x400xi32, #tpu.memory_space<vmem>>
    %dma_start3A_439 = tpu.memref_squeeze %dma_start3A_438 : memref<1x400xi32, #tpu.memory_space<vmem>> -> memref<400xi32, #tpu.memory_space<vmem>>
    %dma_start3A_440 = arith.constant 0 : i32
    %dma_start3A_441 = arith.constant 0 : i32
    %dma_start3A_442 = tpu.memref_slice %arg8[%dma_start3A_440, %dma_start3A_441] : memref<614400x32xf32, #tpu.memory_space<hbm>> -> memref<614400x32xf32, #tpu.memory_space<hbm>>
    tpu.enqueue_indirect_dma source(%arg15 : memref<400x32xf32, #tpu.memory_space<vmem>>) target(%dma_start3A_442 : memref<614400x32xf32, #tpu.memory_space<hbm>>) offsets(%dma_start3A_439 : memref<400xi32, #tpu.memory_space<vmem>>) semaphore(%arg24 : memref<!tpu.dma_semaphore, #tpu.memory_space<semaphore_mem>>)
    %dma_start3A_443 = arith.constant 4 : i32
    %dma_start3A_444 = arith.constant 0 : i32
    %dma_start3A_445 = tpu.memref_slice %arg13[%dma_start3A_443, %dma_start3A_444] : memref<16x400xi32, #tpu.memory_space<vmem>> -> memref<1x400xi32, #tpu.memory_space<vmem>>
    %dma_start3A_446 = tpu.memref_squeeze %dma_start3A_445 : memref<1x400xi32, #tpu.memory_space<vmem>> -> memref<400xi32, #tpu.memory_space<vmem>>
    %dma_start3A_447 = arith.constant 0 : i32
    %dma_start3A_448 = arith.constant 0 : i32
    %dma_start3A_449 = tpu.memref_slice %arg8[%dma_start3A_447, %dma_start3A_448] : memref<614400x32xf32, #tpu.memory_space<hbm>> -> memref<614400x32xf32, #tpu.memory_space<hbm>>
    tpu.enqueue_indirect_dma source(%arg16 : memref<400x32xf32, #tpu.memory_space<vmem>>) target(%dma_start3A_449 : memref<614400x32xf32, #tpu.memory_space<hbm>>) offsets(%dma_start3A_446 : memref<400xi32, #tpu.memory_space<vmem>>) semaphore(%arg24 : memref<!tpu.dma_semaphore, #tpu.memory_space<semaphore_mem>>)
    %dma_start3A_450 = arith.constant 4 : i32
    %dma_start3A_451 = arith.constant 0 : i32
    %dma_start3A_452 = tpu.memref_slice %arg14[%dma_start3A_450, %dma_start3A_451] : memref<16x400xi32, #tpu.memory_space<vmem>> -> memref<1x400xi32, #tpu.memory_space<vmem>>
    %dma_start3A_453 = tpu.memref_squeeze %dma_start3A_452 : memref<1x400xi32, #tpu.memory_space<vmem>> -> memref<400xi32, #tpu.memory_space<vmem>>
    %dma_start3A_454 = arith.constant 0 : i32
    %dma_start3A_455 = arith.constant 0 : i32
    %dma_start3A_456 = tpu.memref_slice %arg8[%dma_start3A_454, %dma_start3A_455] : memref<614400x32xf32, #tpu.memory_space<hbm>> -> memref<614400x32xf32, #tpu.memory_space<hbm>>
    tpu.enqueue_indirect_dma source(%arg17 : memref<400x32xf32, #tpu.memory_space<vmem>>) target(%dma_start3A_456 : memref<614400x32xf32, #tpu.memory_space<hbm>>) offsets(%dma_start3A_453 : memref<400xi32, #tpu.memory_space<vmem>>) semaphore(%arg24 : memref<!tpu.dma_semaphore, #tpu.memory_space<semaphore_mem>>)
    %dma_wait3A_457 = arith.constant 4 : i32
    %dma_wait3A_458 = arith.constant 0 : i32
    %dma_wait3A_459 = tpu.memref_slice %arg12[%dma_wait3A_457, %dma_wait3A_458] : memref<16x400xi32, #tpu.memory_space<vmem>> -> memref<1x400xi32, #tpu.memory_space<vmem>>
    %dma_wait3A_460 = tpu.memref_squeeze %dma_wait3A_459 : memref<1x400xi32, #tpu.memory_space<vmem>> -> memref<400xi32, #tpu.memory_space<vmem>>
    %dma_wait3A_461 = arith.constant 0 : i32
    %dma_wait3A_462 = arith.constant 0 : i32
    %dma_wait3A_463 = tpu.memref_slice %arg8[%dma_wait3A_461, %dma_wait3A_462] : memref<614400x32xf32, #tpu.memory_space<hbm>> -> memref<614400x32xf32, #tpu.memory_space<hbm>>
    tpu.wait_indirect_dma semaphore(%arg24 : memref<!tpu.dma_semaphore, #tpu.memory_space<semaphore_mem>>) src(%arg15 : memref<400x32xf32, #tpu.memory_space<vmem>>) dst(%dma_wait3A_463 : memref<614400x32xf32, #tpu.memory_space<hbm>>)
    %dma_wait3A_464 = arith.constant 4 : i32
    %dma_wait3A_465 = arith.constant 0 : i32
    %dma_wait3A_466 = tpu.memref_slice %arg13[%dma_wait3A_464, %dma_wait3A_465] : memref<16x400xi32, #tpu.memory_space<vmem>> -> memref<1x400xi32, #tpu.memory_space<vmem>>
    %dma_wait3A_467 = tpu.memref_squeeze %dma_wait3A_466 : memref<1x400xi32, #tpu.memory_space<vmem>> -> memref<400xi32, #tpu.memory_space<vmem>>
    %dma_wait3A_468 = arith.constant 0 : i32
    %dma_wait3A_469 = arith.constant 0 : i32
    %dma_wait3A_470 = tpu.memref_slice %arg8[%dma_wait3A_468, %dma_wait3A_469] : memref<614400x32xf32, #tpu.memory_space<hbm>> -> memref<614400x32xf32, #tpu.memory_space<hbm>>
    tpu.wait_indirect_dma semaphore(%arg24 : memref<!tpu.dma_semaphore, #tpu.memory_space<semaphore_mem>>) src(%arg16 : memref<400x32xf32, #tpu.memory_space<vmem>>) dst(%dma_wait3A_470 : memref<614400x32xf32, #tpu.memory_space<hbm>>)
    %dma_wait3A_471 = arith.constant 4 : i32
    %dma_wait3A_472 = arith.constant 0 : i32
    %dma_wait3A_473 = tpu.memref_slice %arg14[%dma_wait3A_471, %dma_wait3A_472] : memref<16x400xi32, #tpu.memory_space<vmem>> -> memref<1x400xi32, #tpu.memory_space<vmem>>
    %dma_wait3A_474 = tpu.memref_squeeze %dma_wait3A_473 : memref<1x400xi32, #tpu.memory_space<vmem>> -> memref<400xi32, #tpu.memory_space<vmem>>
    %dma_wait3A_475 = arith.constant 0 : i32
    %dma_wait3A_476 = arith.constant 0 : i32
    %dma_wait3A_477 = tpu.memref_slice %arg8[%dma_wait3A_475, %dma_wait3A_476] : memref<614400x32xf32, #tpu.memory_space<hbm>> -> memref<614400x32xf32, #tpu.memory_space<hbm>>
    tpu.wait_indirect_dma semaphore(%arg24 : memref<!tpu.dma_semaphore, #tpu.memory_space<semaphore_mem>>) src(%arg17 : memref<400x32xf32, #tpu.memory_space<vmem>>) dst(%dma_wait3A_477 : memref<614400x32xf32, #tpu.memory_space<hbm>>)
    %dma_start3A_478 = arith.constant 6 : i32
    %dma_start3A_479 = arith.constant 0 : i32
    %dma_start3A_480 = tpu.memref_slice %arg9[%dma_start3A_478, %dma_start3A_479] : memref<16x400xi32, #tpu.memory_space<vmem>> -> memref<1x400xi32, #tpu.memory_space<vmem>>
    %dma_start3A_481 = tpu.memref_squeeze %dma_start3A_480 : memref<1x400xi32, #tpu.memory_space<vmem>> -> memref<400xi32, #tpu.memory_space<vmem>>
    %dma_start3A_482 = arith.constant 0 : i32
    %dma_start3A_483 = arith.constant 0 : i32
    %dma_start3A_484 = tpu.memref_slice %arg5[%dma_start3A_482, %dma_start3A_483] : memref<1000000x32xf32, #tpu.memory_space<hbm>> -> memref<1000000x32xf32, #tpu.memory_space<hbm>>
    tpu.enqueue_indirect_dma source(%dma_start3A_484 : memref<1000000x32xf32, #tpu.memory_space<hbm>>) target(%arg15 : memref<400x32xf32, #tpu.memory_space<vmem>>) offsets(%dma_start3A_481 : memref<400xi32, #tpu.memory_space<vmem>>) semaphore(%arg22 : memref<!tpu.dma_semaphore, #tpu.memory_space<semaphore_mem>>)
    %dma_start3A_485 = arith.constant 6 : i32
    %dma_start3A_486 = arith.constant 0 : i32
    %dma_start3A_487 = tpu.memref_slice %arg10[%dma_start3A_485, %dma_start3A_486] : memref<16x400xi32, #tpu.memory_space<vmem>> -> memref<1x400xi32, #tpu.memory_space<vmem>>
    %dma_start3A_488 = tpu.memref_squeeze %dma_start3A_487 : memref<1x400xi32, #tpu.memory_space<vmem>> -> memref<400xi32, #tpu.memory_space<vmem>>
    %dma_start3A_489 = arith.constant 0 : i32
    %dma_start3A_490 = arith.constant 0 : i32
    %dma_start3A_491 = tpu.memref_slice %arg6[%dma_start3A_489, %dma_start3A_490] : memref<100000x32xf32, #tpu.memory_space<hbm>> -> memref<100000x32xf32, #tpu.memory_space<hbm>>
    tpu.enqueue_indirect_dma source(%dma_start3A_491 : memref<100000x32xf32, #tpu.memory_space<hbm>>) target(%arg16 : memref<400x32xf32, #tpu.memory_space<vmem>>) offsets(%dma_start3A_488 : memref<400xi32, #tpu.memory_space<vmem>>) semaphore(%arg22 : memref<!tpu.dma_semaphore, #tpu.memory_space<semaphore_mem>>)
    %dma_start3A_492 = arith.constant 6 : i32
    %dma_start3A_493 = arith.constant 0 : i32
    %dma_start3A_494 = tpu.memref_slice %arg11[%dma_start3A_492, %dma_start3A_493] : memref<16x400xi32, #tpu.memory_space<vmem>> -> memref<1x400xi32, #tpu.memory_space<vmem>>
    %dma_start3A_495 = tpu.memref_squeeze %dma_start3A_494 : memref<1x400xi32, #tpu.memory_space<vmem>> -> memref<400xi32, #tpu.memory_space<vmem>>
    %dma_start3A_496 = arith.constant 0 : i32
    %dma_start3A_497 = arith.constant 0 : i32
    %dma_start3A_498 = tpu.memref_slice %arg7[%dma_start3A_496, %dma_start3A_497] : memref<1000x32xf32, #tpu.memory_space<hbm>> -> memref<1000x32xf32, #tpu.memory_space<hbm>>
    tpu.enqueue_indirect_dma source(%dma_start3A_498 : memref<1000x32xf32, #tpu.memory_space<hbm>>) target(%arg17 : memref<400x32xf32, #tpu.memory_space<vmem>>) offsets(%dma_start3A_495 : memref<400xi32, #tpu.memory_space<vmem>>) semaphore(%arg22 : memref<!tpu.dma_semaphore, #tpu.memory_space<semaphore_mem>>)
    %dma_wait3A_499 = arith.constant 5 : i32
    %dma_wait3A_500 = arith.constant 0 : i32
    %dma_wait3A_501 = tpu.memref_slice %arg9[%dma_wait3A_499, %dma_wait3A_500] : memref<16x400xi32, #tpu.memory_space<vmem>> -> memref<1x400xi32, #tpu.memory_space<vmem>>
    %dma_wait3A_502 = tpu.memref_squeeze %dma_wait3A_501 : memref<1x400xi32, #tpu.memory_space<vmem>> -> memref<400xi32, #tpu.memory_space<vmem>>
    %dma_wait3A_503 = arith.constant 0 : i32
    %dma_wait3A_504 = arith.constant 0 : i32
    %dma_wait3A_505 = tpu.memref_slice %arg5[%dma_wait3A_503, %dma_wait3A_504] : memref<1000000x32xf32, #tpu.memory_space<hbm>> -> memref<1000000x32xf32, #tpu.memory_space<hbm>>
    tpu.wait_indirect_dma semaphore(%arg23 : memref<!tpu.dma_semaphore, #tpu.memory_space<semaphore_mem>>) src(%dma_wait3A_505 : memref<1000000x32xf32, #tpu.memory_space<hbm>>) dst(%arg18 : memref<400x32xf32, #tpu.memory_space<vmem>>)
    %dma_wait3A_506 = arith.constant 5 : i32
    %dma_wait3A_507 = arith.constant 0 : i32
    %dma_wait3A_508 = tpu.memref_slice %arg10[%dma_wait3A_506, %dma_wait3A_507] : memref<16x400xi32, #tpu.memory_space<vmem>> -> memref<1x400xi32, #tpu.memory_space<vmem>>
    %dma_wait3A_509 = tpu.memref_squeeze %dma_wait3A_508 : memref<1x400xi32, #tpu.memory_space<vmem>> -> memref<400xi32, #tpu.memory_space<vmem>>
    %dma_wait3A_510 = arith.constant 0 : i32
    %dma_wait3A_511 = arith.constant 0 : i32
    %dma_wait3A_512 = tpu.memref_slice %arg6[%dma_wait3A_510, %dma_wait3A_511] : memref<100000x32xf32, #tpu.memory_space<hbm>> -> memref<100000x32xf32, #tpu.memory_space<hbm>>
    tpu.wait_indirect_dma semaphore(%arg23 : memref<!tpu.dma_semaphore, #tpu.memory_space<semaphore_mem>>) src(%dma_wait3A_512 : memref<100000x32xf32, #tpu.memory_space<hbm>>) dst(%arg19 : memref<400x32xf32, #tpu.memory_space<vmem>>)
    %dma_wait3A_513 = arith.constant 5 : i32
    %dma_wait3A_514 = arith.constant 0 : i32
    %dma_wait3A_515 = tpu.memref_slice %arg11[%dma_wait3A_513, %dma_wait3A_514] : memref<16x400xi32, #tpu.memory_space<vmem>> -> memref<1x400xi32, #tpu.memory_space<vmem>>
    %dma_wait3A_516 = tpu.memref_squeeze %dma_wait3A_515 : memref<1x400xi32, #tpu.memory_space<vmem>> -> memref<400xi32, #tpu.memory_space<vmem>>
    %dma_wait3A_517 = arith.constant 0 : i32
    %dma_wait3A_518 = arith.constant 0 : i32
    %dma_wait3A_519 = tpu.memref_slice %arg7[%dma_wait3A_517, %dma_wait3A_518] : memref<1000x32xf32, #tpu.memory_space<hbm>> -> memref<1000x32xf32, #tpu.memory_space<hbm>>
    tpu.wait_indirect_dma semaphore(%arg23 : memref<!tpu.dma_semaphore, #tpu.memory_space<semaphore_mem>>) src(%dma_wait3A_519 : memref<1000x32xf32, #tpu.memory_space<hbm>>) dst(%arg20 : memref<400x32xf32, #tpu.memory_space<vmem>>)
    %dma_start3A_520 = arith.constant 5 : i32
    %dma_start3A_521 = arith.constant 0 : i32
    %dma_start3A_522 = tpu.memref_slice %arg12[%dma_start3A_520, %dma_start3A_521] : memref<16x400xi32, #tpu.memory_space<vmem>> -> memref<1x400xi32, #tpu.memory_space<vmem>>
    %dma_start3A_523 = tpu.memref_squeeze %dma_start3A_522 : memref<1x400xi32, #tpu.memory_space<vmem>> -> memref<400xi32, #tpu.memory_space<vmem>>
    %dma_start3A_524 = arith.constant 0 : i32
    %dma_start3A_525 = arith.constant 0 : i32
    %dma_start3A_526 = tpu.memref_slice %arg8[%dma_start3A_524, %dma_start3A_525] : memref<614400x32xf32, #tpu.memory_space<hbm>> -> memref<614400x32xf32, #tpu.memory_space<hbm>>
    tpu.enqueue_indirect_dma source(%arg18 : memref<400x32xf32, #tpu.memory_space<vmem>>) target(%dma_start3A_526 : memref<614400x32xf32, #tpu.memory_space<hbm>>) offsets(%dma_start3A_523 : memref<400xi32, #tpu.memory_space<vmem>>) semaphore(%arg25 : memref<!tpu.dma_semaphore, #tpu.memory_space<semaphore_mem>>)
    %dma_start3A_527 = arith.constant 5 : i32
    %dma_start3A_528 = arith.constant 0 : i32
    %dma_start3A_529 = tpu.memref_slice %arg13[%dma_start3A_527, %dma_start3A_528] : memref<16x400xi32, #tpu.memory_space<vmem>> -> memref<1x400xi32, #tpu.memory_space<vmem>>
    %dma_start3A_530 = tpu.memref_squeeze %dma_start3A_529 : memref<1x400xi32, #tpu.memory_space<vmem>> -> memref<400xi32, #tpu.memory_space<vmem>>
    %dma_start3A_531 = arith.constant 0 : i32
    %dma_start3A_532 = arith.constant 0 : i32
    %dma_start3A_533 = tpu.memref_slice %arg8[%dma_start3A_531, %dma_start3A_532] : memref<614400x32xf32, #tpu.memory_space<hbm>> -> memref<614400x32xf32, #tpu.memory_space<hbm>>
    tpu.enqueue_indirect_dma source(%arg19 : memref<400x32xf32, #tpu.memory_space<vmem>>) target(%dma_start3A_533 : memref<614400x32xf32, #tpu.memory_space<hbm>>) offsets(%dma_start3A_530 : memref<400xi32, #tpu.memory_space<vmem>>) semaphore(%arg25 : memref<!tpu.dma_semaphore, #tpu.memory_space<semaphore_mem>>)
    %dma_start3A_534 = arith.constant 5 : i32
    %dma_start3A_535 = arith.constant 0 : i32
    %dma_start3A_536 = tpu.memref_slice %arg14[%dma_start3A_534, %dma_start3A_535] : memref<16x400xi32, #tpu.memory_space<vmem>> -> memref<1x400xi32, #tpu.memory_space<vmem>>
    %dma_start3A_537 = tpu.memref_squeeze %dma_start3A_536 : memref<1x400xi32, #tpu.memory_space<vmem>> -> memref<400xi32, #tpu.memory_space<vmem>>
    %dma_start3A_538 = arith.constant 0 : i32
    %dma_start3A_539 = arith.constant 0 : i32
    %dma_start3A_540 = tpu.memref_slice %arg8[%dma_start3A_538, %dma_start3A_539] : memref<614400x32xf32, #tpu.memory_space<hbm>> -> memref<614400x32xf32, #tpu.memory_space<hbm>>
    tpu.enqueue_indirect_dma source(%arg20 : memref<400x32xf32, #tpu.memory_space<vmem>>) target(%dma_start3A_540 : memref<614400x32xf32, #tpu.memory_space<hbm>>) offsets(%dma_start3A_537 : memref<400xi32, #tpu.memory_space<vmem>>) semaphore(%arg25 : memref<!tpu.dma_semaphore, #tpu.memory_space<semaphore_mem>>)
    %dma_wait3A_541 = arith.constant 5 : i32
    %dma_wait3A_542 = arith.constant 0 : i32
    %dma_wait3A_543 = tpu.memref_slice %arg12[%dma_wait3A_541, %dma_wait3A_542] : memref<16x400xi32, #tpu.memory_space<vmem>> -> memref<1x400xi32, #tpu.memory_space<vmem>>
    %dma_wait3A_544 = tpu.memref_squeeze %dma_wait3A_543 : memref<1x400xi32, #tpu.memory_space<vmem>> -> memref<400xi32, #tpu.memory_space<vmem>>
    %dma_wait3A_545 = arith.constant 0 : i32
    %dma_wait3A_546 = arith.constant 0 : i32
    %dma_wait3A_547 = tpu.memref_slice %arg8[%dma_wait3A_545, %dma_wait3A_546] : memref<614400x32xf32, #tpu.memory_space<hbm>> -> memref<614400x32xf32, #tpu.memory_space<hbm>>
    tpu.wait_indirect_dma semaphore(%arg25 : memref<!tpu.dma_semaphore, #tpu.memory_space<semaphore_mem>>) src(%arg18 : memref<400x32xf32, #tpu.memory_space<vmem>>) dst(%dma_wait3A_547 : memref<614400x32xf32, #tpu.memory_space<hbm>>)
    %dma_wait3A_548 = arith.constant 5 : i32
    %dma_wait3A_549 = arith.constant 0 : i32
    %dma_wait3A_550 = tpu.memref_slice %arg13[%dma_wait3A_548, %dma_wait3A_549] : memref<16x400xi32, #tpu.memory_space<vmem>> -> memref<1x400xi32, #tpu.memory_space<vmem>>
    %dma_wait3A_551 = tpu.memref_squeeze %dma_wait3A_550 : memref<1x400xi32, #tpu.memory_space<vmem>> -> memref<400xi32, #tpu.memory_space<vmem>>
    %dma_wait3A_552 = arith.constant 0 : i32
    %dma_wait3A_553 = arith.constant 0 : i32
    %dma_wait3A_554 = tpu.memref_slice %arg8[%dma_wait3A_552, %dma_wait3A_553] : memref<614400x32xf32, #tpu.memory_space<hbm>> -> memref<614400x32xf32, #tpu.memory_space<hbm>>
    tpu.wait_indirect_dma semaphore(%arg25 : memref<!tpu.dma_semaphore, #tpu.memory_space<semaphore_mem>>) src(%arg19 : memref<400x32xf32, #tpu.memory_space<vmem>>) dst(%dma_wait3A_554 : memref<614400x32xf32, #tpu.memory_space<hbm>>)
    %dma_wait3A_555 = arith.constant 5 : i32
    %dma_wait3A_556 = arith.constant 0 : i32
    %dma_wait3A_557 = tpu.memref_slice %arg14[%dma_wait3A_555, %dma_wait3A_556] : memref<16x400xi32, #tpu.memory_space<vmem>> -> memref<1x400xi32, #tpu.memory_space<vmem>>
    %dma_wait3A_558 = tpu.memref_squeeze %dma_wait3A_557 : memref<1x400xi32, #tpu.memory_space<vmem>> -> memref<400xi32, #tpu.memory_space<vmem>>
    %dma_wait3A_559 = arith.constant 0 : i32
    %dma_wait3A_560 = arith.constant 0 : i32
    %dma_wait3A_561 = tpu.memref_slice %arg8[%dma_wait3A_559, %dma_wait3A_560] : memref<614400x32xf32, #tpu.memory_space<hbm>> -> memref<614400x32xf32, #tpu.memory_space<hbm>>
    tpu.wait_indirect_dma semaphore(%arg25 : memref<!tpu.dma_semaphore, #tpu.memory_space<semaphore_mem>>) src(%arg20 : memref<400x32xf32, #tpu.memory_space<vmem>>) dst(%dma_wait3A_561 : memref<614400x32xf32, #tpu.memory_space<hbm>>)
    %dma_start3A_562 = arith.constant 7 : i32
    %dma_start3A_563 = arith.constant 0 : i32
    %dma_start3A_564 = tpu.memref_slice %arg9[%dma_start3A_562, %dma_start3A_563] : memref<16x400xi32, #tpu.memory_space<vmem>> -> memref<1x400xi32, #tpu.memory_space<vmem>>
    %dma_start3A_565 = tpu.memref_squeeze %dma_start3A_564 : memref<1x400xi32, #tpu.memory_space<vmem>> -> memref<400xi32, #tpu.memory_space<vmem>>
    %dma_start3A_566 = arith.constant 0 : i32
    %dma_start3A_567 = arith.constant 0 : i32
    %dma_start3A_568 = tpu.memref_slice %arg5[%dma_start3A_566, %dma_start3A_567] : memref<1000000x32xf32, #tpu.memory_space<hbm>> -> memref<1000000x32xf32, #tpu.memory_space<hbm>>
    tpu.enqueue_indirect_dma source(%dma_start3A_568 : memref<1000000x32xf32, #tpu.memory_space<hbm>>) target(%arg18 : memref<400x32xf32, #tpu.memory_space<vmem>>) offsets(%dma_start3A_565 : memref<400xi32, #tpu.memory_space<vmem>>) semaphore(%arg23 : memref<!tpu.dma_semaphore, #tpu.memory_space<semaphore_mem>>)
    %dma_start3A_569 = arith.constant 7 : i32
    %dma_start3A_570 = arith.constant 0 : i32
    %dma_start3A_571 = tpu.memref_slice %arg10[%dma_start3A_569, %dma_start3A_570] : memref<16x400xi32, #tpu.memory_space<vmem>> -> memref<1x400xi32, #tpu.memory_space<vmem>>
    %dma_start3A_572 = tpu.memref_squeeze %dma_start3A_571 : memref<1x400xi32, #tpu.memory_space<vmem>> -> memref<400xi32, #tpu.memory_space<vmem>>
    %dma_start3A_573 = arith.constant 0 : i32
    %dma_start3A_574 = arith.constant 0 : i32
    %dma_start3A_575 = tpu.memref_slice %arg6[%dma_start3A_573, %dma_start3A_574] : memref<100000x32xf32, #tpu.memory_space<hbm>> -> memref<100000x32xf32, #tpu.memory_space<hbm>>
    tpu.enqueue_indirect_dma source(%dma_start3A_575 : memref<100000x32xf32, #tpu.memory_space<hbm>>) target(%arg19 : memref<400x32xf32, #tpu.memory_space<vmem>>) offsets(%dma_start3A_572 : memref<400xi32, #tpu.memory_space<vmem>>) semaphore(%arg23 : memref<!tpu.dma_semaphore, #tpu.memory_space<semaphore_mem>>)
    %dma_start3A_576 = arith.constant 7 : i32
    %dma_start3A_577 = arith.constant 0 : i32
    %dma_start3A_578 = tpu.memref_slice %arg11[%dma_start3A_576, %dma_start3A_577] : memref<16x400xi32, #tpu.memory_space<vmem>> -> memref<1x400xi32, #tpu.memory_space<vmem>>
    %dma_start3A_579 = tpu.memref_squeeze %dma_start3A_578 : memref<1x400xi32, #tpu.memory_space<vmem>> -> memref<400xi32, #tpu.memory_space<vmem>>
    %dma_start3A_580 = arith.constant 0 : i32
    %dma_start3A_581 = arith.constant 0 : i32
    %dma_start3A_582 = tpu.memref_slice %arg7[%dma_start3A_580, %dma_start3A_581] : memref<1000x32xf32, #tpu.memory_space<hbm>> -> memref<1000x32xf32, #tpu.memory_space<hbm>>
    tpu.enqueue_indirect_dma source(%dma_start3A_582 : memref<1000x32xf32, #tpu.memory_space<hbm>>) target(%arg20 : memref<400x32xf32, #tpu.memory_space<vmem>>) offsets(%dma_start3A_579 : memref<400xi32, #tpu.memory_space<vmem>>) semaphore(%arg23 : memref<!tpu.dma_semaphore, #tpu.memory_space<semaphore_mem>>)
    %dma_wait3A_583 = arith.constant 6 : i32
    %dma_wait3A_584 = arith.constant 0 : i32
    %dma_wait3A_585 = tpu.memref_slice %arg9[%dma_wait3A_583, %dma_wait3A_584] : memref<16x400xi32, #tpu.memory_space<vmem>> -> memref<1x400xi32, #tpu.memory_space<vmem>>
    %dma_wait3A_586 = tpu.memref_squeeze %dma_wait3A_585 : memref<1x400xi32, #tpu.memory_space<vmem>> -> memref<400xi32, #tpu.memory_space<vmem>>
    %dma_wait3A_587 = arith.constant 0 : i32
    %dma_wait3A_588 = arith.constant 0 : i32
    %dma_wait3A_589 = tpu.memref_slice %arg5[%dma_wait3A_587, %dma_wait3A_588] : memref<1000000x32xf32, #tpu.memory_space<hbm>> -> memref<1000000x32xf32, #tpu.memory_space<hbm>>
    tpu.wait_indirect_dma semaphore(%arg22 : memref<!tpu.dma_semaphore, #tpu.memory_space<semaphore_mem>>) src(%dma_wait3A_589 : memref<1000000x32xf32, #tpu.memory_space<hbm>>) dst(%arg15 : memref<400x32xf32, #tpu.memory_space<vmem>>)
    %dma_wait3A_590 = arith.constant 6 : i32
    %dma_wait3A_591 = arith.constant 0 : i32
    %dma_wait3A_592 = tpu.memref_slice %arg10[%dma_wait3A_590, %dma_wait3A_591] : memref<16x400xi32, #tpu.memory_space<vmem>> -> memref<1x400xi32, #tpu.memory_space<vmem>>
    %dma_wait3A_593 = tpu.memref_squeeze %dma_wait3A_592 : memref<1x400xi32, #tpu.memory_space<vmem>> -> memref<400xi32, #tpu.memory_space<vmem>>
    %dma_wait3A_594 = arith.constant 0 : i32
    %dma_wait3A_595 = arith.constant 0 : i32
    %dma_wait3A_596 = tpu.memref_slice %arg6[%dma_wait3A_594, %dma_wait3A_595] : memref<100000x32xf32, #tpu.memory_space<hbm>> -> memref<100000x32xf32, #tpu.memory_space<hbm>>
    tpu.wait_indirect_dma semaphore(%arg22 : memref<!tpu.dma_semaphore, #tpu.memory_space<semaphore_mem>>) src(%dma_wait3A_596 : memref<100000x32xf32, #tpu.memory_space<hbm>>) dst(%arg16 : memref<400x32xf32, #tpu.memory_space<vmem>>)
    %dma_wait3A_597 = arith.constant 6 : i32
    %dma_wait3A_598 = arith.constant 0 : i32
    %dma_wait3A_599 = tpu.memref_slice %arg11[%dma_wait3A_597, %dma_wait3A_598] : memref<16x400xi32, #tpu.memory_space<vmem>> -> memref<1x400xi32, #tpu.memory_space<vmem>>
    %dma_wait3A_600 = tpu.memref_squeeze %dma_wait3A_599 : memref<1x400xi32, #tpu.memory_space<vmem>> -> memref<400xi32, #tpu.memory_space<vmem>>
    %dma_wait3A_601 = arith.constant 0 : i32
    %dma_wait3A_602 = arith.constant 0 : i32
    %dma_wait3A_603 = tpu.memref_slice %arg7[%dma_wait3A_601, %dma_wait3A_602] : memref<1000x32xf32, #tpu.memory_space<hbm>> -> memref<1000x32xf32, #tpu.memory_space<hbm>>
    tpu.wait_indirect_dma semaphore(%arg22 : memref<!tpu.dma_semaphore, #tpu.memory_space<semaphore_mem>>) src(%dma_wait3A_603 : memref<1000x32xf32, #tpu.memory_space<hbm>>) dst(%arg17 : memref<400x32xf32, #tpu.memory_space<vmem>>)
    %dma_start3A_604 = arith.constant 6 : i32
    %dma_start3A_605 = arith.constant 0 : i32
    %dma_start3A_606 = tpu.memref_slice %arg12[%dma_start3A_604, %dma_start3A_605] : memref<16x400xi32, #tpu.memory_space<vmem>> -> memref<1x400xi32, #tpu.memory_space<vmem>>
    %dma_start3A_607 = tpu.memref_squeeze %dma_start3A_606 : memref<1x400xi32, #tpu.memory_space<vmem>> -> memref<400xi32, #tpu.memory_space<vmem>>
    %dma_start3A_608 = arith.constant 0 : i32
    %dma_start3A_609 = arith.constant 0 : i32
    %dma_start3A_610 = tpu.memref_slice %arg8[%dma_start3A_608, %dma_start3A_609] : memref<614400x32xf32, #tpu.memory_space<hbm>> -> memref<614400x32xf32, #tpu.memory_space<hbm>>
    tpu.enqueue_indirect_dma source(%arg15 : memref<400x32xf32, #tpu.memory_space<vmem>>) target(%dma_start3A_610 : memref<614400x32xf32, #tpu.memory_space<hbm>>) offsets(%dma_start3A_607 : memref<400xi32, #tpu.memory_space<vmem>>) semaphore(%arg24 : memref<!tpu.dma_semaphore, #tpu.memory_space<semaphore_mem>>)
    %dma_start3A_611 = arith.constant 6 : i32
    %dma_start3A_612 = arith.constant 0 : i32
    %dma_start3A_613 = tpu.memref_slice %arg13[%dma_start3A_611, %dma_start3A_612] : memref<16x400xi32, #tpu.memory_space<vmem>> -> memref<1x400xi32, #tpu.memory_space<vmem>>
    %dma_start3A_614 = tpu.memref_squeeze %dma_start3A_613 : memref<1x400xi32, #tpu.memory_space<vmem>> -> memref<400xi32, #tpu.memory_space<vmem>>
    %dma_start3A_615 = arith.constant 0 : i32
    %dma_start3A_616 = arith.constant 0 : i32
    %dma_start3A_617 = tpu.memref_slice %arg8[%dma_start3A_615, %dma_start3A_616] : memref<614400x32xf32, #tpu.memory_space<hbm>> -> memref<614400x32xf32, #tpu.memory_space<hbm>>
    tpu.enqueue_indirect_dma source(%arg16 : memref<400x32xf32, #tpu.memory_space<vmem>>) target(%dma_start3A_617 : memref<614400x32xf32, #tpu.memory_space<hbm>>) offsets(%dma_start3A_614 : memref<400xi32, #tpu.memory_space<vmem>>) semaphore(%arg24 : memref<!tpu.dma_semaphore, #tpu.memory_space<semaphore_mem>>)
    %dma_start3A_618 = arith.constant 6 : i32
    %dma_start3A_619 = arith.constant 0 : i32
    %dma_start3A_620 = tpu.memref_slice %arg14[%dma_start3A_618, %dma_start3A_619] : memref<16x400xi32, #tpu.memory_space<vmem>> -> memref<1x400xi32, #tpu.memory_space<vmem>>
    %dma_start3A_621 = tpu.memref_squeeze %dma_start3A_620 : memref<1x400xi32, #tpu.memory_space<vmem>> -> memref<400xi32, #tpu.memory_space<vmem>>
    %dma_start3A_622 = arith.constant 0 : i32
    %dma_start3A_623 = arith.constant 0 : i32
    %dma_start3A_624 = tpu.memref_slice %arg8[%dma_start3A_622, %dma_start3A_623] : memref<614400x32xf32, #tpu.memory_space<hbm>> -> memref<614400x32xf32, #tpu.memory_space<hbm>>
    tpu.enqueue_indirect_dma source(%arg17 : memref<400x32xf32, #tpu.memory_space<vmem>>) target(%dma_start3A_624 : memref<614400x32xf32, #tpu.memory_space<hbm>>) offsets(%dma_start3A_621 : memref<400xi32, #tpu.memory_space<vmem>>) semaphore(%arg24 : memref<!tpu.dma_semaphore, #tpu.memory_space<semaphore_mem>>)
    %dma_wait3A_625 = arith.constant 6 : i32
    %dma_wait3A_626 = arith.constant 0 : i32
    %dma_wait3A_627 = tpu.memref_slice %arg12[%dma_wait3A_625, %dma_wait3A_626] : memref<16x400xi32, #tpu.memory_space<vmem>> -> memref<1x400xi32, #tpu.memory_space<vmem>>
    %dma_wait3A_628 = tpu.memref_squeeze %dma_wait3A_627 : memref<1x400xi32, #tpu.memory_space<vmem>> -> memref<400xi32, #tpu.memory_space<vmem>>
    %dma_wait3A_629 = arith.constant 0 : i32
    %dma_wait3A_630 = arith.constant 0 : i32
    %dma_wait3A_631 = tpu.memref_slice %arg8[%dma_wait3A_629, %dma_wait3A_630] : memref<614400x32xf32, #tpu.memory_space<hbm>> -> memref<614400x32xf32, #tpu.memory_space<hbm>>
    tpu.wait_indirect_dma semaphore(%arg24 : memref<!tpu.dma_semaphore, #tpu.memory_space<semaphore_mem>>) src(%arg15 : memref<400x32xf32, #tpu.memory_space<vmem>>) dst(%dma_wait3A_631 : memref<614400x32xf32, #tpu.memory_space<hbm>>)
    %dma_wait3A_632 = arith.constant 6 : i32
    %dma_wait3A_633 = arith.constant 0 : i32
    %dma_wait3A_634 = tpu.memref_slice %arg13[%dma_wait3A_632, %dma_wait3A_633] : memref<16x400xi32, #tpu.memory_space<vmem>> -> memref<1x400xi32, #tpu.memory_space<vmem>>
    %dma_wait3A_635 = tpu.memref_squeeze %dma_wait3A_634 : memref<1x400xi32, #tpu.memory_space<vmem>> -> memref<400xi32, #tpu.memory_space<vmem>>
    %dma_wait3A_636 = arith.constant 0 : i32
    %dma_wait3A_637 = arith.constant 0 : i32
    %dma_wait3A_638 = tpu.memref_slice %arg8[%dma_wait3A_636, %dma_wait3A_637] : memref<614400x32xf32, #tpu.memory_space<hbm>> -> memref<614400x32xf32, #tpu.memory_space<hbm>>
    tpu.wait_indirect_dma semaphore(%arg24 : memref<!tpu.dma_semaphore, #tpu.memory_space<semaphore_mem>>) src(%arg16 : memref<400x32xf32, #tpu.memory_space<vmem>>) dst(%dma_wait3A_638 : memref<614400x32xf32, #tpu.memory_space<hbm>>)
    %dma_wait3A_639 = arith.constant 6 : i32
    %dma_wait3A_640 = arith.constant 0 : i32
    %dma_wait3A_641 = tpu.memref_slice %arg14[%dma_wait3A_639, %dma_wait3A_640] : memref<16x400xi32, #tpu.memory_space<vmem>> -> memref<1x400xi32, #tpu.memory_space<vmem>>
    %dma_wait3A_642 = tpu.memref_squeeze %dma_wait3A_641 : memref<1x400xi32, #tpu.memory_space<vmem>> -> memref<400xi32, #tpu.memory_space<vmem>>
    %dma_wait3A_643 = arith.constant 0 : i32
    %dma_wait3A_644 = arith.constant 0 : i32
    %dma_wait3A_645 = tpu.memref_slice %arg8[%dma_wait3A_643, %dma_wait3A_644] : memref<614400x32xf32, #tpu.memory_space<hbm>> -> memref<614400x32xf32, #tpu.memory_space<hbm>>
    tpu.wait_indirect_dma semaphore(%arg24 : memref<!tpu.dma_semaphore, #tpu.memory_space<semaphore_mem>>) src(%arg17 : memref<400x32xf32, #tpu.memory_space<vmem>>) dst(%dma_wait3A_645 : memref<614400x32xf32, #tpu.memory_space<hbm>>)
    %dma_start3A_646 = arith.constant 8 : i32
    %dma_start3A_647 = arith.constant 0 : i32
    %dma_start3A_648 = tpu.memref_slice %arg9[%dma_start3A_646, %dma_start3A_647] : memref<16x400xi32, #tpu.memory_space<vmem>> -> memref<1x400xi32, #tpu.memory_space<vmem>>
    %dma_start3A_649 = tpu.memref_squeeze %dma_start3A_648 : memref<1x400xi32, #tpu.memory_space<vmem>> -> memref<400xi32, #tpu.memory_space<vmem>>
    %dma_start3A_650 = arith.constant 0 : i32
    %dma_start3A_651 = arith.constant 0 : i32
    %dma_start3A_652 = tpu.memref_slice %arg5[%dma_start3A_650, %dma_start3A_651] : memref<1000000x32xf32, #tpu.memory_space<hbm>> -> memref<1000000x32xf32, #tpu.memory_space<hbm>>
    tpu.enqueue_indirect_dma source(%dma_start3A_652 : memref<1000000x32xf32, #tpu.memory_space<hbm>>) target(%arg15 : memref<400x32xf32, #tpu.memory_space<vmem>>) offsets(%dma_start3A_649 : memref<400xi32, #tpu.memory_space<vmem>>) semaphore(%arg22 : memref<!tpu.dma_semaphore, #tpu.memory_space<semaphore_mem>>)
    %dma_start3A_653 = arith.constant 8 : i32
    %dma_start3A_654 = arith.constant 0 : i32
    %dma_start3A_655 = tpu.memref_slice %arg10[%dma_start3A_653, %dma_start3A_654] : memref<16x400xi32, #tpu.memory_space<vmem>> -> memref<1x400xi32, #tpu.memory_space<vmem>>
    %dma_start3A_656 = tpu.memref_squeeze %dma_start3A_655 : memref<1x400xi32, #tpu.memory_space<vmem>> -> memref<400xi32, #tpu.memory_space<vmem>>
    %dma_start3A_657 = arith.constant 0 : i32
    %dma_start3A_658 = arith.constant 0 : i32
    %dma_start3A_659 = tpu.memref_slice %arg6[%dma_start3A_657, %dma_start3A_658] : memref<100000x32xf32, #tpu.memory_space<hbm>> -> memref<100000x32xf32, #tpu.memory_space<hbm>>
    tpu.enqueue_indirect_dma source(%dma_start3A_659 : memref<100000x32xf32, #tpu.memory_space<hbm>>) target(%arg16 : memref<400x32xf32, #tpu.memory_space<vmem>>) offsets(%dma_start3A_656 : memref<400xi32, #tpu.memory_space<vmem>>) semaphore(%arg22 : memref<!tpu.dma_semaphore, #tpu.memory_space<semaphore_mem>>)
    %dma_start3A_660 = arith.constant 8 : i32
    %dma_start3A_661 = arith.constant 0 : i32
    %dma_start3A_662 = tpu.memref_slice %arg11[%dma_start3A_660, %dma_start3A_661] : memref<16x400xi32, #tpu.memory_space<vmem>> -> memref<1x400xi32, #tpu.memory_space<vmem>>
    %dma_start3A_663 = tpu.memref_squeeze %dma_start3A_662 : memref<1x400xi32, #tpu.memory_space<vmem>> -> memref<400xi32, #tpu.memory_space<vmem>>
    %dma_start3A_664 = arith.constant 0 : i32
    %dma_start3A_665 = arith.constant 0 : i32
    %dma_start3A_666 = tpu.memref_slice %arg7[%dma_start3A_664, %dma_start3A_665] : memref<1000x32xf32, #tpu.memory_space<hbm>> -> memref<1000x32xf32, #tpu.memory_space<hbm>>
    tpu.enqueue_indirect_dma source(%dma_start3A_666 : memref<1000x32xf32, #tpu.memory_space<hbm>>) target(%arg17 : memref<400x32xf32, #tpu.memory_space<vmem>>) offsets(%dma_start3A_663 : memref<400xi32, #tpu.memory_space<vmem>>) semaphore(%arg22 : memref<!tpu.dma_semaphore, #tpu.memory_space<semaphore_mem>>)
    %dma_wait3A_667 = arith.constant 7 : i32
    %dma_wait3A_668 = arith.constant 0 : i32
    %dma_wait3A_669 = tpu.memref_slice %arg9[%dma_wait3A_667, %dma_wait3A_668] : memref<16x400xi32, #tpu.memory_space<vmem>> -> memref<1x400xi32, #tpu.memory_space<vmem>>
    %dma_wait3A_670 = tpu.memref_squeeze %dma_wait3A_669 : memref<1x400xi32, #tpu.memory_space<vmem>> -> memref<400xi32, #tpu.memory_space<vmem>>
    %dma_wait3A_671 = arith.constant 0 : i32
    %dma_wait3A_672 = arith.constant 0 : i32
    %dma_wait3A_673 = tpu.memref_slice %arg5[%dma_wait3A_671, %dma_wait3A_672] : memref<1000000x32xf32, #tpu.memory_space<hbm>> -> memref<1000000x32xf32, #tpu.memory_space<hbm>>
    tpu.wait_indirect_dma semaphore(%arg23 : memref<!tpu.dma_semaphore, #tpu.memory_space<semaphore_mem>>) src(%dma_wait3A_673 : memref<1000000x32xf32, #tpu.memory_space<hbm>>) dst(%arg18 : memref<400x32xf32, #tpu.memory_space<vmem>>)
    %dma_wait3A_674 = arith.constant 7 : i32
    %dma_wait3A_675 = arith.constant 0 : i32
    %dma_wait3A_676 = tpu.memref_slice %arg10[%dma_wait3A_674, %dma_wait3A_675] : memref<16x400xi32, #tpu.memory_space<vmem>> -> memref<1x400xi32, #tpu.memory_space<vmem>>
    %dma_wait3A_677 = tpu.memref_squeeze %dma_wait3A_676 : memref<1x400xi32, #tpu.memory_space<vmem>> -> memref<400xi32, #tpu.memory_space<vmem>>
    %dma_wait3A_678 = arith.constant 0 : i32
    %dma_wait3A_679 = arith.constant 0 : i32
    %dma_wait3A_680 = tpu.memref_slice %arg6[%dma_wait3A_678, %dma_wait3A_679] : memref<100000x32xf32, #tpu.memory_space<hbm>> -> memref<100000x32xf32, #tpu.memory_space<hbm>>
    tpu.wait_indirect_dma semaphore(%arg23 : memref<!tpu.dma_semaphore, #tpu.memory_space<semaphore_mem>>) src(%dma_wait3A_680 : memref<100000x32xf32, #tpu.memory_space<hbm>>) dst(%arg19 : memref<400x32xf32, #tpu.memory_space<vmem>>)
    %dma_wait3A_681 = arith.constant 7 : i32
    %dma_wait3A_682 = arith.constant 0 : i32
    %dma_wait3A_683 = tpu.memref_slice %arg11[%dma_wait3A_681, %dma_wait3A_682] : memref<16x400xi32, #tpu.memory_space<vmem>> -> memref<1x400xi32, #tpu.memory_space<vmem>>
    %dma_wait3A_684 = tpu.memref_squeeze %dma_wait3A_683 : memref<1x400xi32, #tpu.memory_space<vmem>> -> memref<400xi32, #tpu.memory_space<vmem>>
    %dma_wait3A_685 = arith.constant 0 : i32
    %dma_wait3A_686 = arith.constant 0 : i32
    %dma_wait3A_687 = tpu.memref_slice %arg7[%dma_wait3A_685, %dma_wait3A_686] : memref<1000x32xf32, #tpu.memory_space<hbm>> -> memref<1000x32xf32, #tpu.memory_space<hbm>>
    tpu.wait_indirect_dma semaphore(%arg23 : memref<!tpu.dma_semaphore, #tpu.memory_space<semaphore_mem>>) src(%dma_wait3A_687 : memref<1000x32xf32, #tpu.memory_space<hbm>>) dst(%arg20 : memref<400x32xf32, #tpu.memory_space<vmem>>)
    %dma_start3A_688 = arith.constant 7 : i32
    %dma_start3A_689 = arith.constant 0 : i32
    %dma_start3A_690 = tpu.memref_slice %arg12[%dma_start3A_688, %dma_start3A_689] : memref<16x400xi32, #tpu.memory_space<vmem>> -> memref<1x400xi32, #tpu.memory_space<vmem>>
    %dma_start3A_691 = tpu.memref_squeeze %dma_start3A_690 : memref<1x400xi32, #tpu.memory_space<vmem>> -> memref<400xi32, #tpu.memory_space<vmem>>
    %dma_start3A_692 = arith.constant 0 : i32
    %dma_start3A_693 = arith.constant 0 : i32
    %dma_start3A_694 = tpu.memref_slice %arg8[%dma_start3A_692, %dma_start3A_693] : memref<614400x32xf32, #tpu.memory_space<hbm>> -> memref<614400x32xf32, #tpu.memory_space<hbm>>
    tpu.enqueue_indirect_dma source(%arg18 : memref<400x32xf32, #tpu.memory_space<vmem>>) target(%dma_start3A_694 : memref<614400x32xf32, #tpu.memory_space<hbm>>) offsets(%dma_start3A_691 : memref<400xi32, #tpu.memory_space<vmem>>) semaphore(%arg25 : memref<!tpu.dma_semaphore, #tpu.memory_space<semaphore_mem>>)
    %dma_start3A_695 = arith.constant 7 : i32
    %dma_start3A_696 = arith.constant 0 : i32
    %dma_start3A_697 = tpu.memref_slice %arg13[%dma_start3A_695, %dma_start3A_696] : memref<16x400xi32, #tpu.memory_space<vmem>> -> memref<1x400xi32, #tpu.memory_space<vmem>>
    %dma_start3A_698 = tpu.memref_squeeze %dma_start3A_697 : memref<1x400xi32, #tpu.memory_space<vmem>> -> memref<400xi32, #tpu.memory_space<vmem>>
    %dma_start3A_699 = arith.constant 0 : i32
    %dma_start3A_700 = arith.constant 0 : i32
    %dma_start3A_701 = tpu.memref_slice %arg8[%dma_start3A_699, %dma_start3A_700] : memref<614400x32xf32, #tpu.memory_space<hbm>> -> memref<614400x32xf32, #tpu.memory_space<hbm>>
    tpu.enqueue_indirect_dma source(%arg19 : memref<400x32xf32, #tpu.memory_space<vmem>>) target(%dma_start3A_701 : memref<614400x32xf32, #tpu.memory_space<hbm>>) offsets(%dma_start3A_698 : memref<400xi32, #tpu.memory_space<vmem>>) semaphore(%arg25 : memref<!tpu.dma_semaphore, #tpu.memory_space<semaphore_mem>>)
    %dma_start3A_702 = arith.constant 7 : i32
    %dma_start3A_703 = arith.constant 0 : i32
    %dma_start3A_704 = tpu.memref_slice %arg14[%dma_start3A_702, %dma_start3A_703] : memref<16x400xi32, #tpu.memory_space<vmem>> -> memref<1x400xi32, #tpu.memory_space<vmem>>
    %dma_start3A_705 = tpu.memref_squeeze %dma_start3A_704 : memref<1x400xi32, #tpu.memory_space<vmem>> -> memref<400xi32, #tpu.memory_space<vmem>>
    %dma_start3A_706 = arith.constant 0 : i32
    %dma_start3A_707 = arith.constant 0 : i32
    %dma_start3A_708 = tpu.memref_slice %arg8[%dma_start3A_706, %dma_start3A_707] : memref<614400x32xf32, #tpu.memory_space<hbm>> -> memref<614400x32xf32, #tpu.memory_space<hbm>>
    tpu.enqueue_indirect_dma source(%arg20 : memref<400x32xf32, #tpu.memory_space<vmem>>) target(%dma_start3A_708 : memref<614400x32xf32, #tpu.memory_space<hbm>>) offsets(%dma_start3A_705 : memref<400xi32, #tpu.memory_space<vmem>>) semaphore(%arg25 : memref<!tpu.dma_semaphore, #tpu.memory_space<semaphore_mem>>)
    %dma_wait3A_709 = arith.constant 7 : i32
    %dma_wait3A_710 = arith.constant 0 : i32
    %dma_wait3A_711 = tpu.memref_slice %arg12[%dma_wait3A_709, %dma_wait3A_710] : memref<16x400xi32, #tpu.memory_space<vmem>> -> memref<1x400xi32, #tpu.memory_space<vmem>>
    %dma_wait3A_712 = tpu.memref_squeeze %dma_wait3A_711 : memref<1x400xi32, #tpu.memory_space<vmem>> -> memref<400xi32, #tpu.memory_space<vmem>>
    %dma_wait3A_713 = arith.constant 0 : i32
    %dma_wait3A_714 = arith.constant 0 : i32
    %dma_wait3A_715 = tpu.memref_slice %arg8[%dma_wait3A_713, %dma_wait3A_714] : memref<614400x32xf32, #tpu.memory_space<hbm>> -> memref<614400x32xf32, #tpu.memory_space<hbm>>
    tpu.wait_indirect_dma semaphore(%arg25 : memref<!tpu.dma_semaphore, #tpu.memory_space<semaphore_mem>>) src(%arg18 : memref<400x32xf32, #tpu.memory_space<vmem>>) dst(%dma_wait3A_715 : memref<614400x32xf32, #tpu.memory_space<hbm>>)
    %dma_wait3A_716 = arith.constant 7 : i32
    %dma_wait3A_717 = arith.constant 0 : i32
    %dma_wait3A_718 = tpu.memref_slice %arg13[%dma_wait3A_716, %dma_wait3A_717] : memref<16x400xi32, #tpu.memory_space<vmem>> -> memref<1x400xi32, #tpu.memory_space<vmem>>
    %dma_wait3A_719 = tpu.memref_squeeze %dma_wait3A_718 : memref<1x400xi32, #tpu.memory_space<vmem>> -> memref<400xi32, #tpu.memory_space<vmem>>
    %dma_wait3A_720 = arith.constant 0 : i32
    %dma_wait3A_721 = arith.constant 0 : i32
    %dma_wait3A_722 = tpu.memref_slice %arg8[%dma_wait3A_720, %dma_wait3A_721] : memref<614400x32xf32, #tpu.memory_space<hbm>> -> memref<614400x32xf32, #tpu.memory_space<hbm>>
    tpu.wait_indirect_dma semaphore(%arg25 : memref<!tpu.dma_semaphore, #tpu.memory_space<semaphore_mem>>) src(%arg19 : memref<400x32xf32, #tpu.memory_space<vmem>>) dst(%dma_wait3A_722 : memref<614400x32xf32, #tpu.memory_space<hbm>>)
    %dma_wait3A_723 = arith.constant 7 : i32
    %dma_wait3A_724 = arith.constant 0 : i32
    %dma_wait3A_725 = tpu.memref_slice %arg14[%dma_wait3A_723, %dma_wait3A_724] : memref<16x400xi32, #tpu.memory_space<vmem>> -> memref<1x400xi32, #tpu.memory_space<vmem>>
    %dma_wait3A_726 = tpu.memref_squeeze %dma_wait3A_725 : memref<1x400xi32, #tpu.memory_space<vmem>> -> memref<400xi32, #tpu.memory_space<vmem>>
    %dma_wait3A_727 = arith.constant 0 : i32
    %dma_wait3A_728 = arith.constant 0 : i32
    %dma_wait3A_729 = tpu.memref_slice %arg8[%dma_wait3A_727, %dma_wait3A_728] : memref<614400x32xf32, #tpu.memory_space<hbm>> -> memref<614400x32xf32, #tpu.memory_space<hbm>>
    tpu.wait_indirect_dma semaphore(%arg25 : memref<!tpu.dma_semaphore, #tpu.memory_space<semaphore_mem>>) src(%arg20 : memref<400x32xf32, #tpu.memory_space<vmem>>) dst(%dma_wait3A_729 : memref<614400x32xf32, #tpu.memory_space<hbm>>)
    %dma_start3A_730 = arith.constant 9 : i32
    %dma_start3A_731 = arith.constant 0 : i32
    %dma_start3A_732 = tpu.memref_slice %arg9[%dma_start3A_730, %dma_start3A_731] : memref<16x400xi32, #tpu.memory_space<vmem>> -> memref<1x400xi32, #tpu.memory_space<vmem>>
    %dma_start3A_733 = tpu.memref_squeeze %dma_start3A_732 : memref<1x400xi32, #tpu.memory_space<vmem>> -> memref<400xi32, #tpu.memory_space<vmem>>
    %dma_start3A_734 = arith.constant 0 : i32
    %dma_start3A_735 = arith.constant 0 : i32
    %dma_start3A_736 = tpu.memref_slice %arg5[%dma_start3A_734, %dma_start3A_735] : memref<1000000x32xf32, #tpu.memory_space<hbm>> -> memref<1000000x32xf32, #tpu.memory_space<hbm>>
    tpu.enqueue_indirect_dma source(%dma_start3A_736 : memref<1000000x32xf32, #tpu.memory_space<hbm>>) target(%arg18 : memref<400x32xf32, #tpu.memory_space<vmem>>) offsets(%dma_start3A_733 : memref<400xi32, #tpu.memory_space<vmem>>) semaphore(%arg23 : memref<!tpu.dma_semaphore, #tpu.memory_space<semaphore_mem>>)
    %dma_start3A_737 = arith.constant 9 : i32
    %dma_start3A_738 = arith.constant 0 : i32
    %dma_start3A_739 = tpu.memref_slice %arg10[%dma_start3A_737, %dma_start3A_738] : memref<16x400xi32, #tpu.memory_space<vmem>> -> memref<1x400xi32, #tpu.memory_space<vmem>>
    %dma_start3A_740 = tpu.memref_squeeze %dma_start3A_739 : memref<1x400xi32, #tpu.memory_space<vmem>> -> memref<400xi32, #tpu.memory_space<vmem>>
    %dma_start3A_741 = arith.constant 0 : i32
    %dma_start3A_742 = arith.constant 0 : i32
    %dma_start3A_743 = tpu.memref_slice %arg6[%dma_start3A_741, %dma_start3A_742] : memref<100000x32xf32, #tpu.memory_space<hbm>> -> memref<100000x32xf32, #tpu.memory_space<hbm>>
    tpu.enqueue_indirect_dma source(%dma_start3A_743 : memref<100000x32xf32, #tpu.memory_space<hbm>>) target(%arg19 : memref<400x32xf32, #tpu.memory_space<vmem>>) offsets(%dma_start3A_740 : memref<400xi32, #tpu.memory_space<vmem>>) semaphore(%arg23 : memref<!tpu.dma_semaphore, #tpu.memory_space<semaphore_mem>>)
    %dma_start3A_744 = arith.constant 9 : i32
    %dma_start3A_745 = arith.constant 0 : i32
    %dma_start3A_746 = tpu.memref_slice %arg11[%dma_start3A_744, %dma_start3A_745] : memref<16x400xi32, #tpu.memory_space<vmem>> -> memref<1x400xi32, #tpu.memory_space<vmem>>
    %dma_start3A_747 = tpu.memref_squeeze %dma_start3A_746 : memref<1x400xi32, #tpu.memory_space<vmem>> -> memref<400xi32, #tpu.memory_space<vmem>>
    %dma_start3A_748 = arith.constant 0 : i32
    %dma_start3A_749 = arith.constant 0 : i32
    %dma_start3A_750 = tpu.memref_slice %arg7[%dma_start3A_748, %dma_start3A_749] : memref<1000x32xf32, #tpu.memory_space<hbm>> -> memref<1000x32xf32, #tpu.memory_space<hbm>>
    tpu.enqueue_indirect_dma source(%dma_start3A_750 : memref<1000x32xf32, #tpu.memory_space<hbm>>) target(%arg20 : memref<400x32xf32, #tpu.memory_space<vmem>>) offsets(%dma_start3A_747 : memref<400xi32, #tpu.memory_space<vmem>>) semaphore(%arg23 : memref<!tpu.dma_semaphore, #tpu.memory_space<semaphore_mem>>)
    %dma_wait3A_751 = arith.constant 8 : i32
    %dma_wait3A_752 = arith.constant 0 : i32
    %dma_wait3A_753 = tpu.memref_slice %arg9[%dma_wait3A_751, %dma_wait3A_752] : memref<16x400xi32, #tpu.memory_space<vmem>> -> memref<1x400xi32, #tpu.memory_space<vmem>>
    %dma_wait3A_754 = tpu.memref_squeeze %dma_wait3A_753 : memref<1x400xi32, #tpu.memory_space<vmem>> -> memref<400xi32, #tpu.memory_space<vmem>>
    %dma_wait3A_755 = arith.constant 0 : i32
    %dma_wait3A_756 = arith.constant 0 : i32
    %dma_wait3A_757 = tpu.memref_slice %arg5[%dma_wait3A_755, %dma_wait3A_756] : memref<1000000x32xf32, #tpu.memory_space<hbm>> -> memref<1000000x32xf32, #tpu.memory_space<hbm>>
    tpu.wait_indirect_dma semaphore(%arg22 : memref<!tpu.dma_semaphore, #tpu.memory_space<semaphore_mem>>) src(%dma_wait3A_757 : memref<1000000x32xf32, #tpu.memory_space<hbm>>) dst(%arg15 : memref<400x32xf32, #tpu.memory_space<vmem>>)
    %dma_wait3A_758 = arith.constant 8 : i32
    %dma_wait3A_759 = arith.constant 0 : i32
    %dma_wait3A_760 = tpu.memref_slice %arg10[%dma_wait3A_758, %dma_wait3A_759] : memref<16x400xi32, #tpu.memory_space<vmem>> -> memref<1x400xi32, #tpu.memory_space<vmem>>
    %dma_wait3A_761 = tpu.memref_squeeze %dma_wait3A_760 : memref<1x400xi32, #tpu.memory_space<vmem>> -> memref<400xi32, #tpu.memory_space<vmem>>
    %dma_wait3A_762 = arith.constant 0 : i32
    %dma_wait3A_763 = arith.constant 0 : i32
    %dma_wait3A_764 = tpu.memref_slice %arg6[%dma_wait3A_762, %dma_wait3A_763] : memref<100000x32xf32, #tpu.memory_space<hbm>> -> memref<100000x32xf32, #tpu.memory_space<hbm>>
    tpu.wait_indirect_dma semaphore(%arg22 : memref<!tpu.dma_semaphore, #tpu.memory_space<semaphore_mem>>) src(%dma_wait3A_764 : memref<100000x32xf32, #tpu.memory_space<hbm>>) dst(%arg16 : memref<400x32xf32, #tpu.memory_space<vmem>>)
    %dma_wait3A_765 = arith.constant 8 : i32
    %dma_wait3A_766 = arith.constant 0 : i32
    %dma_wait3A_767 = tpu.memref_slice %arg11[%dma_wait3A_765, %dma_wait3A_766] : memref<16x400xi32, #tpu.memory_space<vmem>> -> memref<1x400xi32, #tpu.memory_space<vmem>>
    %dma_wait3A_768 = tpu.memref_squeeze %dma_wait3A_767 : memref<1x400xi32, #tpu.memory_space<vmem>> -> memref<400xi32, #tpu.memory_space<vmem>>
    %dma_wait3A_769 = arith.constant 0 : i32
    %dma_wait3A_770 = arith.constant 0 : i32
    %dma_wait3A_771 = tpu.memref_slice %arg7[%dma_wait3A_769, %dma_wait3A_770] : memref<1000x32xf32, #tpu.memory_space<hbm>> -> memref<1000x32xf32, #tpu.memory_space<hbm>>
    tpu.wait_indirect_dma semaphore(%arg22 : memref<!tpu.dma_semaphore, #tpu.memory_space<semaphore_mem>>) src(%dma_wait3A_771 : memref<1000x32xf32, #tpu.memory_space<hbm>>) dst(%arg17 : memref<400x32xf32, #tpu.memory_space<vmem>>)
    %dma_start3A_772 = arith.constant 8 : i32
    %dma_start3A_773 = arith.constant 0 : i32
    %dma_start3A_774 = tpu.memref_slice %arg12[%dma_start3A_772, %dma_start3A_773] : memref<16x400xi32, #tpu.memory_space<vmem>> -> memref<1x400xi32, #tpu.memory_space<vmem>>
    %dma_start3A_775 = tpu.memref_squeeze %dma_start3A_774 : memref<1x400xi32, #tpu.memory_space<vmem>> -> memref<400xi32, #tpu.memory_space<vmem>>
    %dma_start3A_776 = arith.constant 0 : i32
    %dma_start3A_777 = arith.constant 0 : i32
    %dma_start3A_778 = tpu.memref_slice %arg8[%dma_start3A_776, %dma_start3A_777] : memref<614400x32xf32, #tpu.memory_space<hbm>> -> memref<614400x32xf32, #tpu.memory_space<hbm>>
    tpu.enqueue_indirect_dma source(%arg15 : memref<400x32xf32, #tpu.memory_space<vmem>>) target(%dma_start3A_778 : memref<614400x32xf32, #tpu.memory_space<hbm>>) offsets(%dma_start3A_775 : memref<400xi32, #tpu.memory_space<vmem>>) semaphore(%arg24 : memref<!tpu.dma_semaphore, #tpu.memory_space<semaphore_mem>>)
    %dma_start3A_779 = arith.constant 8 : i32
    %dma_start3A_780 = arith.constant 0 : i32
    %dma_start3A_781 = tpu.memref_slice %arg13[%dma_start3A_779, %dma_start3A_780] : memref<16x400xi32, #tpu.memory_space<vmem>> -> memref<1x400xi32, #tpu.memory_space<vmem>>
    %dma_start3A_782 = tpu.memref_squeeze %dma_start3A_781 : memref<1x400xi32, #tpu.memory_space<vmem>> -> memref<400xi32, #tpu.memory_space<vmem>>
    %dma_start3A_783 = arith.constant 0 : i32
    %dma_start3A_784 = arith.constant 0 : i32
    %dma_start3A_785 = tpu.memref_slice %arg8[%dma_start3A_783, %dma_start3A_784] : memref<614400x32xf32, #tpu.memory_space<hbm>> -> memref<614400x32xf32, #tpu.memory_space<hbm>>
    tpu.enqueue_indirect_dma source(%arg16 : memref<400x32xf32, #tpu.memory_space<vmem>>) target(%dma_start3A_785 : memref<614400x32xf32, #tpu.memory_space<hbm>>) offsets(%dma_start3A_782 : memref<400xi32, #tpu.memory_space<vmem>>) semaphore(%arg24 : memref<!tpu.dma_semaphore, #tpu.memory_space<semaphore_mem>>)
    %dma_start3A_786 = arith.constant 8 : i32
    %dma_start3A_787 = arith.constant 0 : i32
    %dma_start3A_788 = tpu.memref_slice %arg14[%dma_start3A_786, %dma_start3A_787] : memref<16x400xi32, #tpu.memory_space<vmem>> -> memref<1x400xi32, #tpu.memory_space<vmem>>
    %dma_start3A_789 = tpu.memref_squeeze %dma_start3A_788 : memref<1x400xi32, #tpu.memory_space<vmem>> -> memref<400xi32, #tpu.memory_space<vmem>>
    %dma_start3A_790 = arith.constant 0 : i32
    %dma_start3A_791 = arith.constant 0 : i32
    %dma_start3A_792 = tpu.memref_slice %arg8[%dma_start3A_790, %dma_start3A_791] : memref<614400x32xf32, #tpu.memory_space<hbm>> -> memref<614400x32xf32, #tpu.memory_space<hbm>>
    tpu.enqueue_indirect_dma source(%arg17 : memref<400x32xf32, #tpu.memory_space<vmem>>) target(%dma_start3A_792 : memref<614400x32xf32, #tpu.memory_space<hbm>>) offsets(%dma_start3A_789 : memref<400xi32, #tpu.memory_space<vmem>>) semaphore(%arg24 : memref<!tpu.dma_semaphore, #tpu.memory_space<semaphore_mem>>)
    %dma_wait3A_793 = arith.constant 8 : i32
    %dma_wait3A_794 = arith.constant 0 : i32
    %dma_wait3A_795 = tpu.memref_slice %arg12[%dma_wait3A_793, %dma_wait3A_794] : memref<16x400xi32, #tpu.memory_space<vmem>> -> memref<1x400xi32, #tpu.memory_space<vmem>>
    %dma_wait3A_796 = tpu.memref_squeeze %dma_wait3A_795 : memref<1x400xi32, #tpu.memory_space<vmem>> -> memref<400xi32, #tpu.memory_space<vmem>>
    %dma_wait3A_797 = arith.constant 0 : i32
    %dma_wait3A_798 = arith.constant 0 : i32
    %dma_wait3A_799 = tpu.memref_slice %arg8[%dma_wait3A_797, %dma_wait3A_798] : memref<614400x32xf32, #tpu.memory_space<hbm>> -> memref<614400x32xf32, #tpu.memory_space<hbm>>
    tpu.wait_indirect_dma semaphore(%arg24 : memref<!tpu.dma_semaphore, #tpu.memory_space<semaphore_mem>>) src(%arg15 : memref<400x32xf32, #tpu.memory_space<vmem>>) dst(%dma_wait3A_799 : memref<614400x32xf32, #tpu.memory_space<hbm>>)
    %dma_wait3A_800 = arith.constant 8 : i32
    %dma_wait3A_801 = arith.constant 0 : i32
    %dma_wait3A_802 = tpu.memref_slice %arg13[%dma_wait3A_800, %dma_wait3A_801] : memref<16x400xi32, #tpu.memory_space<vmem>> -> memref<1x400xi32, #tpu.memory_space<vmem>>
    %dma_wait3A_803 = tpu.memref_squeeze %dma_wait3A_802 : memref<1x400xi32, #tpu.memory_space<vmem>> -> memref<400xi32, #tpu.memory_space<vmem>>
    %dma_wait3A_804 = arith.constant 0 : i32
    %dma_wait3A_805 = arith.constant 0 : i32
    %dma_wait3A_806 = tpu.memref_slice %arg8[%dma_wait3A_804, %dma_wait3A_805] : memref<614400x32xf32, #tpu.memory_space<hbm>> -> memref<614400x32xf32, #tpu.memory_space<hbm>>
    tpu.wait_indirect_dma semaphore(%arg24 : memref<!tpu.dma_semaphore, #tpu.memory_space<semaphore_mem>>) src(%arg16 : memref<400x32xf32, #tpu.memory_space<vmem>>) dst(%dma_wait3A_806 : memref<614400x32xf32, #tpu.memory_space<hbm>>)
    %dma_wait3A_807 = arith.constant 8 : i32
    %dma_wait3A_808 = arith.constant 0 : i32
    %dma_wait3A_809 = tpu.memref_slice %arg14[%dma_wait3A_807, %dma_wait3A_808] : memref<16x400xi32, #tpu.memory_space<vmem>> -> memref<1x400xi32, #tpu.memory_space<vmem>>
    %dma_wait3A_810 = tpu.memref_squeeze %dma_wait3A_809 : memref<1x400xi32, #tpu.memory_space<vmem>> -> memref<400xi32, #tpu.memory_space<vmem>>
    %dma_wait3A_811 = arith.constant 0 : i32
    %dma_wait3A_812 = arith.constant 0 : i32
    %dma_wait3A_813 = tpu.memref_slice %arg8[%dma_wait3A_811, %dma_wait3A_812] : memref<614400x32xf32, #tpu.memory_space<hbm>> -> memref<614400x32xf32, #tpu.memory_space<hbm>>
    tpu.wait_indirect_dma semaphore(%arg24 : memref<!tpu.dma_semaphore, #tpu.memory_space<semaphore_mem>>) src(%arg17 : memref<400x32xf32, #tpu.memory_space<vmem>>) dst(%dma_wait3A_813 : memref<614400x32xf32, #tpu.memory_space<hbm>>)
    %dma_start3A_814 = arith.constant 10 : i32
    %dma_start3A_815 = arith.constant 0 : i32
    %dma_start3A_816 = tpu.memref_slice %arg9[%dma_start3A_814, %dma_start3A_815] : memref<16x400xi32, #tpu.memory_space<vmem>> -> memref<1x400xi32, #tpu.memory_space<vmem>>
    %dma_start3A_817 = tpu.memref_squeeze %dma_start3A_816 : memref<1x400xi32, #tpu.memory_space<vmem>> -> memref<400xi32, #tpu.memory_space<vmem>>
    %dma_start3A_818 = arith.constant 0 : i32
    %dma_start3A_819 = arith.constant 0 : i32
    %dma_start3A_820 = tpu.memref_slice %arg5[%dma_start3A_818, %dma_start3A_819] : memref<1000000x32xf32, #tpu.memory_space<hbm>> -> memref<1000000x32xf32, #tpu.memory_space<hbm>>
    tpu.enqueue_indirect_dma source(%dma_start3A_820 : memref<1000000x32xf32, #tpu.memory_space<hbm>>) target(%arg15 : memref<400x32xf32, #tpu.memory_space<vmem>>) offsets(%dma_start3A_817 : memref<400xi32, #tpu.memory_space<vmem>>) semaphore(%arg22 : memref<!tpu.dma_semaphore, #tpu.memory_space<semaphore_mem>>)
    %dma_start3A_821 = arith.constant 10 : i32
    %dma_start3A_822 = arith.constant 0 : i32
    %dma_start3A_823 = tpu.memref_slice %arg10[%dma_start3A_821, %dma_start3A_822] : memref<16x400xi32, #tpu.memory_space<vmem>> -> memref<1x400xi32, #tpu.memory_space<vmem>>
    %dma_start3A_824 = tpu.memref_squeeze %dma_start3A_823 : memref<1x400xi32, #tpu.memory_space<vmem>> -> memref<400xi32, #tpu.memory_space<vmem>>
    %dma_start3A_825 = arith.constant 0 : i32
    %dma_start3A_826 = arith.constant 0 : i32
    %dma_start3A_827 = tpu.memref_slice %arg6[%dma_start3A_825, %dma_start3A_826] : memref<100000x32xf32, #tpu.memory_space<hbm>> -> memref<100000x32xf32, #tpu.memory_space<hbm>>
    tpu.enqueue_indirect_dma source(%dma_start3A_827 : memref<100000x32xf32, #tpu.memory_space<hbm>>) target(%arg16 : memref<400x32xf32, #tpu.memory_space<vmem>>) offsets(%dma_start3A_824 : memref<400xi32, #tpu.memory_space<vmem>>) semaphore(%arg22 : memref<!tpu.dma_semaphore, #tpu.memory_space<semaphore_mem>>)
    %dma_start3A_828 = arith.constant 10 : i32
    %dma_start3A_829 = arith.constant 0 : i32
    %dma_start3A_830 = tpu.memref_slice %arg11[%dma_start3A_828, %dma_start3A_829] : memref<16x400xi32, #tpu.memory_space<vmem>> -> memref<1x400xi32, #tpu.memory_space<vmem>>
    %dma_start3A_831 = tpu.memref_squeeze %dma_start3A_830 : memref<1x400xi32, #tpu.memory_space<vmem>> -> memref<400xi32, #tpu.memory_space<vmem>>
    %dma_start3A_832 = arith.constant 0 : i32
    %dma_start3A_833 = arith.constant 0 : i32
    %dma_start3A_834 = tpu.memref_slice %arg7[%dma_start3A_832, %dma_start3A_833] : memref<1000x32xf32, #tpu.memory_space<hbm>> -> memref<1000x32xf32, #tpu.memory_space<hbm>>
    tpu.enqueue_indirect_dma source(%dma_start3A_834 : memref<1000x32xf32, #tpu.memory_space<hbm>>) target(%arg17 : memref<400x32xf32, #tpu.memory_space<vmem>>) offsets(%dma_start3A_831 : memref<400xi32, #tpu.memory_space<vmem>>) semaphore(%arg22 : memref<!tpu.dma_semaphore, #tpu.memory_space<semaphore_mem>>)
    %dma_wait3A_835 = arith.constant 9 : i32
    %dma_wait3A_836 = arith.constant 0 : i32
    %dma_wait3A_837 = tpu.memref_slice %arg9[%dma_wait3A_835, %dma_wait3A_836] : memref<16x400xi32, #tpu.memory_space<vmem>> -> memref<1x400xi32, #tpu.memory_space<vmem>>
    %dma_wait3A_838 = tpu.memref_squeeze %dma_wait3A_837 : memref<1x400xi32, #tpu.memory_space<vmem>> -> memref<400xi32, #tpu.memory_space<vmem>>
    %dma_wait3A_839 = arith.constant 0 : i32
    %dma_wait3A_840 = arith.constant 0 : i32
    %dma_wait3A_841 = tpu.memref_slice %arg5[%dma_wait3A_839, %dma_wait3A_840] : memref<1000000x32xf32, #tpu.memory_space<hbm>> -> memref<1000000x32xf32, #tpu.memory_space<hbm>>
    tpu.wait_indirect_dma semaphore(%arg23 : memref<!tpu.dma_semaphore, #tpu.memory_space<semaphore_mem>>) src(%dma_wait3A_841 : memref<1000000x32xf32, #tpu.memory_space<hbm>>) dst(%arg18 : memref<400x32xf32, #tpu.memory_space<vmem>>)
    %dma_wait3A_842 = arith.constant 9 : i32
    %dma_wait3A_843 = arith.constant 0 : i32
    %dma_wait3A_844 = tpu.memref_slice %arg10[%dma_wait3A_842, %dma_wait3A_843] : memref<16x400xi32, #tpu.memory_space<vmem>> -> memref<1x400xi32, #tpu.memory_space<vmem>>
    %dma_wait3A_845 = tpu.memref_squeeze %dma_wait3A_844 : memref<1x400xi32, #tpu.memory_space<vmem>> -> memref<400xi32, #tpu.memory_space<vmem>>
    %dma_wait3A_846 = arith.constant 0 : i32
    %dma_wait3A_847 = arith.constant 0 : i32
    %dma_wait3A_848 = tpu.memref_slice %arg6[%dma_wait3A_846, %dma_wait3A_847] : memref<100000x32xf32, #tpu.memory_space<hbm>> -> memref<100000x32xf32, #tpu.memory_space<hbm>>
    tpu.wait_indirect_dma semaphore(%arg23 : memref<!tpu.dma_semaphore, #tpu.memory_space<semaphore_mem>>) src(%dma_wait3A_848 : memref<100000x32xf32, #tpu.memory_space<hbm>>) dst(%arg19 : memref<400x32xf32, #tpu.memory_space<vmem>>)
    %dma_wait3A_849 = arith.constant 9 : i32
    %dma_wait3A_850 = arith.constant 0 : i32
    %dma_wait3A_851 = tpu.memref_slice %arg11[%dma_wait3A_849, %dma_wait3A_850] : memref<16x400xi32, #tpu.memory_space<vmem>> -> memref<1x400xi32, #tpu.memory_space<vmem>>
    %dma_wait3A_852 = tpu.memref_squeeze %dma_wait3A_851 : memref<1x400xi32, #tpu.memory_space<vmem>> -> memref<400xi32, #tpu.memory_space<vmem>>
    %dma_wait3A_853 = arith.constant 0 : i32
    %dma_wait3A_854 = arith.constant 0 : i32
    %dma_wait3A_855 = tpu.memref_slice %arg7[%dma_wait3A_853, %dma_wait3A_854] : memref<1000x32xf32, #tpu.memory_space<hbm>> -> memref<1000x32xf32, #tpu.memory_space<hbm>>
    tpu.wait_indirect_dma semaphore(%arg23 : memref<!tpu.dma_semaphore, #tpu.memory_space<semaphore_mem>>) src(%dma_wait3A_855 : memref<1000x32xf32, #tpu.memory_space<hbm>>) dst(%arg20 : memref<400x32xf32, #tpu.memory_space<vmem>>)
    %dma_start3A_856 = arith.constant 9 : i32
    %dma_start3A_857 = arith.constant 0 : i32
    %dma_start3A_858 = tpu.memref_slice %arg12[%dma_start3A_856, %dma_start3A_857] : memref<16x400xi32, #tpu.memory_space<vmem>> -> memref<1x400xi32, #tpu.memory_space<vmem>>
    %dma_start3A_859 = tpu.memref_squeeze %dma_start3A_858 : memref<1x400xi32, #tpu.memory_space<vmem>> -> memref<400xi32, #tpu.memory_space<vmem>>
    %dma_start3A_860 = arith.constant 0 : i32
    %dma_start3A_861 = arith.constant 0 : i32
    %dma_start3A_862 = tpu.memref_slice %arg8[%dma_start3A_860, %dma_start3A_861] : memref<614400x32xf32, #tpu.memory_space<hbm>> -> memref<614400x32xf32, #tpu.memory_space<hbm>>
    tpu.enqueue_indirect_dma source(%arg18 : memref<400x32xf32, #tpu.memory_space<vmem>>) target(%dma_start3A_862 : memref<614400x32xf32, #tpu.memory_space<hbm>>) offsets(%dma_start3A_859 : memref<400xi32, #tpu.memory_space<vmem>>) semaphore(%arg25 : memref<!tpu.dma_semaphore, #tpu.memory_space<semaphore_mem>>)
    %dma_start3A_863 = arith.constant 9 : i32
    %dma_start3A_864 = arith.constant 0 : i32
    %dma_start3A_865 = tpu.memref_slice %arg13[%dma_start3A_863, %dma_start3A_864] : memref<16x400xi32, #tpu.memory_space<vmem>> -> memref<1x400xi32, #tpu.memory_space<vmem>>
    %dma_start3A_866 = tpu.memref_squeeze %dma_start3A_865 : memref<1x400xi32, #tpu.memory_space<vmem>> -> memref<400xi32, #tpu.memory_space<vmem>>
    %dma_start3A_867 = arith.constant 0 : i32
    %dma_start3A_868 = arith.constant 0 : i32
    %dma_start3A_869 = tpu.memref_slice %arg8[%dma_start3A_867, %dma_start3A_868] : memref<614400x32xf32, #tpu.memory_space<hbm>> -> memref<614400x32xf32, #tpu.memory_space<hbm>>
    tpu.enqueue_indirect_dma source(%arg19 : memref<400x32xf32, #tpu.memory_space<vmem>>) target(%dma_start3A_869 : memref<614400x32xf32, #tpu.memory_space<hbm>>) offsets(%dma_start3A_866 : memref<400xi32, #tpu.memory_space<vmem>>) semaphore(%arg25 : memref<!tpu.dma_semaphore, #tpu.memory_space<semaphore_mem>>)
    %dma_start3A_870 = arith.constant 9 : i32
    %dma_start3A_871 = arith.constant 0 : i32
    %dma_start3A_872 = tpu.memref_slice %arg14[%dma_start3A_870, %dma_start3A_871] : memref<16x400xi32, #tpu.memory_space<vmem>> -> memref<1x400xi32, #tpu.memory_space<vmem>>
    %dma_start3A_873 = tpu.memref_squeeze %dma_start3A_872 : memref<1x400xi32, #tpu.memory_space<vmem>> -> memref<400xi32, #tpu.memory_space<vmem>>
    %dma_start3A_874 = arith.constant 0 : i32
    %dma_start3A_875 = arith.constant 0 : i32
    %dma_start3A_876 = tpu.memref_slice %arg8[%dma_start3A_874, %dma_start3A_875] : memref<614400x32xf32, #tpu.memory_space<hbm>> -> memref<614400x32xf32, #tpu.memory_space<hbm>>
    tpu.enqueue_indirect_dma source(%arg20 : memref<400x32xf32, #tpu.memory_space<vmem>>) target(%dma_start3A_876 : memref<614400x32xf32, #tpu.memory_space<hbm>>) offsets(%dma_start3A_873 : memref<400xi32, #tpu.memory_space<vmem>>) semaphore(%arg25 : memref<!tpu.dma_semaphore, #tpu.memory_space<semaphore_mem>>)
    %dma_wait3A_877 = arith.constant 9 : i32
    %dma_wait3A_878 = arith.constant 0 : i32
    %dma_wait3A_879 = tpu.memref_slice %arg12[%dma_wait3A_877, %dma_wait3A_878] : memref<16x400xi32, #tpu.memory_space<vmem>> -> memref<1x400xi32, #tpu.memory_space<vmem>>
    %dma_wait3A_880 = tpu.memref_squeeze %dma_wait3A_879 : memref<1x400xi32, #tpu.memory_space<vmem>> -> memref<400xi32, #tpu.memory_space<vmem>>
    %dma_wait3A_881 = arith.constant 0 : i32
    %dma_wait3A_882 = arith.constant 0 : i32
    %dma_wait3A_883 = tpu.memref_slice %arg8[%dma_wait3A_881, %dma_wait3A_882] : memref<614400x32xf32, #tpu.memory_space<hbm>> -> memref<614400x32xf32, #tpu.memory_space<hbm>>
    tpu.wait_indirect_dma semaphore(%arg25 : memref<!tpu.dma_semaphore, #tpu.memory_space<semaphore_mem>>) src(%arg18 : memref<400x32xf32, #tpu.memory_space<vmem>>) dst(%dma_wait3A_883 : memref<614400x32xf32, #tpu.memory_space<hbm>>)
    %dma_wait3A_884 = arith.constant 9 : i32
    %dma_wait3A_885 = arith.constant 0 : i32
    %dma_wait3A_886 = tpu.memref_slice %arg13[%dma_wait3A_884, %dma_wait3A_885] : memref<16x400xi32, #tpu.memory_space<vmem>> -> memref<1x400xi32, #tpu.memory_space<vmem>>
    %dma_wait3A_887 = tpu.memref_squeeze %dma_wait3A_886 : memref<1x400xi32, #tpu.memory_space<vmem>> -> memref<400xi32, #tpu.memory_space<vmem>>
    %dma_wait3A_888 = arith.constant 0 : i32
    %dma_wait3A_889 = arith.constant 0 : i32
    %dma_wait3A_890 = tpu.memref_slice %arg8[%dma_wait3A_888, %dma_wait3A_889] : memref<614400x32xf32, #tpu.memory_space<hbm>> -> memref<614400x32xf32, #tpu.memory_space<hbm>>
    tpu.wait_indirect_dma semaphore(%arg25 : memref<!tpu.dma_semaphore, #tpu.memory_space<semaphore_mem>>) src(%arg19 : memref<400x32xf32, #tpu.memory_space<vmem>>) dst(%dma_wait3A_890 : memref<614400x32xf32, #tpu.memory_space<hbm>>)
    %dma_wait3A_891 = arith.constant 9 : i32
    %dma_wait3A_892 = arith.constant 0 : i32
    %dma_wait3A_893 = tpu.memref_slice %arg14[%dma_wait3A_891, %dma_wait3A_892] : memref<16x400xi32, #tpu.memory_space<vmem>> -> memref<1x400xi32, #tpu.memory_space<vmem>>
    %dma_wait3A_894 = tpu.memref_squeeze %dma_wait3A_893 : memref<1x400xi32, #tpu.memory_space<vmem>> -> memref<400xi32, #tpu.memory_space<vmem>>
    %dma_wait3A_895 = arith.constant 0 : i32
    %dma_wait3A_896 = arith.constant 0 : i32
    %dma_wait3A_897 = tpu.memref_slice %arg8[%dma_wait3A_895, %dma_wait3A_896] : memref<614400x32xf32, #tpu.memory_space<hbm>> -> memref<614400x32xf32, #tpu.memory_space<hbm>>
    tpu.wait_indirect_dma semaphore(%arg25 : memref<!tpu.dma_semaphore, #tpu.memory_space<semaphore_mem>>) src(%arg20 : memref<400x32xf32, #tpu.memory_space<vmem>>) dst(%dma_wait3A_897 : memref<614400x32xf32, #tpu.memory_space<hbm>>)
    %dma_start3A_898 = arith.constant 11 : i32
    %dma_start3A_899 = arith.constant 0 : i32
    %dma_start3A_900 = tpu.memref_slice %arg9[%dma_start3A_898, %dma_start3A_899] : memref<16x400xi32, #tpu.memory_space<vmem>> -> memref<1x400xi32, #tpu.memory_space<vmem>>
    %dma_start3A_901 = tpu.memref_squeeze %dma_start3A_900 : memref<1x400xi32, #tpu.memory_space<vmem>> -> memref<400xi32, #tpu.memory_space<vmem>>
    %dma_start3A_902 = arith.constant 0 : i32
    %dma_start3A_903 = arith.constant 0 : i32
    %dma_start3A_904 = tpu.memref_slice %arg5[%dma_start3A_902, %dma_start3A_903] : memref<1000000x32xf32, #tpu.memory_space<hbm>> -> memref<1000000x32xf32, #tpu.memory_space<hbm>>
    tpu.enqueue_indirect_dma source(%dma_start3A_904 : memref<1000000x32xf32, #tpu.memory_space<hbm>>) target(%arg18 : memref<400x32xf32, #tpu.memory_space<vmem>>) offsets(%dma_start3A_901 : memref<400xi32, #tpu.memory_space<vmem>>) semaphore(%arg23 : memref<!tpu.dma_semaphore, #tpu.memory_space<semaphore_mem>>)
    %dma_start3A_905 = arith.constant 11 : i32
    %dma_start3A_906 = arith.constant 0 : i32
    %dma_start3A_907 = tpu.memref_slice %arg10[%dma_start3A_905, %dma_start3A_906] : memref<16x400xi32, #tpu.memory_space<vmem>> -> memref<1x400xi32, #tpu.memory_space<vmem>>
    %dma_start3A_908 = tpu.memref_squeeze %dma_start3A_907 : memref<1x400xi32, #tpu.memory_space<vmem>> -> memref<400xi32, #tpu.memory_space<vmem>>
    %dma_start3A_909 = arith.constant 0 : i32
    %dma_start3A_910 = arith.constant 0 : i32
    %dma_start3A_911 = tpu.memref_slice %arg6[%dma_start3A_909, %dma_start3A_910] : memref<100000x32xf32, #tpu.memory_space<hbm>> -> memref<100000x32xf32, #tpu.memory_space<hbm>>
    tpu.enqueue_indirect_dma source(%dma_start3A_911 : memref<100000x32xf32, #tpu.memory_space<hbm>>) target(%arg19 : memref<400x32xf32, #tpu.memory_space<vmem>>) offsets(%dma_start3A_908 : memref<400xi32, #tpu.memory_space<vmem>>) semaphore(%arg23 : memref<!tpu.dma_semaphore, #tpu.memory_space<semaphore_mem>>)
    %dma_start3A_912 = arith.constant 11 : i32
    %dma_start3A_913 = arith.constant 0 : i32
    %dma_start3A_914 = tpu.memref_slice %arg11[%dma_start3A_912, %dma_start3A_913] : memref<16x400xi32, #tpu.memory_space<vmem>> -> memref<1x400xi32, #tpu.memory_space<vmem>>
    %dma_start3A_915 = tpu.memref_squeeze %dma_start3A_914 : memref<1x400xi32, #tpu.memory_space<vmem>> -> memref<400xi32, #tpu.memory_space<vmem>>
    %dma_start3A_916 = arith.constant 0 : i32
    %dma_start3A_917 = arith.constant 0 : i32
    %dma_start3A_918 = tpu.memref_slice %arg7[%dma_start3A_916, %dma_start3A_917] : memref<1000x32xf32, #tpu.memory_space<hbm>> -> memref<1000x32xf32, #tpu.memory_space<hbm>>
    tpu.enqueue_indirect_dma source(%dma_start3A_918 : memref<1000x32xf32, #tpu.memory_space<hbm>>) target(%arg20 : memref<400x32xf32, #tpu.memory_space<vmem>>) offsets(%dma_start3A_915 : memref<400xi32, #tpu.memory_space<vmem>>) semaphore(%arg23 : memref<!tpu.dma_semaphore, #tpu.memory_space<semaphore_mem>>)
    %dma_wait3A_919 = arith.constant 10 : i32
    %dma_wait3A_920 = arith.constant 0 : i32
    %dma_wait3A_921 = tpu.memref_slice %arg9[%dma_wait3A_919, %dma_wait3A_920] : memref<16x400xi32, #tpu.memory_space<vmem>> -> memref<1x400xi32, #tpu.memory_space<vmem>>
    %dma_wait3A_922 = tpu.memref_squeeze %dma_wait3A_921 : memref<1x400xi32, #tpu.memory_space<vmem>> -> memref<400xi32, #tpu.memory_space<vmem>>
    %dma_wait3A_923 = arith.constant 0 : i32
    %dma_wait3A_924 = arith.constant 0 : i32
    %dma_wait3A_925 = tpu.memref_slice %arg5[%dma_wait3A_923, %dma_wait3A_924] : memref<1000000x32xf32, #tpu.memory_space<hbm>> -> memref<1000000x32xf32, #tpu.memory_space<hbm>>
    tpu.wait_indirect_dma semaphore(%arg22 : memref<!tpu.dma_semaphore, #tpu.memory_space<semaphore_mem>>) src(%dma_wait3A_925 : memref<1000000x32xf32, #tpu.memory_space<hbm>>) dst(%arg15 : memref<400x32xf32, #tpu.memory_space<vmem>>)
    %dma_wait3A_926 = arith.constant 10 : i32
    %dma_wait3A_927 = arith.constant 0 : i32
    %dma_wait3A_928 = tpu.memref_slice %arg10[%dma_wait3A_926, %dma_wait3A_927] : memref<16x400xi32, #tpu.memory_space<vmem>> -> memref<1x400xi32, #tpu.memory_space<vmem>>
    %dma_wait3A_929 = tpu.memref_squeeze %dma_wait3A_928 : memref<1x400xi32, #tpu.memory_space<vmem>> -> memref<400xi32, #tpu.memory_space<vmem>>
    %dma_wait3A_930 = arith.constant 0 : i32
    %dma_wait3A_931 = arith.constant 0 : i32
    %dma_wait3A_932 = tpu.memref_slice %arg6[%dma_wait3A_930, %dma_wait3A_931] : memref<100000x32xf32, #tpu.memory_space<hbm>> -> memref<100000x32xf32, #tpu.memory_space<hbm>>
    tpu.wait_indirect_dma semaphore(%arg22 : memref<!tpu.dma_semaphore, #tpu.memory_space<semaphore_mem>>) src(%dma_wait3A_932 : memref<100000x32xf32, #tpu.memory_space<hbm>>) dst(%arg16 : memref<400x32xf32, #tpu.memory_space<vmem>>)
    %dma_wait3A_933 = arith.constant 10 : i32
    %dma_wait3A_934 = arith.constant 0 : i32
    %dma_wait3A_935 = tpu.memref_slice %arg11[%dma_wait3A_933, %dma_wait3A_934] : memref<16x400xi32, #tpu.memory_space<vmem>> -> memref<1x400xi32, #tpu.memory_space<vmem>>
    %dma_wait3A_936 = tpu.memref_squeeze %dma_wait3A_935 : memref<1x400xi32, #tpu.memory_space<vmem>> -> memref<400xi32, #tpu.memory_space<vmem>>
    %dma_wait3A_937 = arith.constant 0 : i32
    %dma_wait3A_938 = arith.constant 0 : i32
    %dma_wait3A_939 = tpu.memref_slice %arg7[%dma_wait3A_937, %dma_wait3A_938] : memref<1000x32xf32, #tpu.memory_space<hbm>> -> memref<1000x32xf32, #tpu.memory_space<hbm>>
    tpu.wait_indirect_dma semaphore(%arg22 : memref<!tpu.dma_semaphore, #tpu.memory_space<semaphore_mem>>) src(%dma_wait3A_939 : memref<1000x32xf32, #tpu.memory_space<hbm>>) dst(%arg17 : memref<400x32xf32, #tpu.memory_space<vmem>>)
    %dma_start3A_940 = arith.constant 10 : i32
    %dma_start3A_941 = arith.constant 0 : i32
    %dma_start3A_942 = tpu.memref_slice %arg12[%dma_start3A_940, %dma_start3A_941] : memref<16x400xi32, #tpu.memory_space<vmem>> -> memref<1x400xi32, #tpu.memory_space<vmem>>
    %dma_start3A_943 = tpu.memref_squeeze %dma_start3A_942 : memref<1x400xi32, #tpu.memory_space<vmem>> -> memref<400xi32, #tpu.memory_space<vmem>>
    %dma_start3A_944 = arith.constant 0 : i32
    %dma_start3A_945 = arith.constant 0 : i32
    %dma_start3A_946 = tpu.memref_slice %arg8[%dma_start3A_944, %dma_start3A_945] : memref<614400x32xf32, #tpu.memory_space<hbm>> -> memref<614400x32xf32, #tpu.memory_space<hbm>>
    tpu.enqueue_indirect_dma source(%arg15 : memref<400x32xf32, #tpu.memory_space<vmem>>) target(%dma_start3A_946 : memref<614400x32xf32, #tpu.memory_space<hbm>>) offsets(%dma_start3A_943 : memref<400xi32, #tpu.memory_space<vmem>>) semaphore(%arg24 : memref<!tpu.dma_semaphore, #tpu.memory_space<semaphore_mem>>)
    %dma_start3A_947 = arith.constant 10 : i32
    %dma_start3A_948 = arith.constant 0 : i32
    %dma_start3A_949 = tpu.memref_slice %arg13[%dma_start3A_947, %dma_start3A_948] : memref<16x400xi32, #tpu.memory_space<vmem>> -> memref<1x400xi32, #tpu.memory_space<vmem>>
    %dma_start3A_950 = tpu.memref_squeeze %dma_start3A_949 : memref<1x400xi32, #tpu.memory_space<vmem>> -> memref<400xi32, #tpu.memory_space<vmem>>
    %dma_start3A_951 = arith.constant 0 : i32
    %dma_start3A_952 = arith.constant 0 : i32
    %dma_start3A_953 = tpu.memref_slice %arg8[%dma_start3A_951, %dma_start3A_952] : memref<614400x32xf32, #tpu.memory_space<hbm>> -> memref<614400x32xf32, #tpu.memory_space<hbm>>
    tpu.enqueue_indirect_dma source(%arg16 : memref<400x32xf32, #tpu.memory_space<vmem>>) target(%dma_start3A_953 : memref<614400x32xf32, #tpu.memory_space<hbm>>) offsets(%dma_start3A_950 : memref<400xi32, #tpu.memory_space<vmem>>) semaphore(%arg24 : memref<!tpu.dma_semaphore, #tpu.memory_space<semaphore_mem>>)
    %dma_start3A_954 = arith.constant 10 : i32
    %dma_start3A_955 = arith.constant 0 : i32
    %dma_start3A_956 = tpu.memref_slice %arg14[%dma_start3A_954, %dma_start3A_955] : memref<16x400xi32, #tpu.memory_space<vmem>> -> memref<1x400xi32, #tpu.memory_space<vmem>>
    %dma_start3A_957 = tpu.memref_squeeze %dma_start3A_956 : memref<1x400xi32, #tpu.memory_space<vmem>> -> memref<400xi32, #tpu.memory_space<vmem>>
    %dma_start3A_958 = arith.constant 0 : i32
    %dma_start3A_959 = arith.constant 0 : i32
    %dma_start3A_960 = tpu.memref_slice %arg8[%dma_start3A_958, %dma_start3A_959] : memref<614400x32xf32, #tpu.memory_space<hbm>> -> memref<614400x32xf32, #tpu.memory_space<hbm>>
    tpu.enqueue_indirect_dma source(%arg17 : memref<400x32xf32, #tpu.memory_space<vmem>>) target(%dma_start3A_960 : memref<614400x32xf32, #tpu.memory_space<hbm>>) offsets(%dma_start3A_957 : memref<400xi32, #tpu.memory_space<vmem>>) semaphore(%arg24 : memref<!tpu.dma_semaphore, #tpu.memory_space<semaphore_mem>>)
    %dma_wait3A_961 = arith.constant 10 : i32
    %dma_wait3A_962 = arith.constant 0 : i32
    %dma_wait3A_963 = tpu.memref_slice %arg12[%dma_wait3A_961, %dma_wait3A_962] : memref<16x400xi32, #tpu.memory_space<vmem>> -> memref<1x400xi32, #tpu.memory_space<vmem>>
    %dma_wait3A_964 = tpu.memref_squeeze %dma_wait3A_963 : memref<1x400xi32, #tpu.memory_space<vmem>> -> memref<400xi32, #tpu.memory_space<vmem>>
    %dma_wait3A_965 = arith.constant 0 : i32
    %dma_wait3A_966 = arith.constant 0 : i32
    %dma_wait3A_967 = tpu.memref_slice %arg8[%dma_wait3A_965, %dma_wait3A_966] : memref<614400x32xf32, #tpu.memory_space<hbm>> -> memref<614400x32xf32, #tpu.memory_space<hbm>>
    tpu.wait_indirect_dma semaphore(%arg24 : memref<!tpu.dma_semaphore, #tpu.memory_space<semaphore_mem>>) src(%arg15 : memref<400x32xf32, #tpu.memory_space<vmem>>) dst(%dma_wait3A_967 : memref<614400x32xf32, #tpu.memory_space<hbm>>)
    %dma_wait3A_968 = arith.constant 10 : i32
    %dma_wait3A_969 = arith.constant 0 : i32
    %dma_wait3A_970 = tpu.memref_slice %arg13[%dma_wait3A_968, %dma_wait3A_969] : memref<16x400xi32, #tpu.memory_space<vmem>> -> memref<1x400xi32, #tpu.memory_space<vmem>>
    %dma_wait3A_971 = tpu.memref_squeeze %dma_wait3A_970 : memref<1x400xi32, #tpu.memory_space<vmem>> -> memref<400xi32, #tpu.memory_space<vmem>>
    %dma_wait3A_972 = arith.constant 0 : i32
    %dma_wait3A_973 = arith.constant 0 : i32
    %dma_wait3A_974 = tpu.memref_slice %arg8[%dma_wait3A_972, %dma_wait3A_973] : memref<614400x32xf32, #tpu.memory_space<hbm>> -> memref<614400x32xf32, #tpu.memory_space<hbm>>
    tpu.wait_indirect_dma semaphore(%arg24 : memref<!tpu.dma_semaphore, #tpu.memory_space<semaphore_mem>>) src(%arg16 : memref<400x32xf32, #tpu.memory_space<vmem>>) dst(%dma_wait3A_974 : memref<614400x32xf32, #tpu.memory_space<hbm>>)
    %dma_wait3A_975 = arith.constant 10 : i32
    %dma_wait3A_976 = arith.constant 0 : i32
    %dma_wait3A_977 = tpu.memref_slice %arg14[%dma_wait3A_975, %dma_wait3A_976] : memref<16x400xi32, #tpu.memory_space<vmem>> -> memref<1x400xi32, #tpu.memory_space<vmem>>
    %dma_wait3A_978 = tpu.memref_squeeze %dma_wait3A_977 : memref<1x400xi32, #tpu.memory_space<vmem>> -> memref<400xi32, #tpu.memory_space<vmem>>
    %dma_wait3A_979 = arith.constant 0 : i32
    %dma_wait3A_980 = arith.constant 0 : i32
    %dma_wait3A_981 = tpu.memref_slice %arg8[%dma_wait3A_979, %dma_wait3A_980] : memref<614400x32xf32, #tpu.memory_space<hbm>> -> memref<614400x32xf32, #tpu.memory_space<hbm>>
    tpu.wait_indirect_dma semaphore(%arg24 : memref<!tpu.dma_semaphore, #tpu.memory_space<semaphore_mem>>) src(%arg17 : memref<400x32xf32, #tpu.memory_space<vmem>>) dst(%dma_wait3A_981 : memref<614400x32xf32, #tpu.memory_space<hbm>>)
    %dma_start3A_982 = arith.constant 12 : i32
    %dma_start3A_983 = arith.constant 0 : i32
    %dma_start3A_984 = tpu.memref_slice %arg9[%dma_start3A_982, %dma_start3A_983] : memref<16x400xi32, #tpu.memory_space<vmem>> -> memref<1x400xi32, #tpu.memory_space<vmem>>
    %dma_start3A_985 = tpu.memref_squeeze %dma_start3A_984 : memref<1x400xi32, #tpu.memory_space<vmem>> -> memref<400xi32, #tpu.memory_space<vmem>>
    %dma_start3A_986 = arith.constant 0 : i32
    %dma_start3A_987 = arith.constant 0 : i32
    %dma_start3A_988 = tpu.memref_slice %arg5[%dma_start3A_986, %dma_start3A_987] : memref<1000000x32xf32, #tpu.memory_space<hbm>> -> memref<1000000x32xf32, #tpu.memory_space<hbm>>
    tpu.enqueue_indirect_dma source(%dma_start3A_988 : memref<1000000x32xf32, #tpu.memory_space<hbm>>) target(%arg15 : memref<400x32xf32, #tpu.memory_space<vmem>>) offsets(%dma_start3A_985 : memref<400xi32, #tpu.memory_space<vmem>>) semaphore(%arg22 : memref<!tpu.dma_semaphore, #tpu.memory_space<semaphore_mem>>)
    %dma_start3A_989 = arith.constant 12 : i32
    %dma_start3A_990 = arith.constant 0 : i32
    %dma_start3A_991 = tpu.memref_slice %arg10[%dma_start3A_989, %dma_start3A_990] : memref<16x400xi32, #tpu.memory_space<vmem>> -> memref<1x400xi32, #tpu.memory_space<vmem>>
    %dma_start3A_992 = tpu.memref_squeeze %dma_start3A_991 : memref<1x400xi32, #tpu.memory_space<vmem>> -> memref<400xi32, #tpu.memory_space<vmem>>
    %dma_start3A_993 = arith.constant 0 : i32
    %dma_start3A_994 = arith.constant 0 : i32
    %dma_start3A_995 = tpu.memref_slice %arg6[%dma_start3A_993, %dma_start3A_994] : memref<100000x32xf32, #tpu.memory_space<hbm>> -> memref<100000x32xf32, #tpu.memory_space<hbm>>
    tpu.enqueue_indirect_dma source(%dma_start3A_995 : memref<100000x32xf32, #tpu.memory_space<hbm>>) target(%arg16 : memref<400x32xf32, #tpu.memory_space<vmem>>) offsets(%dma_start3A_992 : memref<400xi32, #tpu.memory_space<vmem>>) semaphore(%arg22 : memref<!tpu.dma_semaphore, #tpu.memory_space<semaphore_mem>>)
    %dma_start3A_996 = arith.constant 12 : i32
    %dma_start3A_997 = arith.constant 0 : i32
    %dma_start3A_998 = tpu.memref_slice %arg11[%dma_start3A_996, %dma_start3A_997] : memref<16x400xi32, #tpu.memory_space<vmem>> -> memref<1x400xi32, #tpu.memory_space<vmem>>
    %dma_start3A_999 = tpu.memref_squeeze %dma_start3A_998 : memref<1x400xi32, #tpu.memory_space<vmem>> -> memref<400xi32, #tpu.memory_space<vmem>>
    %dma_start3A_1000 = arith.constant 0 : i32
    %dma_start3A_1001 = arith.constant 0 : i32
    %dma_start3A_1002 = tpu.memref_slice %arg7[%dma_start3A_1000, %dma_start3A_1001] : memref<1000x32xf32, #tpu.memory_space<hbm>> -> memref<1000x32xf32, #tpu.memory_space<hbm>>
    tpu.enqueue_indirect_dma source(%dma_start3A_1002 : memref<1000x32xf32, #tpu.memory_space<hbm>>) target(%arg17 : memref<400x32xf32, #tpu.memory_space<vmem>>) offsets(%dma_start3A_999 : memref<400xi32, #tpu.memory_space<vmem>>) semaphore(%arg22 : memref<!tpu.dma_semaphore, #tpu.memory_space<semaphore_mem>>)
    %dma_wait3A_1003 = arith.constant 11 : i32
    %dma_wait3A_1004 = arith.constant 0 : i32
    %dma_wait3A_1005 = tpu.memref_slice %arg9[%dma_wait3A_1003, %dma_wait3A_1004] : memref<16x400xi32, #tpu.memory_space<vmem>> -> memref<1x400xi32, #tpu.memory_space<vmem>>
    %dma_wait3A_1006 = tpu.memref_squeeze %dma_wait3A_1005 : memref<1x400xi32, #tpu.memory_space<vmem>> -> memref<400xi32, #tpu.memory_space<vmem>>
    %dma_wait3A_1007 = arith.constant 0 : i32
    %dma_wait3A_1008 = arith.constant 0 : i32
    %dma_wait3A_1009 = tpu.memref_slice %arg5[%dma_wait3A_1007, %dma_wait3A_1008] : memref<1000000x32xf32, #tpu.memory_space<hbm>> -> memref<1000000x32xf32, #tpu.memory_space<hbm>>
    tpu.wait_indirect_dma semaphore(%arg23 : memref<!tpu.dma_semaphore, #tpu.memory_space<semaphore_mem>>) src(%dma_wait3A_1009 : memref<1000000x32xf32, #tpu.memory_space<hbm>>) dst(%arg18 : memref<400x32xf32, #tpu.memory_space<vmem>>)
    %dma_wait3A_1010 = arith.constant 11 : i32
    %dma_wait3A_1011 = arith.constant 0 : i32
    %dma_wait3A_1012 = tpu.memref_slice %arg10[%dma_wait3A_1010, %dma_wait3A_1011] : memref<16x400xi32, #tpu.memory_space<vmem>> -> memref<1x400xi32, #tpu.memory_space<vmem>>
    %dma_wait3A_1013 = tpu.memref_squeeze %dma_wait3A_1012 : memref<1x400xi32, #tpu.memory_space<vmem>> -> memref<400xi32, #tpu.memory_space<vmem>>
    %dma_wait3A_1014 = arith.constant 0 : i32
    %dma_wait3A_1015 = arith.constant 0 : i32
    %dma_wait3A_1016 = tpu.memref_slice %arg6[%dma_wait3A_1014, %dma_wait3A_1015] : memref<100000x32xf32, #tpu.memory_space<hbm>> -> memref<100000x32xf32, #tpu.memory_space<hbm>>
    tpu.wait_indirect_dma semaphore(%arg23 : memref<!tpu.dma_semaphore, #tpu.memory_space<semaphore_mem>>) src(%dma_wait3A_1016 : memref<100000x32xf32, #tpu.memory_space<hbm>>) dst(%arg19 : memref<400x32xf32, #tpu.memory_space<vmem>>)
    %dma_wait3A_1017 = arith.constant 11 : i32
    %dma_wait3A_1018 = arith.constant 0 : i32
    %dma_wait3A_1019 = tpu.memref_slice %arg11[%dma_wait3A_1017, %dma_wait3A_1018] : memref<16x400xi32, #tpu.memory_space<vmem>> -> memref<1x400xi32, #tpu.memory_space<vmem>>
    %dma_wait3A_1020 = tpu.memref_squeeze %dma_wait3A_1019 : memref<1x400xi32, #tpu.memory_space<vmem>> -> memref<400xi32, #tpu.memory_space<vmem>>
    %dma_wait3A_1021 = arith.constant 0 : i32
    %dma_wait3A_1022 = arith.constant 0 : i32
    %dma_wait3A_1023 = tpu.memref_slice %arg7[%dma_wait3A_1021, %dma_wait3A_1022] : memref<1000x32xf32, #tpu.memory_space<hbm>> -> memref<1000x32xf32, #tpu.memory_space<hbm>>
    tpu.wait_indirect_dma semaphore(%arg23 : memref<!tpu.dma_semaphore, #tpu.memory_space<semaphore_mem>>) src(%dma_wait3A_1023 : memref<1000x32xf32, #tpu.memory_space<hbm>>) dst(%arg20 : memref<400x32xf32, #tpu.memory_space<vmem>>)
    %dma_start3A_1024 = arith.constant 11 : i32
    %dma_start3A_1025 = arith.constant 0 : i32
    %dma_start3A_1026 = tpu.memref_slice %arg12[%dma_start3A_1024, %dma_start3A_1025] : memref<16x400xi32, #tpu.memory_space<vmem>> -> memref<1x400xi32, #tpu.memory_space<vmem>>
    %dma_start3A_1027 = tpu.memref_squeeze %dma_start3A_1026 : memref<1x400xi32, #tpu.memory_space<vmem>> -> memref<400xi32, #tpu.memory_space<vmem>>
    %dma_start3A_1028 = arith.constant 0 : i32
    %dma_start3A_1029 = arith.constant 0 : i32
    %dma_start3A_1030 = tpu.memref_slice %arg8[%dma_start3A_1028, %dma_start3A_1029] : memref<614400x32xf32, #tpu.memory_space<hbm>> -> memref<614400x32xf32, #tpu.memory_space<hbm>>
    tpu.enqueue_indirect_dma source(%arg18 : memref<400x32xf32, #tpu.memory_space<vmem>>) target(%dma_start3A_1030 : memref<614400x32xf32, #tpu.memory_space<hbm>>) offsets(%dma_start3A_1027 : memref<400xi32, #tpu.memory_space<vmem>>) semaphore(%arg25 : memref<!tpu.dma_semaphore, #tpu.memory_space<semaphore_mem>>)
    %dma_start3A_1031 = arith.constant 11 : i32
    %dma_start3A_1032 = arith.constant 0 : i32
    %dma_start3A_1033 = tpu.memref_slice %arg13[%dma_start3A_1031, %dma_start3A_1032] : memref<16x400xi32, #tpu.memory_space<vmem>> -> memref<1x400xi32, #tpu.memory_space<vmem>>
    %dma_start3A_1034 = tpu.memref_squeeze %dma_start3A_1033 : memref<1x400xi32, #tpu.memory_space<vmem>> -> memref<400xi32, #tpu.memory_space<vmem>>
    %dma_start3A_1035 = arith.constant 0 : i32
    %dma_start3A_1036 = arith.constant 0 : i32
    %dma_start3A_1037 = tpu.memref_slice %arg8[%dma_start3A_1035, %dma_start3A_1036] : memref<614400x32xf32, #tpu.memory_space<hbm>> -> memref<614400x32xf32, #tpu.memory_space<hbm>>
    tpu.enqueue_indirect_dma source(%arg19 : memref<400x32xf32, #tpu.memory_space<vmem>>) target(%dma_start3A_1037 : memref<614400x32xf32, #tpu.memory_space<hbm>>) offsets(%dma_start3A_1034 : memref<400xi32, #tpu.memory_space<vmem>>) semaphore(%arg25 : memref<!tpu.dma_semaphore, #tpu.memory_space<semaphore_mem>>)
    %dma_start3A_1038 = arith.constant 11 : i32
    %dma_start3A_1039 = arith.constant 0 : i32
    %dma_start3A_1040 = tpu.memref_slice %arg14[%dma_start3A_1038, %dma_start3A_1039] : memref<16x400xi32, #tpu.memory_space<vmem>> -> memref<1x400xi32, #tpu.memory_space<vmem>>
    %dma_start3A_1041 = tpu.memref_squeeze %dma_start3A_1040 : memref<1x400xi32, #tpu.memory_space<vmem>> -> memref<400xi32, #tpu.memory_space<vmem>>
    %dma_start3A_1042 = arith.constant 0 : i32
    %dma_start3A_1043 = arith.constant 0 : i32
    %dma_start3A_1044 = tpu.memref_slice %arg8[%dma_start3A_1042, %dma_start3A_1043] : memref<614400x32xf32, #tpu.memory_space<hbm>> -> memref<614400x32xf32, #tpu.memory_space<hbm>>
    tpu.enqueue_indirect_dma source(%arg20 : memref<400x32xf32, #tpu.memory_space<vmem>>) target(%dma_start3A_1044 : memref<614400x32xf32, #tpu.memory_space<hbm>>) offsets(%dma_start3A_1041 : memref<400xi32, #tpu.memory_space<vmem>>) semaphore(%arg25 : memref<!tpu.dma_semaphore, #tpu.memory_space<semaphore_mem>>)
    %dma_wait3A_1045 = arith.constant 11 : i32
    %dma_wait3A_1046 = arith.constant 0 : i32
    %dma_wait3A_1047 = tpu.memref_slice %arg12[%dma_wait3A_1045, %dma_wait3A_1046] : memref<16x400xi32, #tpu.memory_space<vmem>> -> memref<1x400xi32, #tpu.memory_space<vmem>>
    %dma_wait3A_1048 = tpu.memref_squeeze %dma_wait3A_1047 : memref<1x400xi32, #tpu.memory_space<vmem>> -> memref<400xi32, #tpu.memory_space<vmem>>
    %dma_wait3A_1049 = arith.constant 0 : i32
    %dma_wait3A_1050 = arith.constant 0 : i32
    %dma_wait3A_1051 = tpu.memref_slice %arg8[%dma_wait3A_1049, %dma_wait3A_1050] : memref<614400x32xf32, #tpu.memory_space<hbm>> -> memref<614400x32xf32, #tpu.memory_space<hbm>>
    tpu.wait_indirect_dma semaphore(%arg25 : memref<!tpu.dma_semaphore, #tpu.memory_space<semaphore_mem>>) src(%arg18 : memref<400x32xf32, #tpu.memory_space<vmem>>) dst(%dma_wait3A_1051 : memref<614400x32xf32, #tpu.memory_space<hbm>>)
    %dma_wait3A_1052 = arith.constant 11 : i32
    %dma_wait3A_1053 = arith.constant 0 : i32
    %dma_wait3A_1054 = tpu.memref_slice %arg13[%dma_wait3A_1052, %dma_wait3A_1053] : memref<16x400xi32, #tpu.memory_space<vmem>> -> memref<1x400xi32, #tpu.memory_space<vmem>>
    %dma_wait3A_1055 = tpu.memref_squeeze %dma_wait3A_1054 : memref<1x400xi32, #tpu.memory_space<vmem>> -> memref<400xi32, #tpu.memory_space<vmem>>
    %dma_wait3A_1056 = arith.constant 0 : i32
    %dma_wait3A_1057 = arith.constant 0 : i32
    %dma_wait3A_1058 = tpu.memref_slice %arg8[%dma_wait3A_1056, %dma_wait3A_1057] : memref<614400x32xf32, #tpu.memory_space<hbm>> -> memref<614400x32xf32, #tpu.memory_space<hbm>>
    tpu.wait_indirect_dma semaphore(%arg25 : memref<!tpu.dma_semaphore, #tpu.memory_space<semaphore_mem>>) src(%arg19 : memref<400x32xf32, #tpu.memory_space<vmem>>) dst(%dma_wait3A_1058 : memref<614400x32xf32, #tpu.memory_space<hbm>>)
    %dma_wait3A_1059 = arith.constant 11 : i32
    %dma_wait3A_1060 = arith.constant 0 : i32
    %dma_wait3A_1061 = tpu.memref_slice %arg14[%dma_wait3A_1059, %dma_wait3A_1060] : memref<16x400xi32, #tpu.memory_space<vmem>> -> memref<1x400xi32, #tpu.memory_space<vmem>>
    %dma_wait3A_1062 = tpu.memref_squeeze %dma_wait3A_1061 : memref<1x400xi32, #tpu.memory_space<vmem>> -> memref<400xi32, #tpu.memory_space<vmem>>
    %dma_wait3A_1063 = arith.constant 0 : i32
    %dma_wait3A_1064 = arith.constant 0 : i32
    %dma_wait3A_1065 = tpu.memref_slice %arg8[%dma_wait3A_1063, %dma_wait3A_1064] : memref<614400x32xf32, #tpu.memory_space<hbm>> -> memref<614400x32xf32, #tpu.memory_space<hbm>>
    tpu.wait_indirect_dma semaphore(%arg25 : memref<!tpu.dma_semaphore, #tpu.memory_space<semaphore_mem>>) src(%arg20 : memref<400x32xf32, #tpu.memory_space<vmem>>) dst(%dma_wait3A_1065 : memref<614400x32xf32, #tpu.memory_space<hbm>>)
    %dma_start3A_1066 = arith.constant 13 : i32
    %dma_start3A_1067 = arith.constant 0 : i32
    %dma_start3A_1068 = tpu.memref_slice %arg9[%dma_start3A_1066, %dma_start3A_1067] : memref<16x400xi32, #tpu.memory_space<vmem>> -> memref<1x400xi32, #tpu.memory_space<vmem>>
    %dma_start3A_1069 = tpu.memref_squeeze %dma_start3A_1068 : memref<1x400xi32, #tpu.memory_space<vmem>> -> memref<400xi32, #tpu.memory_space<vmem>>
    %dma_start3A_1070 = arith.constant 0 : i32
    %dma_start3A_1071 = arith.constant 0 : i32
    %dma_start3A_1072 = tpu.memref_slice %arg5[%dma_start3A_1070, %dma_start3A_1071] : memref<1000000x32xf32, #tpu.memory_space<hbm>> -> memref<1000000x32xf32, #tpu.memory_space<hbm>>
    tpu.enqueue_indirect_dma source(%dma_start3A_1072 : memref<1000000x32xf32, #tpu.memory_space<hbm>>) target(%arg18 : memref<400x32xf32, #tpu.memory_space<vmem>>) offsets(%dma_start3A_1069 : memref<400xi32, #tpu.memory_space<vmem>>) semaphore(%arg23 : memref<!tpu.dma_semaphore, #tpu.memory_space<semaphore_mem>>)
    %dma_start3A_1073 = arith.constant 13 : i32
    %dma_start3A_1074 = arith.constant 0 : i32
    %dma_start3A_1075 = tpu.memref_slice %arg10[%dma_start3A_1073, %dma_start3A_1074] : memref<16x400xi32, #tpu.memory_space<vmem>> -> memref<1x400xi32, #tpu.memory_space<vmem>>
    %dma_start3A_1076 = tpu.memref_squeeze %dma_start3A_1075 : memref<1x400xi32, #tpu.memory_space<vmem>> -> memref<400xi32, #tpu.memory_space<vmem>>
    %dma_start3A_1077 = arith.constant 0 : i32
    %dma_start3A_1078 = arith.constant 0 : i32
    %dma_start3A_1079 = tpu.memref_slice %arg6[%dma_start3A_1077, %dma_start3A_1078] : memref<100000x32xf32, #tpu.memory_space<hbm>> -> memref<100000x32xf32, #tpu.memory_space<hbm>>
    tpu.enqueue_indirect_dma source(%dma_start3A_1079 : memref<100000x32xf32, #tpu.memory_space<hbm>>) target(%arg19 : memref<400x32xf32, #tpu.memory_space<vmem>>) offsets(%dma_start3A_1076 : memref<400xi32, #tpu.memory_space<vmem>>) semaphore(%arg23 : memref<!tpu.dma_semaphore, #tpu.memory_space<semaphore_mem>>)
    %dma_start3A_1080 = arith.constant 13 : i32
    %dma_start3A_1081 = arith.constant 0 : i32
    %dma_start3A_1082 = tpu.memref_slice %arg11[%dma_start3A_1080, %dma_start3A_1081] : memref<16x400xi32, #tpu.memory_space<vmem>> -> memref<1x400xi32, #tpu.memory_space<vmem>>
    %dma_start3A_1083 = tpu.memref_squeeze %dma_start3A_1082 : memref<1x400xi32, #tpu.memory_space<vmem>> -> memref<400xi32, #tpu.memory_space<vmem>>
    %dma_start3A_1084 = arith.constant 0 : i32
    %dma_start3A_1085 = arith.constant 0 : i32
    %dma_start3A_1086 = tpu.memref_slice %arg7[%dma_start3A_1084, %dma_start3A_1085] : memref<1000x32xf32, #tpu.memory_space<hbm>> -> memref<1000x32xf32, #tpu.memory_space<hbm>>
    tpu.enqueue_indirect_dma source(%dma_start3A_1086 : memref<1000x32xf32, #tpu.memory_space<hbm>>) target(%arg20 : memref<400x32xf32, #tpu.memory_space<vmem>>) offsets(%dma_start3A_1083 : memref<400xi32, #tpu.memory_space<vmem>>) semaphore(%arg23 : memref<!tpu.dma_semaphore, #tpu.memory_space<semaphore_mem>>)
    %dma_wait3A_1087 = arith.constant 12 : i32
    %dma_wait3A_1088 = arith.constant 0 : i32
    %dma_wait3A_1089 = tpu.memref_slice %arg9[%dma_wait3A_1087, %dma_wait3A_1088] : memref<16x400xi32, #tpu.memory_space<vmem>> -> memref<1x400xi32, #tpu.memory_space<vmem>>
    %dma_wait3A_1090 = tpu.memref_squeeze %dma_wait3A_1089 : memref<1x400xi32, #tpu.memory_space<vmem>> -> memref<400xi32, #tpu.memory_space<vmem>>
    %dma_wait3A_1091 = arith.constant 0 : i32
    %dma_wait3A_1092 = arith.constant 0 : i32
    %dma_wait3A_1093 = tpu.memref_slice %arg5[%dma_wait3A_1091, %dma_wait3A_1092] : memref<1000000x32xf32, #tpu.memory_space<hbm>> -> memref<1000000x32xf32, #tpu.memory_space<hbm>>
    tpu.wait_indirect_dma semaphore(%arg22 : memref<!tpu.dma_semaphore, #tpu.memory_space<semaphore_mem>>) src(%dma_wait3A_1093 : memref<1000000x32xf32, #tpu.memory_space<hbm>>) dst(%arg15 : memref<400x32xf32, #tpu.memory_space<vmem>>)
    %dma_wait3A_1094 = arith.constant 12 : i32
    %dma_wait3A_1095 = arith.constant 0 : i32
    %dma_wait3A_1096 = tpu.memref_slice %arg10[%dma_wait3A_1094, %dma_wait3A_1095] : memref<16x400xi32, #tpu.memory_space<vmem>> -> memref<1x400xi32, #tpu.memory_space<vmem>>
    %dma_wait3A_1097 = tpu.memref_squeeze %dma_wait3A_1096 : memref<1x400xi32, #tpu.memory_space<vmem>> -> memref<400xi32, #tpu.memory_space<vmem>>
    %dma_wait3A_1098 = arith.constant 0 : i32
    %dma_wait3A_1099 = arith.constant 0 : i32
    %dma_wait3A_1100 = tpu.memref_slice %arg6[%dma_wait3A_1098, %dma_wait3A_1099] : memref<100000x32xf32, #tpu.memory_space<hbm>> -> memref<100000x32xf32, #tpu.memory_space<hbm>>
    tpu.wait_indirect_dma semaphore(%arg22 : memref<!tpu.dma_semaphore, #tpu.memory_space<semaphore_mem>>) src(%dma_wait3A_1100 : memref<100000x32xf32, #tpu.memory_space<hbm>>) dst(%arg16 : memref<400x32xf32, #tpu.memory_space<vmem>>)
    %dma_wait3A_1101 = arith.constant 12 : i32
    %dma_wait3A_1102 = arith.constant 0 : i32
    %dma_wait3A_1103 = tpu.memref_slice %arg11[%dma_wait3A_1101, %dma_wait3A_1102] : memref<16x400xi32, #tpu.memory_space<vmem>> -> memref<1x400xi32, #tpu.memory_space<vmem>>
    %dma_wait3A_1104 = tpu.memref_squeeze %dma_wait3A_1103 : memref<1x400xi32, #tpu.memory_space<vmem>> -> memref<400xi32, #tpu.memory_space<vmem>>
    %dma_wait3A_1105 = arith.constant 0 : i32
    %dma_wait3A_1106 = arith.constant 0 : i32
    %dma_wait3A_1107 = tpu.memref_slice %arg7[%dma_wait3A_1105, %dma_wait3A_1106] : memref<1000x32xf32, #tpu.memory_space<hbm>> -> memref<1000x32xf32, #tpu.memory_space<hbm>>
    tpu.wait_indirect_dma semaphore(%arg22 : memref<!tpu.dma_semaphore, #tpu.memory_space<semaphore_mem>>) src(%dma_wait3A_1107 : memref<1000x32xf32, #tpu.memory_space<hbm>>) dst(%arg17 : memref<400x32xf32, #tpu.memory_space<vmem>>)
    %dma_start3A_1108 = arith.constant 12 : i32
    %dma_start3A_1109 = arith.constant 0 : i32
    %dma_start3A_1110 = tpu.memref_slice %arg12[%dma_start3A_1108, %dma_start3A_1109] : memref<16x400xi32, #tpu.memory_space<vmem>> -> memref<1x400xi32, #tpu.memory_space<vmem>>
    %dma_start3A_1111 = tpu.memref_squeeze %dma_start3A_1110 : memref<1x400xi32, #tpu.memory_space<vmem>> -> memref<400xi32, #tpu.memory_space<vmem>>
    %dma_start3A_1112 = arith.constant 0 : i32
    %dma_start3A_1113 = arith.constant 0 : i32
    %dma_start3A_1114 = tpu.memref_slice %arg8[%dma_start3A_1112, %dma_start3A_1113] : memref<614400x32xf32, #tpu.memory_space<hbm>> -> memref<614400x32xf32, #tpu.memory_space<hbm>>
    tpu.enqueue_indirect_dma source(%arg15 : memref<400x32xf32, #tpu.memory_space<vmem>>) target(%dma_start3A_1114 : memref<614400x32xf32, #tpu.memory_space<hbm>>) offsets(%dma_start3A_1111 : memref<400xi32, #tpu.memory_space<vmem>>) semaphore(%arg24 : memref<!tpu.dma_semaphore, #tpu.memory_space<semaphore_mem>>)
    %dma_start3A_1115 = arith.constant 12 : i32
    %dma_start3A_1116 = arith.constant 0 : i32
    %dma_start3A_1117 = tpu.memref_slice %arg13[%dma_start3A_1115, %dma_start3A_1116] : memref<16x400xi32, #tpu.memory_space<vmem>> -> memref<1x400xi32, #tpu.memory_space<vmem>>
    %dma_start3A_1118 = tpu.memref_squeeze %dma_start3A_1117 : memref<1x400xi32, #tpu.memory_space<vmem>> -> memref<400xi32, #tpu.memory_space<vmem>>
    %dma_start3A_1119 = arith.constant 0 : i32
    %dma_start3A_1120 = arith.constant 0 : i32
    %dma_start3A_1121 = tpu.memref_slice %arg8[%dma_start3A_1119, %dma_start3A_1120] : memref<614400x32xf32, #tpu.memory_space<hbm>> -> memref<614400x32xf32, #tpu.memory_space<hbm>>
    tpu.enqueue_indirect_dma source(%arg16 : memref<400x32xf32, #tpu.memory_space<vmem>>) target(%dma_start3A_1121 : memref<614400x32xf32, #tpu.memory_space<hbm>>) offsets(%dma_start3A_1118 : memref<400xi32, #tpu.memory_space<vmem>>) semaphore(%arg24 : memref<!tpu.dma_semaphore, #tpu.memory_space<semaphore_mem>>)
    %dma_start3A_1122 = arith.constant 12 : i32
    %dma_start3A_1123 = arith.constant 0 : i32
    %dma_start3A_1124 = tpu.memref_slice %arg14[%dma_start3A_1122, %dma_start3A_1123] : memref<16x400xi32, #tpu.memory_space<vmem>> -> memref<1x400xi32, #tpu.memory_space<vmem>>
    %dma_start3A_1125 = tpu.memref_squeeze %dma_start3A_1124 : memref<1x400xi32, #tpu.memory_space<vmem>> -> memref<400xi32, #tpu.memory_space<vmem>>
    %dma_start3A_1126 = arith.constant 0 : i32
    %dma_start3A_1127 = arith.constant 0 : i32
    %dma_start3A_1128 = tpu.memref_slice %arg8[%dma_start3A_1126, %dma_start3A_1127] : memref<614400x32xf32, #tpu.memory_space<hbm>> -> memref<614400x32xf32, #tpu.memory_space<hbm>>
    tpu.enqueue_indirect_dma source(%arg17 : memref<400x32xf32, #tpu.memory_space<vmem>>) target(%dma_start3A_1128 : memref<614400x32xf32, #tpu.memory_space<hbm>>) offsets(%dma_start3A_1125 : memref<400xi32, #tpu.memory_space<vmem>>) semaphore(%arg24 : memref<!tpu.dma_semaphore, #tpu.memory_space<semaphore_mem>>)
    %dma_wait3A_1129 = arith.constant 12 : i32
    %dma_wait3A_1130 = arith.constant 0 : i32
    %dma_wait3A_1131 = tpu.memref_slice %arg12[%dma_wait3A_1129, %dma_wait3A_1130] : memref<16x400xi32, #tpu.memory_space<vmem>> -> memref<1x400xi32, #tpu.memory_space<vmem>>
    %dma_wait3A_1132 = tpu.memref_squeeze %dma_wait3A_1131 : memref<1x400xi32, #tpu.memory_space<vmem>> -> memref<400xi32, #tpu.memory_space<vmem>>
    %dma_wait3A_1133 = arith.constant 0 : i32
    %dma_wait3A_1134 = arith.constant 0 : i32
    %dma_wait3A_1135 = tpu.memref_slice %arg8[%dma_wait3A_1133, %dma_wait3A_1134] : memref<614400x32xf32, #tpu.memory_space<hbm>> -> memref<614400x32xf32, #tpu.memory_space<hbm>>
    tpu.wait_indirect_dma semaphore(%arg24 : memref<!tpu.dma_semaphore, #tpu.memory_space<semaphore_mem>>) src(%arg15 : memref<400x32xf32, #tpu.memory_space<vmem>>) dst(%dma_wait3A_1135 : memref<614400x32xf32, #tpu.memory_space<hbm>>)
    %dma_wait3A_1136 = arith.constant 12 : i32
    %dma_wait3A_1137 = arith.constant 0 : i32
    %dma_wait3A_1138 = tpu.memref_slice %arg13[%dma_wait3A_1136, %dma_wait3A_1137] : memref<16x400xi32, #tpu.memory_space<vmem>> -> memref<1x400xi32, #tpu.memory_space<vmem>>
    %dma_wait3A_1139 = tpu.memref_squeeze %dma_wait3A_1138 : memref<1x400xi32, #tpu.memory_space<vmem>> -> memref<400xi32, #tpu.memory_space<vmem>>
    %dma_wait3A_1140 = arith.constant 0 : i32
    %dma_wait3A_1141 = arith.constant 0 : i32
    %dma_wait3A_1142 = tpu.memref_slice %arg8[%dma_wait3A_1140, %dma_wait3A_1141] : memref<614400x32xf32, #tpu.memory_space<hbm>> -> memref<614400x32xf32, #tpu.memory_space<hbm>>
    tpu.wait_indirect_dma semaphore(%arg24 : memref<!tpu.dma_semaphore, #tpu.memory_space<semaphore_mem>>) src(%arg16 : memref<400x32xf32, #tpu.memory_space<vmem>>) dst(%dma_wait3A_1142 : memref<614400x32xf32, #tpu.memory_space<hbm>>)
    %dma_wait3A_1143 = arith.constant 12 : i32
    %dma_wait3A_1144 = arith.constant 0 : i32
    %dma_wait3A_1145 = tpu.memref_slice %arg14[%dma_wait3A_1143, %dma_wait3A_1144] : memref<16x400xi32, #tpu.memory_space<vmem>> -> memref<1x400xi32, #tpu.memory_space<vmem>>
    %dma_wait3A_1146 = tpu.memref_squeeze %dma_wait3A_1145 : memref<1x400xi32, #tpu.memory_space<vmem>> -> memref<400xi32, #tpu.memory_space<vmem>>
    %dma_wait3A_1147 = arith.constant 0 : i32
    %dma_wait3A_1148 = arith.constant 0 : i32
    %dma_wait3A_1149 = tpu.memref_slice %arg8[%dma_wait3A_1147, %dma_wait3A_1148] : memref<614400x32xf32, #tpu.memory_space<hbm>> -> memref<614400x32xf32, #tpu.memory_space<hbm>>
    tpu.wait_indirect_dma semaphore(%arg24 : memref<!tpu.dma_semaphore, #tpu.memory_space<semaphore_mem>>) src(%arg17 : memref<400x32xf32, #tpu.memory_space<vmem>>) dst(%dma_wait3A_1149 : memref<614400x32xf32, #tpu.memory_space<hbm>>)
    %dma_start3A_1150 = arith.constant 14 : i32
    %dma_start3A_1151 = arith.constant 0 : i32
    %dma_start3A_1152 = tpu.memref_slice %arg9[%dma_start3A_1150, %dma_start3A_1151] : memref<16x400xi32, #tpu.memory_space<vmem>> -> memref<1x400xi32, #tpu.memory_space<vmem>>
    %dma_start3A_1153 = tpu.memref_squeeze %dma_start3A_1152 : memref<1x400xi32, #tpu.memory_space<vmem>> -> memref<400xi32, #tpu.memory_space<vmem>>
    %dma_start3A_1154 = arith.constant 0 : i32
    %dma_start3A_1155 = arith.constant 0 : i32
    %dma_start3A_1156 = tpu.memref_slice %arg5[%dma_start3A_1154, %dma_start3A_1155] : memref<1000000x32xf32, #tpu.memory_space<hbm>> -> memref<1000000x32xf32, #tpu.memory_space<hbm>>
    tpu.enqueue_indirect_dma source(%dma_start3A_1156 : memref<1000000x32xf32, #tpu.memory_space<hbm>>) target(%arg15 : memref<400x32xf32, #tpu.memory_space<vmem>>) offsets(%dma_start3A_1153 : memref<400xi32, #tpu.memory_space<vmem>>) semaphore(%arg22 : memref<!tpu.dma_semaphore, #tpu.memory_space<semaphore_mem>>)
    %dma_start3A_1157 = arith.constant 14 : i32
    %dma_start3A_1158 = arith.constant 0 : i32
    %dma_start3A_1159 = tpu.memref_slice %arg10[%dma_start3A_1157, %dma_start3A_1158] : memref<16x400xi32, #tpu.memory_space<vmem>> -> memref<1x400xi32, #tpu.memory_space<vmem>>
    %dma_start3A_1160 = tpu.memref_squeeze %dma_start3A_1159 : memref<1x400xi32, #tpu.memory_space<vmem>> -> memref<400xi32, #tpu.memory_space<vmem>>
    %dma_start3A_1161 = arith.constant 0 : i32
    %dma_start3A_1162 = arith.constant 0 : i32
    %dma_start3A_1163 = tpu.memref_slice %arg6[%dma_start3A_1161, %dma_start3A_1162] : memref<100000x32xf32, #tpu.memory_space<hbm>> -> memref<100000x32xf32, #tpu.memory_space<hbm>>
    tpu.enqueue_indirect_dma source(%dma_start3A_1163 : memref<100000x32xf32, #tpu.memory_space<hbm>>) target(%arg16 : memref<400x32xf32, #tpu.memory_space<vmem>>) offsets(%dma_start3A_1160 : memref<400xi32, #tpu.memory_space<vmem>>) semaphore(%arg22 : memref<!tpu.dma_semaphore, #tpu.memory_space<semaphore_mem>>)
    %dma_start3A_1164 = arith.constant 14 : i32
    %dma_start3A_1165 = arith.constant 0 : i32
    %dma_start3A_1166 = tpu.memref_slice %arg11[%dma_start3A_1164, %dma_start3A_1165] : memref<16x400xi32, #tpu.memory_space<vmem>> -> memref<1x400xi32, #tpu.memory_space<vmem>>
    %dma_start3A_1167 = tpu.memref_squeeze %dma_start3A_1166 : memref<1x400xi32, #tpu.memory_space<vmem>> -> memref<400xi32, #tpu.memory_space<vmem>>
    %dma_start3A_1168 = arith.constant 0 : i32
    %dma_start3A_1169 = arith.constant 0 : i32
    %dma_start3A_1170 = tpu.memref_slice %arg7[%dma_start3A_1168, %dma_start3A_1169] : memref<1000x32xf32, #tpu.memory_space<hbm>> -> memref<1000x32xf32, #tpu.memory_space<hbm>>
    tpu.enqueue_indirect_dma source(%dma_start3A_1170 : memref<1000x32xf32, #tpu.memory_space<hbm>>) target(%arg17 : memref<400x32xf32, #tpu.memory_space<vmem>>) offsets(%dma_start3A_1167 : memref<400xi32, #tpu.memory_space<vmem>>) semaphore(%arg22 : memref<!tpu.dma_semaphore, #tpu.memory_space<semaphore_mem>>)
    %dma_wait3A_1171 = arith.constant 13 : i32
    %dma_wait3A_1172 = arith.constant 0 : i32
    %dma_wait3A_1173 = tpu.memref_slice %arg9[%dma_wait3A_1171, %dma_wait3A_1172] : memref<16x400xi32, #tpu.memory_space<vmem>> -> memref<1x400xi32, #tpu.memory_space<vmem>>
    %dma_wait3A_1174 = tpu.memref_squeeze %dma_wait3A_1173 : memref<1x400xi32, #tpu.memory_space<vmem>> -> memref<400xi32, #tpu.memory_space<vmem>>
    %dma_wait3A_1175 = arith.constant 0 : i32
    %dma_wait3A_1176 = arith.constant 0 : i32
    %dma_wait3A_1177 = tpu.memref_slice %arg5[%dma_wait3A_1175, %dma_wait3A_1176] : memref<1000000x32xf32, #tpu.memory_space<hbm>> -> memref<1000000x32xf32, #tpu.memory_space<hbm>>
    tpu.wait_indirect_dma semaphore(%arg23 : memref<!tpu.dma_semaphore, #tpu.memory_space<semaphore_mem>>) src(%dma_wait3A_1177 : memref<1000000x32xf32, #tpu.memory_space<hbm>>) dst(%arg18 : memref<400x32xf32, #tpu.memory_space<vmem>>)
    %dma_wait3A_1178 = arith.constant 13 : i32
    %dma_wait3A_1179 = arith.constant 0 : i32
    %dma_wait3A_1180 = tpu.memref_slice %arg10[%dma_wait3A_1178, %dma_wait3A_1179] : memref<16x400xi32, #tpu.memory_space<vmem>> -> memref<1x400xi32, #tpu.memory_space<vmem>>
    %dma_wait3A_1181 = tpu.memref_squeeze %dma_wait3A_1180 : memref<1x400xi32, #tpu.memory_space<vmem>> -> memref<400xi32, #tpu.memory_space<vmem>>
    %dma_wait3A_1182 = arith.constant 0 : i32
    %dma_wait3A_1183 = arith.constant 0 : i32
    %dma_wait3A_1184 = tpu.memref_slice %arg6[%dma_wait3A_1182, %dma_wait3A_1183] : memref<100000x32xf32, #tpu.memory_space<hbm>> -> memref<100000x32xf32, #tpu.memory_space<hbm>>
    tpu.wait_indirect_dma semaphore(%arg23 : memref<!tpu.dma_semaphore, #tpu.memory_space<semaphore_mem>>) src(%dma_wait3A_1184 : memref<100000x32xf32, #tpu.memory_space<hbm>>) dst(%arg19 : memref<400x32xf32, #tpu.memory_space<vmem>>)
    %dma_wait3A_1185 = arith.constant 13 : i32
    %dma_wait3A_1186 = arith.constant 0 : i32
    %dma_wait3A_1187 = tpu.memref_slice %arg11[%dma_wait3A_1185, %dma_wait3A_1186] : memref<16x400xi32, #tpu.memory_space<vmem>> -> memref<1x400xi32, #tpu.memory_space<vmem>>
    %dma_wait3A_1188 = tpu.memref_squeeze %dma_wait3A_1187 : memref<1x400xi32, #tpu.memory_space<vmem>> -> memref<400xi32, #tpu.memory_space<vmem>>
    %dma_wait3A_1189 = arith.constant 0 : i32
    %dma_wait3A_1190 = arith.constant 0 : i32
    %dma_wait3A_1191 = tpu.memref_slice %arg7[%dma_wait3A_1189, %dma_wait3A_1190] : memref<1000x32xf32, #tpu.memory_space<hbm>> -> memref<1000x32xf32, #tpu.memory_space<hbm>>
    tpu.wait_indirect_dma semaphore(%arg23 : memref<!tpu.dma_semaphore, #tpu.memory_space<semaphore_mem>>) src(%dma_wait3A_1191 : memref<1000x32xf32, #tpu.memory_space<hbm>>) dst(%arg20 : memref<400x32xf32, #tpu.memory_space<vmem>>)
    %dma_start3A_1192 = arith.constant 13 : i32
    %dma_start3A_1193 = arith.constant 0 : i32
    %dma_start3A_1194 = tpu.memref_slice %arg12[%dma_start3A_1192, %dma_start3A_1193] : memref<16x400xi32, #tpu.memory_space<vmem>> -> memref<1x400xi32, #tpu.memory_space<vmem>>
    %dma_start3A_1195 = tpu.memref_squeeze %dma_start3A_1194 : memref<1x400xi32, #tpu.memory_space<vmem>> -> memref<400xi32, #tpu.memory_space<vmem>>
    %dma_start3A_1196 = arith.constant 0 : i32
    %dma_start3A_1197 = arith.constant 0 : i32
    %dma_start3A_1198 = tpu.memref_slice %arg8[%dma_start3A_1196, %dma_start3A_1197] : memref<614400x32xf32, #tpu.memory_space<hbm>> -> memref<614400x32xf32, #tpu.memory_space<hbm>>
    tpu.enqueue_indirect_dma source(%arg18 : memref<400x32xf32, #tpu.memory_space<vmem>>) target(%dma_start3A_1198 : memref<614400x32xf32, #tpu.memory_space<hbm>>) offsets(%dma_start3A_1195 : memref<400xi32, #tpu.memory_space<vmem>>) semaphore(%arg25 : memref<!tpu.dma_semaphore, #tpu.memory_space<semaphore_mem>>)
    %dma_start3A_1199 = arith.constant 13 : i32
    %dma_start3A_1200 = arith.constant 0 : i32
    %dma_start3A_1201 = tpu.memref_slice %arg13[%dma_start3A_1199, %dma_start3A_1200] : memref<16x400xi32, #tpu.memory_space<vmem>> -> memref<1x400xi32, #tpu.memory_space<vmem>>
    %dma_start3A_1202 = tpu.memref_squeeze %dma_start3A_1201 : memref<1x400xi32, #tpu.memory_space<vmem>> -> memref<400xi32, #tpu.memory_space<vmem>>
    %dma_start3A_1203 = arith.constant 0 : i32
    %dma_start3A_1204 = arith.constant 0 : i32
    %dma_start3A_1205 = tpu.memref_slice %arg8[%dma_start3A_1203, %dma_start3A_1204] : memref<614400x32xf32, #tpu.memory_space<hbm>> -> memref<614400x32xf32, #tpu.memory_space<hbm>>
    tpu.enqueue_indirect_dma source(%arg19 : memref<400x32xf32, #tpu.memory_space<vmem>>) target(%dma_start3A_1205 : memref<614400x32xf32, #tpu.memory_space<hbm>>) offsets(%dma_start3A_1202 : memref<400xi32, #tpu.memory_space<vmem>>) semaphore(%arg25 : memref<!tpu.dma_semaphore, #tpu.memory_space<semaphore_mem>>)
    %dma_start3A_1206 = arith.constant 13 : i32
    %dma_start3A_1207 = arith.constant 0 : i32
    %dma_start3A_1208 = tpu.memref_slice %arg14[%dma_start3A_1206, %dma_start3A_1207] : memref<16x400xi32, #tpu.memory_space<vmem>> -> memref<1x400xi32, #tpu.memory_space<vmem>>
    %dma_start3A_1209 = tpu.memref_squeeze %dma_start3A_1208 : memref<1x400xi32, #tpu.memory_space<vmem>> -> memref<400xi32, #tpu.memory_space<vmem>>
    %dma_start3A_1210 = arith.constant 0 : i32
    %dma_start3A_1211 = arith.constant 0 : i32
    %dma_start3A_1212 = tpu.memref_slice %arg8[%dma_start3A_1210, %dma_start3A_1211] : memref<614400x32xf32, #tpu.memory_space<hbm>> -> memref<614400x32xf32, #tpu.memory_space<hbm>>
    tpu.enqueue_indirect_dma source(%arg20 : memref<400x32xf32, #tpu.memory_space<vmem>>) target(%dma_start3A_1212 : memref<614400x32xf32, #tpu.memory_space<hbm>>) offsets(%dma_start3A_1209 : memref<400xi32, #tpu.memory_space<vmem>>) semaphore(%arg25 : memref<!tpu.dma_semaphore, #tpu.memory_space<semaphore_mem>>)
    %dma_wait3A_1213 = arith.constant 13 : i32
    %dma_wait3A_1214 = arith.constant 0 : i32
    %dma_wait3A_1215 = tpu.memref_slice %arg12[%dma_wait3A_1213, %dma_wait3A_1214] : memref<16x400xi32, #tpu.memory_space<vmem>> -> memref<1x400xi32, #tpu.memory_space<vmem>>
    %dma_wait3A_1216 = tpu.memref_squeeze %dma_wait3A_1215 : memref<1x400xi32, #tpu.memory_space<vmem>> -> memref<400xi32, #tpu.memory_space<vmem>>
    %dma_wait3A_1217 = arith.constant 0 : i32
    %dma_wait3A_1218 = arith.constant 0 : i32
    %dma_wait3A_1219 = tpu.memref_slice %arg8[%dma_wait3A_1217, %dma_wait3A_1218] : memref<614400x32xf32, #tpu.memory_space<hbm>> -> memref<614400x32xf32, #tpu.memory_space<hbm>>
    tpu.wait_indirect_dma semaphore(%arg25 : memref<!tpu.dma_semaphore, #tpu.memory_space<semaphore_mem>>) src(%arg18 : memref<400x32xf32, #tpu.memory_space<vmem>>) dst(%dma_wait3A_1219 : memref<614400x32xf32, #tpu.memory_space<hbm>>)
    %dma_wait3A_1220 = arith.constant 13 : i32
    %dma_wait3A_1221 = arith.constant 0 : i32
    %dma_wait3A_1222 = tpu.memref_slice %arg13[%dma_wait3A_1220, %dma_wait3A_1221] : memref<16x400xi32, #tpu.memory_space<vmem>> -> memref<1x400xi32, #tpu.memory_space<vmem>>
    %dma_wait3A_1223 = tpu.memref_squeeze %dma_wait3A_1222 : memref<1x400xi32, #tpu.memory_space<vmem>> -> memref<400xi32, #tpu.memory_space<vmem>>
    %dma_wait3A_1224 = arith.constant 0 : i32
    %dma_wait3A_1225 = arith.constant 0 : i32
    %dma_wait3A_1226 = tpu.memref_slice %arg8[%dma_wait3A_1224, %dma_wait3A_1225] : memref<614400x32xf32, #tpu.memory_space<hbm>> -> memref<614400x32xf32, #tpu.memory_space<hbm>>
    tpu.wait_indirect_dma semaphore(%arg25 : memref<!tpu.dma_semaphore, #tpu.memory_space<semaphore_mem>>) src(%arg19 : memref<400x32xf32, #tpu.memory_space<vmem>>) dst(%dma_wait3A_1226 : memref<614400x32xf32, #tpu.memory_space<hbm>>)
    %dma_wait3A_1227 = arith.constant 13 : i32
    %dma_wait3A_1228 = arith.constant 0 : i32
    %dma_wait3A_1229 = tpu.memref_slice %arg14[%dma_wait3A_1227, %dma_wait3A_1228] : memref<16x400xi32, #tpu.memory_space<vmem>> -> memref<1x400xi32, #tpu.memory_space<vmem>>
    %dma_wait3A_1230 = tpu.memref_squeeze %dma_wait3A_1229 : memref<1x400xi32, #tpu.memory_space<vmem>> -> memref<400xi32, #tpu.memory_space<vmem>>
    %dma_wait3A_1231 = arith.constant 0 : i32
    %dma_wait3A_1232 = arith.constant 0 : i32
    %dma_wait3A_1233 = tpu.memref_slice %arg8[%dma_wait3A_1231, %dma_wait3A_1232] : memref<614400x32xf32, #tpu.memory_space<hbm>> -> memref<614400x32xf32, #tpu.memory_space<hbm>>
    tpu.wait_indirect_dma semaphore(%arg25 : memref<!tpu.dma_semaphore, #tpu.memory_space<semaphore_mem>>) src(%arg20 : memref<400x32xf32, #tpu.memory_space<vmem>>) dst(%dma_wait3A_1233 : memref<614400x32xf32, #tpu.memory_space<hbm>>)
    %dma_start3A_1234 = arith.constant 15 : i32
    %dma_start3A_1235 = arith.constant 0 : i32
    %dma_start3A_1236 = tpu.memref_slice %arg9[%dma_start3A_1234, %dma_start3A_1235] : memref<16x400xi32, #tpu.memory_space<vmem>> -> memref<1x400xi32, #tpu.memory_space<vmem>>
    %dma_start3A_1237 = tpu.memref_squeeze %dma_start3A_1236 : memref<1x400xi32, #tpu.memory_space<vmem>> -> memref<400xi32, #tpu.memory_space<vmem>>
    %dma_start3A_1238 = arith.constant 0 : i32
    %dma_start3A_1239 = arith.constant 0 : i32
    %dma_start3A_1240 = tpu.memref_slice %arg5[%dma_start3A_1238, %dma_start3A_1239] : memref<1000000x32xf32, #tpu.memory_space<hbm>> -> memref<1000000x32xf32, #tpu.memory_space<hbm>>
    tpu.enqueue_indirect_dma source(%dma_start3A_1240 : memref<1000000x32xf32, #tpu.memory_space<hbm>>) target(%arg18 : memref<400x32xf32, #tpu.memory_space<vmem>>) offsets(%dma_start3A_1237 : memref<400xi32, #tpu.memory_space<vmem>>) semaphore(%arg23 : memref<!tpu.dma_semaphore, #tpu.memory_space<semaphore_mem>>)
    %dma_start3A_1241 = arith.constant 15 : i32
    %dma_start3A_1242 = arith.constant 0 : i32
    %dma_start3A_1243 = tpu.memref_slice %arg10[%dma_start3A_1241, %dma_start3A_1242] : memref<16x400xi32, #tpu.memory_space<vmem>> -> memref<1x400xi32, #tpu.memory_space<vmem>>
    %dma_start3A_1244 = tpu.memref_squeeze %dma_start3A_1243 : memref<1x400xi32, #tpu.memory_space<vmem>> -> memref<400xi32, #tpu.memory_space<vmem>>
    %dma_start3A_1245 = arith.constant 0 : i32
    %dma_start3A_1246 = arith.constant 0 : i32
    %dma_start3A_1247 = tpu.memref_slice %arg6[%dma_start3A_1245, %dma_start3A_1246] : memref<100000x32xf32, #tpu.memory_space<hbm>> -> memref<100000x32xf32, #tpu.memory_space<hbm>>
    tpu.enqueue_indirect_dma source(%dma_start3A_1247 : memref<100000x32xf32, #tpu.memory_space<hbm>>) target(%arg19 : memref<400x32xf32, #tpu.memory_space<vmem>>) offsets(%dma_start3A_1244 : memref<400xi32, #tpu.memory_space<vmem>>) semaphore(%arg23 : memref<!tpu.dma_semaphore, #tpu.memory_space<semaphore_mem>>)
    %dma_start3A_1248 = arith.constant 15 : i32
    %dma_start3A_1249 = arith.constant 0 : i32
    %dma_start3A_1250 = tpu.memref_slice %arg11[%dma_start3A_1248, %dma_start3A_1249] : memref<16x400xi32, #tpu.memory_space<vmem>> -> memref<1x400xi32, #tpu.memory_space<vmem>>
    %dma_start3A_1251 = tpu.memref_squeeze %dma_start3A_1250 : memref<1x400xi32, #tpu.memory_space<vmem>> -> memref<400xi32, #tpu.memory_space<vmem>>
    %dma_start3A_1252 = arith.constant 0 : i32
    %dma_start3A_1253 = arith.constant 0 : i32
    %dma_start3A_1254 = tpu.memref_slice %arg7[%dma_start3A_1252, %dma_start3A_1253] : memref<1000x32xf32, #tpu.memory_space<hbm>> -> memref<1000x32xf32, #tpu.memory_space<hbm>>
    tpu.enqueue_indirect_dma source(%dma_start3A_1254 : memref<1000x32xf32, #tpu.memory_space<hbm>>) target(%arg20 : memref<400x32xf32, #tpu.memory_space<vmem>>) offsets(%dma_start3A_1251 : memref<400xi32, #tpu.memory_space<vmem>>) semaphore(%arg23 : memref<!tpu.dma_semaphore, #tpu.memory_space<semaphore_mem>>)
    %dma_wait3A_1255 = arith.constant 14 : i32
    %dma_wait3A_1256 = arith.constant 0 : i32
    %dma_wait3A_1257 = tpu.memref_slice %arg9[%dma_wait3A_1255, %dma_wait3A_1256] : memref<16x400xi32, #tpu.memory_space<vmem>> -> memref<1x400xi32, #tpu.memory_space<vmem>>
    %dma_wait3A_1258 = tpu.memref_squeeze %dma_wait3A_1257 : memref<1x400xi32, #tpu.memory_space<vmem>> -> memref<400xi32, #tpu.memory_space<vmem>>
    %dma_wait3A_1259 = arith.constant 0 : i32
    %dma_wait3A_1260 = arith.constant 0 : i32
    %dma_wait3A_1261 = tpu.memref_slice %arg5[%dma_wait3A_1259, %dma_wait3A_1260] : memref<1000000x32xf32, #tpu.memory_space<hbm>> -> memref<1000000x32xf32, #tpu.memory_space<hbm>>
    tpu.wait_indirect_dma semaphore(%arg22 : memref<!tpu.dma_semaphore, #tpu.memory_space<semaphore_mem>>) src(%dma_wait3A_1261 : memref<1000000x32xf32, #tpu.memory_space<hbm>>) dst(%arg15 : memref<400x32xf32, #tpu.memory_space<vmem>>)
    %dma_wait3A_1262 = arith.constant 14 : i32
    %dma_wait3A_1263 = arith.constant 0 : i32
    %dma_wait3A_1264 = tpu.memref_slice %arg10[%dma_wait3A_1262, %dma_wait3A_1263] : memref<16x400xi32, #tpu.memory_space<vmem>> -> memref<1x400xi32, #tpu.memory_space<vmem>>
    %dma_wait3A_1265 = tpu.memref_squeeze %dma_wait3A_1264 : memref<1x400xi32, #tpu.memory_space<vmem>> -> memref<400xi32, #tpu.memory_space<vmem>>
    %dma_wait3A_1266 = arith.constant 0 : i32
    %dma_wait3A_1267 = arith.constant 0 : i32
    %dma_wait3A_1268 = tpu.memref_slice %arg6[%dma_wait3A_1266, %dma_wait3A_1267] : memref<100000x32xf32, #tpu.memory_space<hbm>> -> memref<100000x32xf32, #tpu.memory_space<hbm>>
    tpu.wait_indirect_dma semaphore(%arg22 : memref<!tpu.dma_semaphore, #tpu.memory_space<semaphore_mem>>) src(%dma_wait3A_1268 : memref<100000x32xf32, #tpu.memory_space<hbm>>) dst(%arg16 : memref<400x32xf32, #tpu.memory_space<vmem>>)
    %dma_wait3A_1269 = arith.constant 14 : i32
    %dma_wait3A_1270 = arith.constant 0 : i32
    %dma_wait3A_1271 = tpu.memref_slice %arg11[%dma_wait3A_1269, %dma_wait3A_1270] : memref<16x400xi32, #tpu.memory_space<vmem>> -> memref<1x400xi32, #tpu.memory_space<vmem>>
    %dma_wait3A_1272 = tpu.memref_squeeze %dma_wait3A_1271 : memref<1x400xi32, #tpu.memory_space<vmem>> -> memref<400xi32, #tpu.memory_space<vmem>>
    %dma_wait3A_1273 = arith.constant 0 : i32
    %dma_wait3A_1274 = arith.constant 0 : i32
    %dma_wait3A_1275 = tpu.memref_slice %arg7[%dma_wait3A_1273, %dma_wait3A_1274] : memref<1000x32xf32, #tpu.memory_space<hbm>> -> memref<1000x32xf32, #tpu.memory_space<hbm>>
    tpu.wait_indirect_dma semaphore(%arg22 : memref<!tpu.dma_semaphore, #tpu.memory_space<semaphore_mem>>) src(%dma_wait3A_1275 : memref<1000x32xf32, #tpu.memory_space<hbm>>) dst(%arg17 : memref<400x32xf32, #tpu.memory_space<vmem>>)
    %dma_start3A_1276 = arith.constant 14 : i32
    %dma_start3A_1277 = arith.constant 0 : i32
    %dma_start3A_1278 = tpu.memref_slice %arg12[%dma_start3A_1276, %dma_start3A_1277] : memref<16x400xi32, #tpu.memory_space<vmem>> -> memref<1x400xi32, #tpu.memory_space<vmem>>
    %dma_start3A_1279 = tpu.memref_squeeze %dma_start3A_1278 : memref<1x400xi32, #tpu.memory_space<vmem>> -> memref<400xi32, #tpu.memory_space<vmem>>
    %dma_start3A_1280 = arith.constant 0 : i32
    %dma_start3A_1281 = arith.constant 0 : i32
    %dma_start3A_1282 = tpu.memref_slice %arg8[%dma_start3A_1280, %dma_start3A_1281] : memref<614400x32xf32, #tpu.memory_space<hbm>> -> memref<614400x32xf32, #tpu.memory_space<hbm>>
    tpu.enqueue_indirect_dma source(%arg15 : memref<400x32xf32, #tpu.memory_space<vmem>>) target(%dma_start3A_1282 : memref<614400x32xf32, #tpu.memory_space<hbm>>) offsets(%dma_start3A_1279 : memref<400xi32, #tpu.memory_space<vmem>>) semaphore(%arg24 : memref<!tpu.dma_semaphore, #tpu.memory_space<semaphore_mem>>)
    %dma_start3A_1283 = arith.constant 14 : i32
    %dma_start3A_1284 = arith.constant 0 : i32
    %dma_start3A_1285 = tpu.memref_slice %arg13[%dma_start3A_1283, %dma_start3A_1284] : memref<16x400xi32, #tpu.memory_space<vmem>> -> memref<1x400xi32, #tpu.memory_space<vmem>>
    %dma_start3A_1286 = tpu.memref_squeeze %dma_start3A_1285 : memref<1x400xi32, #tpu.memory_space<vmem>> -> memref<400xi32, #tpu.memory_space<vmem>>
    %dma_start3A_1287 = arith.constant 0 : i32
    %dma_start3A_1288 = arith.constant 0 : i32
    %dma_start3A_1289 = tpu.memref_slice %arg8[%dma_start3A_1287, %dma_start3A_1288] : memref<614400x32xf32, #tpu.memory_space<hbm>> -> memref<614400x32xf32, #tpu.memory_space<hbm>>
    tpu.enqueue_indirect_dma source(%arg16 : memref<400x32xf32, #tpu.memory_space<vmem>>) target(%dma_start3A_1289 : memref<614400x32xf32, #tpu.memory_space<hbm>>) offsets(%dma_start3A_1286 : memref<400xi32, #tpu.memory_space<vmem>>) semaphore(%arg24 : memref<!tpu.dma_semaphore, #tpu.memory_space<semaphore_mem>>)
    %dma_start3A_1290 = arith.constant 14 : i32
    %dma_start3A_1291 = arith.constant 0 : i32
    %dma_start3A_1292 = tpu.memref_slice %arg14[%dma_start3A_1290, %dma_start3A_1291] : memref<16x400xi32, #tpu.memory_space<vmem>> -> memref<1x400xi32, #tpu.memory_space<vmem>>
    %dma_start3A_1293 = tpu.memref_squeeze %dma_start3A_1292 : memref<1x400xi32, #tpu.memory_space<vmem>> -> memref<400xi32, #tpu.memory_space<vmem>>
    %dma_start3A_1294 = arith.constant 0 : i32
    %dma_start3A_1295 = arith.constant 0 : i32
    %dma_start3A_1296 = tpu.memref_slice %arg8[%dma_start3A_1294, %dma_start3A_1295] : memref<614400x32xf32, #tpu.memory_space<hbm>> -> memref<614400x32xf32, #tpu.memory_space<hbm>>
    tpu.enqueue_indirect_dma source(%arg17 : memref<400x32xf32, #tpu.memory_space<vmem>>) target(%dma_start3A_1296 : memref<614400x32xf32, #tpu.memory_space<hbm>>) offsets(%dma_start3A_1293 : memref<400xi32, #tpu.memory_space<vmem>>) semaphore(%arg24 : memref<!tpu.dma_semaphore, #tpu.memory_space<semaphore_mem>>)
    %dma_wait3A_1297 = arith.constant 15 : i32
    %dma_wait3A_1298 = arith.constant 0 : i32
    %dma_wait3A_1299 = tpu.memref_slice %arg9[%dma_wait3A_1297, %dma_wait3A_1298] : memref<16x400xi32, #tpu.memory_space<vmem>> -> memref<1x400xi32, #tpu.memory_space<vmem>>
    %dma_wait3A_1300 = tpu.memref_squeeze %dma_wait3A_1299 : memref<1x400xi32, #tpu.memory_space<vmem>> -> memref<400xi32, #tpu.memory_space<vmem>>
    %dma_wait3A_1301 = arith.constant 0 : i32
    %dma_wait3A_1302 = arith.constant 0 : i32
    %dma_wait3A_1303 = tpu.memref_slice %arg5[%dma_wait3A_1301, %dma_wait3A_1302] : memref<1000000x32xf32, #tpu.memory_space<hbm>> -> memref<1000000x32xf32, #tpu.memory_space<hbm>>
    tpu.wait_indirect_dma semaphore(%arg23 : memref<!tpu.dma_semaphore, #tpu.memory_space<semaphore_mem>>) src(%dma_wait3A_1303 : memref<1000000x32xf32, #tpu.memory_space<hbm>>) dst(%arg18 : memref<400x32xf32, #tpu.memory_space<vmem>>)
    %dma_wait3A_1304 = arith.constant 15 : i32
    %dma_wait3A_1305 = arith.constant 0 : i32
    %dma_wait3A_1306 = tpu.memref_slice %arg10[%dma_wait3A_1304, %dma_wait3A_1305] : memref<16x400xi32, #tpu.memory_space<vmem>> -> memref<1x400xi32, #tpu.memory_space<vmem>>
    %dma_wait3A_1307 = tpu.memref_squeeze %dma_wait3A_1306 : memref<1x400xi32, #tpu.memory_space<vmem>> -> memref<400xi32, #tpu.memory_space<vmem>>
    %dma_wait3A_1308 = arith.constant 0 : i32
    %dma_wait3A_1309 = arith.constant 0 : i32
    %dma_wait3A_1310 = tpu.memref_slice %arg6[%dma_wait3A_1308, %dma_wait3A_1309] : memref<100000x32xf32, #tpu.memory_space<hbm>> -> memref<100000x32xf32, #tpu.memory_space<hbm>>
    tpu.wait_indirect_dma semaphore(%arg23 : memref<!tpu.dma_semaphore, #tpu.memory_space<semaphore_mem>>) src(%dma_wait3A_1310 : memref<100000x32xf32, #tpu.memory_space<hbm>>) dst(%arg19 : memref<400x32xf32, #tpu.memory_space<vmem>>)
    %dma_wait3A_1311 = arith.constant 15 : i32
    %dma_wait3A_1312 = arith.constant 0 : i32
    %dma_wait3A_1313 = tpu.memref_slice %arg11[%dma_wait3A_1311, %dma_wait3A_1312] : memref<16x400xi32, #tpu.memory_space<vmem>> -> memref<1x400xi32, #tpu.memory_space<vmem>>
    %dma_wait3A_1314 = tpu.memref_squeeze %dma_wait3A_1313 : memref<1x400xi32, #tpu.memory_space<vmem>> -> memref<400xi32, #tpu.memory_space<vmem>>
    %dma_wait3A_1315 = arith.constant 0 : i32
    %dma_wait3A_1316 = arith.constant 0 : i32
    %dma_wait3A_1317 = tpu.memref_slice %arg7[%dma_wait3A_1315, %dma_wait3A_1316] : memref<1000x32xf32, #tpu.memory_space<hbm>> -> memref<1000x32xf32, #tpu.memory_space<hbm>>
    tpu.wait_indirect_dma semaphore(%arg23 : memref<!tpu.dma_semaphore, #tpu.memory_space<semaphore_mem>>) src(%dma_wait3A_1317 : memref<1000x32xf32, #tpu.memory_space<hbm>>) dst(%arg20 : memref<400x32xf32, #tpu.memory_space<vmem>>)
    %dma_start3A_1318 = arith.constant 15 : i32
    %dma_start3A_1319 = arith.constant 0 : i32
    %dma_start3A_1320 = tpu.memref_slice %arg12[%dma_start3A_1318, %dma_start3A_1319] : memref<16x400xi32, #tpu.memory_space<vmem>> -> memref<1x400xi32, #tpu.memory_space<vmem>>
    %dma_start3A_1321 = tpu.memref_squeeze %dma_start3A_1320 : memref<1x400xi32, #tpu.memory_space<vmem>> -> memref<400xi32, #tpu.memory_space<vmem>>
    %dma_start3A_1322 = arith.constant 0 : i32
    %dma_start3A_1323 = arith.constant 0 : i32
    %dma_start3A_1324 = tpu.memref_slice %arg8[%dma_start3A_1322, %dma_start3A_1323] : memref<614400x32xf32, #tpu.memory_space<hbm>> -> memref<614400x32xf32, #tpu.memory_space<hbm>>
    tpu.enqueue_indirect_dma source(%arg18 : memref<400x32xf32, #tpu.memory_space<vmem>>) target(%dma_start3A_1324 : memref<614400x32xf32, #tpu.memory_space<hbm>>) offsets(%dma_start3A_1321 : memref<400xi32, #tpu.memory_space<vmem>>) semaphore(%arg25 : memref<!tpu.dma_semaphore, #tpu.memory_space<semaphore_mem>>)
    %dma_start3A_1325 = arith.constant 15 : i32
    %dma_start3A_1326 = arith.constant 0 : i32
    %dma_start3A_1327 = tpu.memref_slice %arg13[%dma_start3A_1325, %dma_start3A_1326] : memref<16x400xi32, #tpu.memory_space<vmem>> -> memref<1x400xi32, #tpu.memory_space<vmem>>
    %dma_start3A_1328 = tpu.memref_squeeze %dma_start3A_1327 : memref<1x400xi32, #tpu.memory_space<vmem>> -> memref<400xi32, #tpu.memory_space<vmem>>
    %dma_start3A_1329 = arith.constant 0 : i32
    %dma_start3A_1330 = arith.constant 0 : i32
    %dma_start3A_1331 = tpu.memref_slice %arg8[%dma_start3A_1329, %dma_start3A_1330] : memref<614400x32xf32, #tpu.memory_space<hbm>> -> memref<614400x32xf32, #tpu.memory_space<hbm>>
    tpu.enqueue_indirect_dma source(%arg19 : memref<400x32xf32, #tpu.memory_space<vmem>>) target(%dma_start3A_1331 : memref<614400x32xf32, #tpu.memory_space<hbm>>) offsets(%dma_start3A_1328 : memref<400xi32, #tpu.memory_space<vmem>>) semaphore(%arg25 : memref<!tpu.dma_semaphore, #tpu.memory_space<semaphore_mem>>)
    %dma_start3A_1332 = arith.constant 15 : i32
    %dma_start3A_1333 = arith.constant 0 : i32
    %dma_start3A_1334 = tpu.memref_slice %arg14[%dma_start3A_1332, %dma_start3A_1333] : memref<16x400xi32, #tpu.memory_space<vmem>> -> memref<1x400xi32, #tpu.memory_space<vmem>>
    %dma_start3A_1335 = tpu.memref_squeeze %dma_start3A_1334 : memref<1x400xi32, #tpu.memory_space<vmem>> -> memref<400xi32, #tpu.memory_space<vmem>>
    %dma_start3A_1336 = arith.constant 0 : i32
    %dma_start3A_1337 = arith.constant 0 : i32
    %dma_start3A_1338 = tpu.memref_slice %arg8[%dma_start3A_1336, %dma_start3A_1337] : memref<614400x32xf32, #tpu.memory_space<hbm>> -> memref<614400x32xf32, #tpu.memory_space<hbm>>
    tpu.enqueue_indirect_dma source(%arg20 : memref<400x32xf32, #tpu.memory_space<vmem>>) target(%dma_start3A_1338 : memref<614400x32xf32, #tpu.memory_space<hbm>>) offsets(%dma_start3A_1335 : memref<400xi32, #tpu.memory_space<vmem>>) semaphore(%arg25 : memref<!tpu.dma_semaphore, #tpu.memory_space<semaphore_mem>>)
    %dma_wait3A_1339 = arith.constant 14 : i32
    %dma_wait3A_1340 = arith.constant 0 : i32
    %dma_wait3A_1341 = tpu.memref_slice %arg12[%dma_wait3A_1339, %dma_wait3A_1340] : memref<16x400xi32, #tpu.memory_space<vmem>> -> memref<1x400xi32, #tpu.memory_space<vmem>>
    %dma_wait3A_1342 = tpu.memref_squeeze %dma_wait3A_1341 : memref<1x400xi32, #tpu.memory_space<vmem>> -> memref<400xi32, #tpu.memory_space<vmem>>
    %dma_wait3A_1343 = arith.constant 0 : i32
    %dma_wait3A_1344 = arith.constant 0 : i32
    %dma_wait3A_1345 = tpu.memref_slice %arg8[%dma_wait3A_1343, %dma_wait3A_1344] : memref<614400x32xf32, #tpu.memory_space<hbm>> -> memref<614400x32xf32, #tpu.memory_space<hbm>>
    tpu.wait_indirect_dma semaphore(%arg24 : memref<!tpu.dma_semaphore, #tpu.memory_space<semaphore_mem>>) src(%arg15 : memref<400x32xf32, #tpu.memory_space<vmem>>) dst(%dma_wait3A_1345 : memref<614400x32xf32, #tpu.memory_space<hbm>>)
    %dma_wait3A_1346 = arith.constant 14 : i32
    %dma_wait3A_1347 = arith.constant 0 : i32
    %dma_wait3A_1348 = tpu.memref_slice %arg13[%dma_wait3A_1346, %dma_wait3A_1347] : memref<16x400xi32, #tpu.memory_space<vmem>> -> memref<1x400xi32, #tpu.memory_space<vmem>>
    %dma_wait3A_1349 = tpu.memref_squeeze %dma_wait3A_1348 : memref<1x400xi32, #tpu.memory_space<vmem>> -> memref<400xi32, #tpu.memory_space<vmem>>
    %dma_wait3A_1350 = arith.constant 0 : i32
    %dma_wait3A_1351 = arith.constant 0 : i32
    %dma_wait3A_1352 = tpu.memref_slice %arg8[%dma_wait3A_1350, %dma_wait3A_1351] : memref<614400x32xf32, #tpu.memory_space<hbm>> -> memref<614400x32xf32, #tpu.memory_space<hbm>>
    tpu.wait_indirect_dma semaphore(%arg24 : memref<!tpu.dma_semaphore, #tpu.memory_space<semaphore_mem>>) src(%arg16 : memref<400x32xf32, #tpu.memory_space<vmem>>) dst(%dma_wait3A_1352 : memref<614400x32xf32, #tpu.memory_space<hbm>>)
    %dma_wait3A_1353 = arith.constant 14 : i32
    %dma_wait3A_1354 = arith.constant 0 : i32
    %dma_wait3A_1355 = tpu.memref_slice %arg14[%dma_wait3A_1353, %dma_wait3A_1354] : memref<16x400xi32, #tpu.memory_space<vmem>> -> memref<1x400xi32, #tpu.memory_space<vmem>>
    %dma_wait3A_1356 = tpu.memref_squeeze %dma_wait3A_1355 : memref<1x400xi32, #tpu.memory_space<vmem>> -> memref<400xi32, #tpu.memory_space<vmem>>
    %dma_wait3A_1357 = arith.constant 0 : i32
    %dma_wait3A_1358 = arith.constant 0 : i32
    %dma_wait3A_1359 = tpu.memref_slice %arg8[%dma_wait3A_1357, %dma_wait3A_1358] : memref<614400x32xf32, #tpu.memory_space<hbm>> -> memref<614400x32xf32, #tpu.memory_space<hbm>>
    tpu.wait_indirect_dma semaphore(%arg24 : memref<!tpu.dma_semaphore, #tpu.memory_space<semaphore_mem>>) src(%arg17 : memref<400x32xf32, #tpu.memory_space<vmem>>) dst(%dma_wait3A_1359 : memref<614400x32xf32, #tpu.memory_space<hbm>>)
    %dma_wait3A_1360 = arith.constant 15 : i32
    %dma_wait3A_1361 = arith.constant 0 : i32
    %dma_wait3A_1362 = tpu.memref_slice %arg12[%dma_wait3A_1360, %dma_wait3A_1361] : memref<16x400xi32, #tpu.memory_space<vmem>> -> memref<1x400xi32, #tpu.memory_space<vmem>>
    %dma_wait3A_1363 = tpu.memref_squeeze %dma_wait3A_1362 : memref<1x400xi32, #tpu.memory_space<vmem>> -> memref<400xi32, #tpu.memory_space<vmem>>
    %dma_wait3A_1364 = arith.constant 0 : i32
    %dma_wait3A_1365 = arith.constant 0 : i32
    %dma_wait3A_1366 = tpu.memref_slice %arg8[%dma_wait3A_1364, %dma_wait3A_1365] : memref<614400x32xf32, #tpu.memory_space<hbm>> -> memref<614400x32xf32, #tpu.memory_space<hbm>>
    tpu.wait_indirect_dma semaphore(%arg25 : memref<!tpu.dma_semaphore, #tpu.memory_space<semaphore_mem>>) src(%arg18 : memref<400x32xf32, #tpu.memory_space<vmem>>) dst(%dma_wait3A_1366 : memref<614400x32xf32, #tpu.memory_space<hbm>>)
    %dma_wait3A_1367 = arith.constant 15 : i32
    %dma_wait3A_1368 = arith.constant 0 : i32
    %dma_wait3A_1369 = tpu.memref_slice %arg13[%dma_wait3A_1367, %dma_wait3A_1368] : memref<16x400xi32, #tpu.memory_space<vmem>> -> memref<1x400xi32, #tpu.memory_space<vmem>>
    %dma_wait3A_1370 = tpu.memref_squeeze %dma_wait3A_1369 : memref<1x400xi32, #tpu.memory_space<vmem>> -> memref<400xi32, #tpu.memory_space<vmem>>
    %dma_wait3A_1371 = arith.constant 0 : i32
    %dma_wait3A_1372 = arith.constant 0 : i32
    %dma_wait3A_1373 = tpu.memref_slice %arg8[%dma_wait3A_1371, %dma_wait3A_1372] : memref<614400x32xf32, #tpu.memory_space<hbm>> -> memref<614400x32xf32, #tpu.memory_space<hbm>>
    tpu.wait_indirect_dma semaphore(%arg25 : memref<!tpu.dma_semaphore, #tpu.memory_space<semaphore_mem>>) src(%arg19 : memref<400x32xf32, #tpu.memory_space<vmem>>) dst(%dma_wait3A_1373 : memref<614400x32xf32, #tpu.memory_space<hbm>>)
    %dma_wait3A_1374 = arith.constant 15 : i32
    %dma_wait3A_1375 = arith.constant 0 : i32
    %dma_wait3A_1376 = tpu.memref_slice %arg14[%dma_wait3A_1374, %dma_wait3A_1375] : memref<16x400xi32, #tpu.memory_space<vmem>> -> memref<1x400xi32, #tpu.memory_space<vmem>>
    %dma_wait3A_1377 = tpu.memref_squeeze %dma_wait3A_1376 : memref<1x400xi32, #tpu.memory_space<vmem>> -> memref<400xi32, #tpu.memory_space<vmem>>
    %dma_wait3A_1378 = arith.constant 0 : i32
    %dma_wait3A_1379 = arith.constant 0 : i32
    %dma_wait3A_1380 = tpu.memref_slice %arg8[%dma_wait3A_1378, %dma_wait3A_1379] : memref<614400x32xf32, #tpu.memory_space<hbm>> -> memref<614400x32xf32, #tpu.memory_space<hbm>>
    tpu.wait_indirect_dma semaphore(%arg25 : memref<!tpu.dma_semaphore, #tpu.memory_space<semaphore_mem>>) src(%arg20 : memref<400x32xf32, #tpu.memory_space<vmem>>) dst(%dma_wait3A_1380 : memref<614400x32xf32, #tpu.memory_space<hbm>>)
    return
  }
}

</mosaic_0001>

<sc_bundles>
// kernel: kernel.3.cloned.1.call-start
scs
__scs_entry_jumppad:
0x0: {  	(pc) =	sbr.rel $0x88, $3  }
0x1: {  	(tag) =	ssettag $0x0;
	lr =	simm.s32 $0x1  }
0x2: {  	[smem:$0x3F9B] =	sst lr;
	_ =	strace $0xD0000000  }
0x3: {  	_ = 	snop  }
0x4: {  	_ = 	snop  }
0x5: {  	_ = 	snop  }
0x6: {  	_ = 	snop  }
0x7: {  	_ = 	snop  }
__scs_overlays_trampoline_lowered:
0x8: {  	[smem:$0x3FAA] =	sst s0  }
0x9: {  	[smem:$0x3FAB] =	sst s1  }
0xa: {  	[smem:$0x3FAC] =	sst s2  }
0xb: {  	[smem:$0x3FAD] =	sst s3  }
0xc: {  	[smem:$0x3FAE] =	sst s4  }
0xd: {  	[smem:$0x3FAF] =	sst s5  }
0xe: {  	[smem:$0x3FB0] =	sst s6  }
0xf: {  	[smem:$0x3FB1] =	sst s7  }
0x10: {  	[smem:$0x3FB2] =	sst s8  }
0x11: {  	[smem:$0x3FB3] =	sst s9;
	s0 =	simm.s32 @!p0 $0x0  }
0x12: {  	s1 =	sld [smem:$0x3F99];
	s0 =	simm.s32 @p0 $0x1  }
0x13: {  	[smem:$0x3FB4] =	sst s0;
	s0 =	simm.s32 @!p1 $0x0  }
0x14: {  	s2 =	sld [smem:$0x3F98];
	s0 =	simm.s32 @p1 $0x1  }
0x15: {  	[smem:$0x3FB5] =	sst s0;
	s0 =	simm.s32 @!p2 $0x0  }
0x16: {  	s3 =	sld [smem:$0x3FDB];
	s0 =	simm.s32 @p2 $0x1  }
0x17: {  	s4 =	simm.s32 $0x1BF5;
	[smem:$0x3FB7] =	sst s0  }
0x18: {  	s0 =	sld [smem:$0x3F9A];
	_ =	swait.ge [sflag:s4], $0x0  }
0x19: {  	s7 =	sld [smem:$0x3F9B]  }
0x1a: {  	s8 =	sadd.s32 $0xFFFFE003, lr  }
0x1b: {  	s9 =	sadd.s32 $0xFFFFFEF7, lr;
	s5 =	simm.s32 $0xFFFFFFFF;
	p2 =	slt.u32 s8, $0xFFFFF086  }
0x1c: {  	p1 =	slt.u32 s9, $0xF7A;
	s5 =	simm.s32 @!p2 $0x0  }
0x1d: {  	s5 =	simm.s32 @p1 $0x1;
	p0 =	seq.s32 s7, s2  }
0x1e: {  	s7 =	smul.u32 @!p0 $0xF7A, s2;
	p2 =	seq.s32 @!p0 s5, $0x0  }
0x1f: {  	s9 =	smul.u32 $0xF7A, s1;
	s8 =	simm.s32 @!p0 $0x1BF5;
	p2 =	por !p2, p0  }
0x20: {  	[sflag:s8] =	ssyncset.s32 @!p0 $0xFFFFF086;
	s6 =	sadd.s32 @!p0 s3, s7;
	s7 =	simm.s32 @!p0 $0x108  }
0x21: {  	s3 =	sadd.s32 s3, s9;
	s6 =	sadd.s32 @!p0 $0x88, s6;
	s7 =	simm.s32 @p2 $0x1082  }
0x22: {  	[simem:s7], [sflag:s8] =	dma.local @!p0 [hbm:s6], $0xF7A  }
0x23: {  	s9 =	sor.u32 $0xD0000000, s2;
	s6 =	simm.s32 $0x108;
	_ =	swait.ge @!p0 [sflag:s8], $0x0  }
0x24: {  	s3 =	sadd.s32 $0x88, s3;
	s6 =	simm.s32 @!p1 $0x1082;
	[sflag:s4] =	ssyncset.s32 $0xFFFFF086  }
0x25: {  	[simem:s6], [sflag:s4] =	dma.local [hbm:s3], $0xF7A  }
0x26: {  	[smem:$0x3F9B] =	sst s1;
	(tag) =	ssettag s2;
	_ =	strace s9  }
0x27: {  	s1 =	sld [smem:$0x3FAB]  }
0x28: {  	s2 =	sld [smem:$0x3FAC]  }
0x29: {  	s4 =	sld [smem:$0x3FAE]  }
0x2a: {  	p0 =	seq.s32 s5, $0x0;
	s5 =	sld [smem:$0x3FAF]  }
0x2b: {  	s6 =	sld [smem:$0x3FB0]  }
0x2c: {  	s7 =	sld [smem:$0x3FB1]  }
0x2d: {  	s3 =	simm.s32 $0x108;
	s8 =	sld [smem:$0x3FB2]  }
0x2e: {  	s3 =	simm.s32 @!p0 $0x1082;
	s9 =	sld [smem:$0x3FB3]  }
0x2f: {  	lr =	sadd.s32 s0, s3;
	s0 =	sld [smem:$0x3FAA]  }
0x30: {  	s3 =	sld [smem:$0x3FAD]  }
0x31: {  	[smem:$0x3FB6] =	sst s10  }
0x32: {  	s10 =	sld [smem:$0x3FB4];
	_ =	sdelay $0x3  }
0x33: {  	p0 =	seq.s32 s10, $0x1;
	s10 =	sld [smem:$0x3FB6];
	_ =	sdelay $0x3  }
0x34: {  	[smem:$0x3FB6] =	sst s10  }
0x35: {  	s10 =	sld [smem:$0x3FB5];
	_ =	sdelay $0x3  }
0x36: {  	p1 =	seq.s32 s10, $0x1;
	s10 =	sld [smem:$0x3FB6];
	_ =	sdelay $0x3  }
0x37: {  	[smem:$0x3FB6] =	sst s10  }
0x38: {  	s10 =	sld [smem:$0x3FB7]  }
0x39: {  	_ = 	snop;
	(pc) =	sbr.ind lr, $3  }
0x3a: {  	_ = 	snop  }
0x3b: {  	_ = 	snop  }
0x3c: {  	p2 =	seq.s32 s10, $0x1;
	s10 =	sld [smem:$0x3FB6]  }
0x3d: {  	_ =	shalt  }
0x3e: {  	_ =	shalt  }
0x3f: {  	_ =	shalt  }
0x40: {  	_ =	shalt  }
0x41: {  	_ =	shalt  }
0x42: {  	_ =	shalt  }
0x43: {  	_ =	shalt  }
0x44: {  	_ =	shalt  }
0x45: {  	_ =	shalt  }
0x46: {  	_ =	shalt  }
0x47: {  	_ =	shalt  }
0x48: {  	_ =	shalt  }
0x49: {  	_ =	shalt  }
0x4a: {  	_ =	shalt  }
0x4b: {  	_ =	shalt  }
0x4c: {  	_ =	shalt  }
0x4d: {  	_ =	shalt  }
0x4e: {  	_ =	shalt  }
0x4f: {  	_ =	shalt  }
0x50: {  	_ =	shalt  }
0x51: {  	_ =	shalt  }
0x52: {  	_ =	shalt  }
0x53: {  	_ =	shalt  }
0x54: {  	_ =	shalt  }
0x55: {  	_ =	shalt  }
0x56: {  	_ =	shalt  }
0x57: {  	_ =	shalt  }
0x58: {  	_ =	shalt  }
0x59: {  	_ =	shalt  }
0x5a: {  	_ =	shalt  }
0x5b: {  	_ =	shalt  }
0x5c: {  	_ =	shalt  }
0x5d: {  	_ =	shalt  }
0x5e: {  	_ =	shalt  }
0x5f: {  	_ =	shalt  }
0x60: {  	_ =	shalt  }
0x61: {  	_ =	shalt  }
0x62: {  	_ =	shalt  }
0x63: {  	_ =	shalt  }
0x64: {  	_ =	shalt  }
0x65: {  	_ =	shalt  }
0x66: {  	_ =	shalt  }
0x67: {  	_ =	shalt  }
0x68: {  	_ =	shalt  }
0x69: {  	_ =	shalt  }
0x6a: {  	_ =	shalt  }
0x6b: {  	_ =	shalt  }
0x6c: {  	_ =	shalt  }
0x6d: {  	_ =	shalt  }
0x6e: {  	_ =	shalt  }
0x6f: {  	_ =	shalt  }
0x70: {  	_ =	shalt  }
0x71: {  	_ =	shalt  }
0x72: {  	_ =	shalt  }
0x73: {  	_ =	shalt  }
0x74: {  	_ =	shalt  }
0x75: {  	_ =	shalt  }
0x76: {  	_ =	shalt  }
0x77: {  	_ =	shalt  }
0x78: {  	_ =	shalt  }
0x79: {  	_ =	shalt  }
0x7a: {  	_ =	shalt  }
0x7b: {  	_ =	shalt  }
0x7c: {  	_ =	shalt  }
0x7d: {  	_ =	shalt  }
0x7e: {  	_ =	shalt  }
0x7f: {  	_ =	shalt  }
0x80: {  	_ =	shalt  }
0x81: {  	_ =	shalt  }
0x82: {  	_ =	shalt  }
0x83: {  	_ =	shalt  }
0x84: {  	_ =	shalt  }
0x85: {  	_ =	shalt  }
0x86: {  	_ =	shalt  }
0x87: {  	_ =	shalt  }
.Lfunc_end0:
.L_simem_size_0:
called_computation.1_lowered:
.L_overlay_start_0:
0x88: {  	s2 =	sld [smem:$0x3FD9]  }
0x89: {  	s3 =	sld [smem:$0x3FFE];
	_ =	sdelay $0x1  }
0x8a: {  	s1 =	srdreg.scid  }
0x8b: {  	s0 =	sand.u32 $0x1, s1  }
0x8c: {  	s17 =	sshll.u32 s0, $0xA;
	s2 =	sadd.s32 s3, s2  }
0x8d: {  	s2 =	sadd.s32 s2, s17  }
0x8e: {  	[smem:$0x3FC2] =	sst s2  }
0x8f: {  	_ = 	snop  }
0x90: {  	s2 =	sld [smem:$0x3FD0];
	(tm) =	ssettm $0x1  }
0x91: {  	s18 =	sld [smem:$0x3FFB];
	_ =	sdelay $0x3  }
0x92: {  	_ =	strace s18  }
0x93: {  	s3 =	sld [smem:$0x3FFC];
	_ =	sdelay $0x3  }
0x94: {  	_ =	strace s3  }
0x95: {  	s3 =	sld [smem:$0x3FFD];
	_ =	sdelay $0x3  }
0x96: {  	_ =	strace s3  }
0x97: {  	_ =	strace $0x8FFFFFFF  }
0x98: {  	s19 =	sld [smem:$0x3FDB];
	_ =	sdelay $0x1  }
0x99: {  	s4 =	simm.s32 $_scs_section_size  }
0x9a: {  	s5 =	simm.s32 $_size__tile_overlayer_lowered;
	s6 =	simm.s32 $_tile_overlayer_lowered  }
0x9b: {  	s22 =	simm.s32 $0x1BFF;
	s21 =	sshll.u32 s6, $0x1;
	s3 =	sadd.s32 s4, s19  }
0x9c: {  	s7 =	simm.s32 $0x0;
	s20 =	sshll.u32 s5, $0x1;
	s5 =	sadd.s32 s21, s3  }
0x9d: {  	[timem:s7], [sflag:s22] =	dma.local [hbm:s5], s20  }
0x9e: {  	_ =	swait.ge [sflag:s22], s20  }
0x9f: {  	s4 =	ssub.s32 $0x0, s20;
	[sflag:s22] =	ssyncset.done $0x0  }
0xa0: {  	[sflag:s22] =	ssyncadd.s32 s4;
	_ =	sdelay $0x1  }
0xa1: {  	s23 =	simm.s32 $0x1B8B  }
0xa2: {  	_ =	swait.ge [sflag:s23], $0x1  }
0xa3: {  	[sflag:s23] =	ssyncset.done $0x0  }
0xa4: {  	s25 =	simm.s32 $0x1B8E;
	s24 =	sld [smem:$0x3FFE];
	[sflag:s23] =	ssyncadd.s32 $0xFFFFFFFF  }
0xa5: {  	s26 =	simm.s32 $execute0_lowered;
	[smem:$0x3FD2] =	sst s25  }
0xa6: {  	s5 =	sshll.u32 s26, $0x1;
	_ =	strace $0x80000046;
	[dreg:$0x1] =	wrdreg $0xFFFFFFFF  }
0xa7: {  	s28 =	simm.s32 $_size_execute0_lowered;
	s3 =	sadd.s32 s3, s5;
	[dreg:$0x0] =	wrdreg $0x0  }
0xa8: {  	s5 =	sshll.u32 s28, $0x1;
	[dreg:$0x2] =	wrdreg s3  }
0xa9: {  	[dreg:$0x3] =	wrdreg s5  }
0xaa: {  	[dreg:$0x4] =	wrdreg $0xC0  }
0xab: {  	_ =	task [dreg:s7], $0x5FFFF  }
0xac: {  	[dreg:$0x1] =	wrdreg $0xFFFFFFFF  }
0xad: {  	[dreg:$0x0] =	wrdreg $0x60  }
0xae: {  	[dreg:$0x2] =	wrdreg s24  }
0xaf: {  	[dreg:$0x3] =	wrdreg s2  }
0xb0: {  	[dreg:$0x4] =	wrdreg $0x9  }
0xb1: {  	_ =	task.clear_ibuf [dreg:s7], $0x5FFFF;
	_ =	strace $0x90000046  }
0xb2: {  	s29 =	simm.s32 $0x9;
	_ =	strace $0x80000048  }
0xb3: {  	_ =	swait.ge [sflag:s29], $0x1  }
0xb4: {  	[sflag:s29] =	ssyncadd.s32 $0xFFFFFFFF  }
0xb5: {  	_ =	strace $0x90000048  }
0xb6: {  	_ =	sfence  }
0xb7: {  	s30 =	sld [smem:$0x0];
	_ =	sdelay $0x2  }
0xb8: {  	s31 =	sshll.u32 s1, $0xD;
	s1 =	sshrl.u32 s1, $0x2  }
0xb9: {  	s3 =	sand.u32 $0x4000, s31;
	s1 =	sadd.s32 s1, s30  }
0xba: {  	s0 =	sor.u32 s3, s0;
	s1 =	sshll.u32 s1, $0x11  }
0xbb: {  	s0 =	sor.u32 s1, s0  }
0xbc: {  	s0 =	sadd.s32 $0x8F2B, s0  }
0xbd: {  	[sflag:s0] =	ssyncadd.remote.s32 $0x1  }
0xbe: {  	_ =	sfence.sel $0xFFFF  }
0xbf: {  	[dreg:$0x0] =	wrdreg $0xFFFFFFFF;
	(pc) =	sbr.abs _section_cstart, $3  }
0xc0: {  	[dreg:$0x1] =	wrdreg $0xFFFFFFFF  }
0xc1: {  	_ =	task.clear_ibuf [dreg:s7], $0x2FFFF;
	_ =	strace $0x9FFFFFFF  }
0xc2: {  	(tm) =	ssettm $0x7FFFFFFF  }
0xc3: {  	_ =	shalt  }
tec
execute0_lowered:
.L_overlay_start_1:
0x0: {  	(tag) =	ssettag $0x1  }
0x1: {  	s0 =	srdreg.scid  }
0x2: {  	s2 =	stileid.u32;
	s1 =	rddreg [dreg:$0x0]  }
0x3: {  	s11 =	simm.s32 $0x3200;
	s13 =	simm.s32 $0x1;
	s14 =	simm.s32 $0x190  }
0x4: {  	s15 =	simm.s32 $0x9600;
	s16 =	simm.s32 $0xC800;
	s17 =	simm.s32 $0xFA00  }
0x5: {  	s18 =	simm.s32 $0x12C00;
	s20 =	simm.s32 $0x15E00;
	s22 =	simm.s32 $0x19000  }
0x6: {  	s23 =	simm.s32 $0x2;
	s28 =	simm.s32 $0x4;
	s24 =	simm.s32 $0x5  }
0x7: {  	s26 =	simm.s32 $0x0;
	s0 =	sand.u32 $0x1, s0;
	s3 =	sshll.u32 s2, $0x1  }
0x8: {  	s2 =	rddreg [dreg:$0x1];
	s5 =	sadd.s32 $0x1200, s1;
	s6 =	sadd.s32 $0x75A00, s1  }
0x9: {  	s7 =	sor.u32 s0, s3;
	s3 =	simm.s32 $0x0;
	s0 =	ssub.s32 $0x2, s0  }
0xa: {  	s4 =	smul.u32 $0x320, s7;
	[smem:$0x7FF] =	sst s3;
	s8 =	sshrl.u32 s0, $0x1  }
0xb: {  	s21 =	smul.u32 $0x1900, s7;
	s7 =	simm.s32 $0x1900;
	_ =	strace $0x80000047  }
0xc: {  	s0 =	ssub.s32 s0, s8;
	s9 =	sadd.s32 s4, s1;
	s4 =	sadd.s32 $0xF43600, s1  }
0xd: {  	v0 =	vlaneseq.u32;
	s10 =	smax.u32 s0, $0x1;
	s1 =	simm.s32 $0x3;
	s31 =	sadd.s32 $0x6F600, s9  }
0xe: {  	v0 =	vor.u32 s21, v0;
	s8 =	sadd.s32 $0x69200, s9;
	s9 =	sadd.s32 $0x62E00, s9;
	[dreg:$0x3] =	wrdreg s31  }
.LBB2_1:
0xf: {  	s0 =	rddreg [dreg:$0x3]  }
0x10: {  	[tilespmem:s3], [sflag:$0x1] =	stream.linear.gather [hbm4b:s0+s3], $0x1900, $0x38;
	[tilespmem:$0x1C200] =	vst v63  }
0x11: {  	_ = 	snop  }
0x12: {  	[tilespmem:s7], [sflag:$0x1] =	stream.linear.gather [hbm4b:s8+s3], $0x1900, $0x38;
	[tilespmem:$0x1C200] =	vst v63  }
0x13: {  	s21 =	simm.s32 $0x7D00  }
0x14: {  	[tilespmem:s11], [sflag:$0x1] =	stream.linear.gather [hbm4b:s9+s3], $0x1900, $0x38;
	[tilespmem:$0x1C200] =	vst v63  }
0x15: {  	s12 =	simm.s32 $0x6400;
	s0 =	simm.s32 $0x0;
	s11 =	simm.s32 $0x4B00  }
.LBB2_2:
0x16: {  	s19 =	smul.u32 $0x190, s0;
	_ =	sdelay $0x1  }
0x17: {  	s25 =	sadd.s32 $0x0, s19  }
0x18: {  	v1 =	vadd.s32 s25, v0  }
0x19: {  	v1 =	vmul.u32 $0x3, v1;
	_ =	sdelay $0x1  }
0x1a: {  	s29 =	smov.u32 s21;
	[tilespmem:s11+$0x0] =	vst v1;
	v2 =	vadd.s32 $0x1, v1  }
0x1b: {  	s31 =	smov.u32 s11;
	s30 =	smov.u32 s12;
	s25 =	simm.s32 $0x10;
	v1 =	vadd.s32 $0x2, v1;
	[tilespmem:s12+$0x0] =	vst v2  }
.LBB2_3:
0x1c: {  	s7 =	sadd.s32 s19, s25;
	[tilespmem:s29+$0x0] =	vst v1;
	p0 =	sne.s32 s25, $0x180  }
.Ltmp0:
0x1d: {  	s25 =	sadd.s32 $0x10, s25;
	v1 =	vadd.s32 s7, v0;
	(pc) =	sbr.rel @p0 .LBB2_3-.Ltmp0, $4  }
0x1e: {  	v1 =	vmul.u32 $0x3, v1  }
0x1f: {  	s31 =	sadd.s32 $0x10, s31  }
0x20: {  	s30 =	sadd.s32 $0x10, s30;
	[tilespmem:s31+$0x0] =	vst v1;
	v2 =	vadd.s32 $0x1, v1  }
0x21: {  	s29 =	sadd.s32 $0x10, s29;
	v1 =	vadd.s32 $0x2, v1;
	[tilespmem:s30+$0x0] =	vst v2  }
0x22: {  	s0 =	sadd.s32 $0x1, s0  }
0x23: {  	p0 =	sne.s32 s0, $0x10  }
.Ltmp1:
0x24: {  	_ = 	snop;
	(pc) =	sbr.rel @p0 .LBB2_2-.Ltmp1, $2  }
0x25: {  	_ =	sdelay $0x2  }
0x26: {  	[tilespmem:s29+$0x0] =	vst v1;
	s11 =	sadd.s32 $0x190, s11;
	s12 =	sadd.s32 $0x190, s12;
	s21 =	sadd.s32 $0x190, s21  }
0x27: {  	_ =	swait.ge [sflag:s13], $0x1900  }
0x28: {  	[sflag:s13] =	ssyncset.done $0x0  }
0x29: {  	[sflag:s13] =	ssyncadd.s32 $0xFFFFE700  }
0x2a: {  	_ =	swait.ge [sflag:s13], $0x1900  }
0x2b: {  	[sflag:s13] =	ssyncset.done $0x0  }
0x2c: {  	[sflag:s13] =	ssyncadd.s32 $0xFFFFE700  }
0x2d: {  	_ =	swait.ge [sflag:s13], $0x1900  }
0x2e: {  	[sflag:s13] =	ssyncset.done $0x0  }
0x2f: {  	[sflag:s13] =	ssyncadd.s32 $0xFFFFE700  }
0x30: {  	[tilespmem:s15], [sflag:$0x2] =	stream.indirect.gather [hbm4b:s4+s14], $0x20, s3, s14, $0xb8;
	[tilespmem:$0x1C200] =	vst v63  }
0x31: {  	s7 =	simm.s32 $0x1900  }
0x32: {  	[tilespmem:s16], [sflag:$0x2] =	stream.indirect.gather [hbm4b:s5+s14], $0x20, s7, s14, $0xb8;
	[tilespmem:$0x1C200] =	vst v63  }
0x33: {  	s11 =	simm.s32 $0x3200  }
0x34: {  	[tilespmem:s17], [sflag:$0x2] =	stream.indirect.gather [hbm4b:s6+s14], $0x20, s11, s14, $0xb8;
	[tilespmem:$0x1C200] =	vst v63  }
0x35: {  	_ = 	snop  }
0x36: {  	[tilespmem:s18], [sflag:$0x3] =	stream.indirect.gather [hbm4b:s4+s14], $0x20, s14, s14, $0xb8;
	[tilespmem:$0x1C200] =	vst v63  }
0x37: {  	s0 =	simm.s32 $0x1A90  }
0x38: {  	[tilespmem:s20], [sflag:$0x3] =	stream.indirect.gather [hbm4b:s5+s14], $0x20, s0, s14, $0xb8;
	[tilespmem:$0x1C200] =	vst v63  }
0x39: {  	s12 =	simm.s32 $0x3390  }
0x3a: {  	[tilespmem:s22], [sflag:$0x3] =	stream.indirect.gather [hbm4b:s6+s14], $0x20, s12, s14, $0xb8;
	[tilespmem:$0x1C200] =	vst v63  }
0x3b: {  	_ =	swait.ge [sflag:s23], $0x3200  }
0x3c: {  	[sflag:s23] =	ssyncset.done $0x0  }
0x3d: {  	[sflag:s23] =	ssyncadd.s32 $0xFFFFCE00  }
0x3e: {  	_ =	swait.ge [sflag:s23], $0x3200  }
0x3f: {  	[sflag:s23] =	ssyncset.done $0x0  }
0x40: {  	[sflag:s23] =	ssyncadd.s32 $0xFFFFCE00  }
0x41: {  	_ =	swait.ge [sflag:s23], $0x3200  }
0x42: {  	[sflag:s23] =	ssyncset.done $0x0  }
0x43: {  	s19 =	simm.s32 $0x4B00;
	[sflag:s23] =	ssyncadd.s32 $0xFFFFCE00  }
0x44: {  	[hbm4b:s2+s14] =	stream.indirect.scatter [tilespmem:s15], [sflag:$0x4], $0x20, s19, s14, $0xb8;
	[tilespmem:$0x1C200] =	vst v63  }
0x45: {  	s21 =	simm.s32 $0x6400  }
0x46: {  	[hbm4b:s2+s14] =	stream.indirect.scatter [tilespmem:s16], [sflag:$0x4], $0x20, s21, s14, $0xb8;
	[tilespmem:$0x1C200] =	vst v63  }
0x47: {  	s25 =	simm.s32 $0x7D00  }
0x48: {  	[hbm4b:s2+s14] =	stream.indirect.scatter [tilespmem:s17], [sflag:$0x4], $0x20, s25, s14, $0xb8;
	[tilespmem:$0x1C200] =	vst v63  }
0x49: {  	_ =	swait.ge [sflag:s28], $0x3200  }
0x4a: {  	[sflag:s28] =	ssyncset.done $0x0  }
0x4b: {  	[sflag:s28] =	ssyncadd.s32 $0xFFFFCE00  }
0x4c: {  	_ =	swait.ge [sflag:s28], $0x3200  }
0x4d: {  	[sflag:s28] =	ssyncset.done $0x0  }
0x4e: {  	[sflag:s28] =	ssyncadd.s32 $0xFFFFCE00  }
0x4f: {  	_ =	swait.ge [sflag:s28], $0x3200  }
0x50: {  	[sflag:s28] =	ssyncset.done $0x0  }
0x51: {  	s29 =	simm.s32 $0x320;
	[sflag:s28] =	ssyncadd.s32 $0xFFFFCE00  }
0x52: {  	[tilespmem:s15], [sflag:$0x2] =	stream.indirect.gather [hbm4b:s4+s14], $0x20, s29, s14, $0xb8;
	[tilespmem:$0x1C200] =	vst v63  }
0x53: {  	s30 =	simm.s32 $0x1C20  }
0x54: {  	[tilespmem:s16], [sflag:$0x2] =	stream.indirect.gather [hbm4b:s5+s14], $0x20, s30, s14, $0xb8;
	[tilespmem:$0x1C200] =	vst v63  }
0x55: {  	s31 =	simm.s32 $0x3520  }
0x56: {  	[tilespmem:s17], [sflag:$0x2] =	stream.indirect.gather [hbm4b:s6+s14], $0x20, s31, s14, $0xb8;
	[tilespmem:$0x1C200] =	vst v63  }
0x57: {  	_ =	swait.ge [sflag:s1], $0x3200  }
0x58: {  	[sflag:s1] =	ssyncset.done $0x0  }
0x59: {  	[sflag:s1] =	ssyncadd.s32 $0xFFFFCE00  }
0x5a: {  	_ =	swait.ge [sflag:s1], $0x3200  }
0x5b: {  	[sflag:s1] =	ssyncset.done $0x0  }
0x5c: {  	[sflag:s1] =	ssyncadd.s32 $0xFFFFCE00  }
0x5d: {  	_ =	swait.ge [sflag:s1], $0x3200  }
0x5e: {  	[sflag:s1] =	ssyncset.done $0x0  }
0x5f: {  	s12 =	simm.s32 $0x4C90;
	[sflag:s1] =	ssyncadd.s32 $0xFFFFCE00  }
0x60: {  	[hbm4b:s2+s14] =	stream.indirect.scatter [tilespmem:s18], [sflag:$0x5], $0x20, s12, s14, $0xb8;
	[tilespmem:$0x1C200] =	vst v63  }
0x61: {  	s19 =	simm.s32 $0x6590  }
0x62: {  	[hbm4b:s2+s14] =	stream.indirect.scatter [tilespmem:s20], [sflag:$0x5], $0x20, s19, s14, $0xb8;
	[tilespmem:$0x1C200] =	vst v63  }
0x63: {  	s21 =	simm.s32 $0x7E90  }
0x64: {  	[hbm4b:s2+s14] =	stream.indirect.scatter [tilespmem:s22], [sflag:$0x5], $0x20, s21, s14, $0xb8;
	[tilespmem:$0x1C200] =	vst v63  }
0x65: {  	_ =	swait.ge [sflag:s24], $0x3200  }
0x66: {  	[sflag:s24] =	ssyncset.done $0x0  }
0x67: {  	[sflag:s24] =	ssyncadd.s32 $0xFFFFCE00  }
0x68: {  	_ =	swait.ge [sflag:s24], $0x3200  }
0x69: {  	[sflag:s24] =	ssyncset.done $0x0  }
0x6a: {  	[sflag:s24] =	ssyncadd.s32 $0xFFFFCE00  }
0x6b: {  	_ =	swait.ge [sflag:s24], $0x3200  }
0x6c: {  	[sflag:s24] =	ssyncset.done $0x0  }
0x6d: {  	s25 =	simm.s32 $0x4B0;
	[sflag:s24] =	ssyncadd.s32 $0xFFFFCE00  }
0x6e: {  	[tilespmem:s18], [sflag:$0x3] =	stream.indirect.gather [hbm4b:s4+s14], $0x20, s25, s14, $0xb8;
	[tilespmem:$0x1C200] =	vst v63  }
0x6f: {  	s29 =	simm.s32 $0x1DB0  }
0x70: {  	[tilespmem:s20], [sflag:$0x3] =	stream.indirect.gather [hbm4b:s5+s14], $0x20, s29, s14, $0xb8;
	[tilespmem:$0x1C200] =	vst v63  }
0x71: {  	s30 =	simm.s32 $0x36B0  }
0x72: {  	[tilespmem:s22], [sflag:$0x3] =	stream.indirect.gather [hbm4b:s6+s14], $0x20, s30, s14, $0xb8;
	[tilespmem:$0x1C200] =	vst v63  }
0x73: {  	_ =	swait.ge [sflag:s23], $0x3200  }
0x74: {  	[sflag:s23] =	ssyncset.done $0x0  }
0x75: {  	[sflag:s23] =	ssyncadd.s32 $0xFFFFCE00  }
0x76: {  	_ =	swait.ge [sflag:s23], $0x3200  }
0x77: {  	[sflag:s23] =	ssyncset.done $0x0  }
0x78: {  	[sflag:s23] =	ssyncadd.s32 $0xFFFFCE00  }
0x79: {  	_ =	swait.ge [sflag:s23], $0x3200  }
0x7a: {  	[sflag:s23] =	ssyncset.done $0x0  }
0x7b: {  	s31 =	simm.s32 $0x4E20;
	[sflag:s23] =	ssyncadd.s32 $0xFFFFCE00  }
0x7c: {  	[hbm4b:s2+s14] =	stream.indirect.scatter [tilespmem:s15], [sflag:$0x4], $0x20, s31, s14, $0xb8;
	[tilespmem:$0x1C200] =	vst v63  }
0x7d: {  	s12 =	simm.s32 $0x6720  }
0x7e: {  	[hbm4b:s2+s14] =	stream.indirect.scatter [tilespmem:s16], [sflag:$0x4], $0x20, s12, s14, $0xb8;
	[tilespmem:$0x1C200] =	vst v63  }
0x7f: {  	s19 =	simm.s32 $0x8020  }
0x80: {  	[hbm4b:s2+s14] =	stream.indirect.scatter [tilespmem:s17], [sflag:$0x4], $0x20, s19, s14, $0xb8;
	[tilespmem:$0x1C200] =	vst v63  }
0x81: {  	_ =	swait.ge [sflag:s28], $0x3200  }
0x82: {  	[sflag:s28] =	ssyncset.done $0x0  }
0x83: {  	[sflag:s28] =	ssyncadd.s32 $0xFFFFCE00  }
0x84: {  	_ =	swait.ge [sflag:s28], $0x3200  }
0x85: {  	[sflag:s28] =	ssyncset.done $0x0  }
0x86: {  	[sflag:s28] =	ssyncadd.s32 $0xFFFFCE00  }
0x87: {  	_ =	swait.ge [sflag:s28], $0x3200  }
0x88: {  	[sflag:s28] =	ssyncset.done $0x0  }
0x89: {  	s21 =	simm.s32 $0x640;
	[sflag:s28] =	ssyncadd.s32 $0xFFFFCE00  }
0x8a: {  	[tilespmem:s15], [sflag:$0x2] =	stream.indirect.gather [hbm4b:s4+s14], $0x20, s21, s14, $0xb8;
	[tilespmem:$0x1C200] =	vst v63  }
0x8b: {  	s25 =	simm.s32 $0x1F40  }
0x8c: {  	[tilespmem:s16], [sflag:$0x2] =	stream.indirect.gather [hbm4b:s5+s14], $0x20, s25, s14, $0xb8;
	[tilespmem:$0x1C200] =	vst v63  }
0x8d: {  	s29 =	simm.s32 $0x3840  }
0x8e: {  	[tilespmem:s17], [sflag:$0x2] =	stream.indirect.gather [hbm4b:s6+s14], $0x20, s29, s14, $0xb8;
	[tilespmem:$0x1C200] =	vst v63  }
0x8f: {  	_ =	swait.ge [sflag:s1], $0x3200  }
0x90: {  	[sflag:s1] =	ssyncset.done $0x0  }
0x91: {  	[sflag:s1] =	ssyncadd.s32 $0xFFFFCE00  }
0x92: {  	_ =	swait.ge [sflag:s1], $0x3200  }
0x93: {  	[sflag:s1] =	ssyncset.done $0x0  }
0x94: {  	[sflag:s1] =	ssyncadd.s32 $0xFFFFCE00  }
0x95: {  	_ =	swait.ge [sflag:s1], $0x3200  }
0x96: {  	[sflag:s1] =	ssyncset.done $0x0  }
0x97: {  	s30 =	simm.s32 $0x4FB0;
	[sflag:s1] =	ssyncadd.s32 $0xFFFFCE00  }
0x98: {  	[hbm4b:s2+s14] =	stream.indirect.scatter [tilespmem:s18], [sflag:$0x5], $0x20, s30, s14, $0xb8;
	[tilespmem:$0x1C200] =	vst v63  }
0x99: {  	s31 =	simm.s32 $0x68B0  }
0x9a: {  	[hbm4b:s2+s14] =	stream.indirect.scatter [tilespmem:s20], [sflag:$0x5], $0x20, s31, s14, $0xb8;
	[tilespmem:$0x1C200] =	vst v63  }
0x9b: {  	s12 =	simm.s32 $0x81B0  }
0x9c: {  	[hbm4b:s2+s14] =	stream.indirect.scatter [tilespmem:s22], [sflag:$0x5], $0x20, s12, s14, $0xb8;
	[tilespmem:$0x1C200] =	vst v63  }
0x9d: {  	_ =	swait.ge [sflag:s24], $0x3200  }
0x9e: {  	[sflag:s24] =	ssyncset.done $0x0  }
0x9f: {  	[sflag:s24] =	ssyncadd.s32 $0xFFFFCE00  }
0xa0: {  	_ =	swait.ge [sflag:s24], $0x3200  }
0xa1: {  	[sflag:s24] =	ssyncset.done $0x0  }
0xa2: {  	[sflag:s24] =	ssyncadd.s32 $0xFFFFCE00  }
0xa3: {  	_ =	swait.ge [sflag:s24], $0x3200  }
0xa4: {  	[sflag:s24] =	ssyncset.done $0x0  }
0xa5: {  	s19 =	simm.s32 $0x7D0;
	[sflag:s24] =	ssyncadd.s32 $0xFFFFCE00  }
0xa6: {  	[tilespmem:s18], [sflag:$0x3] =	stream.indirect.gather [hbm4b:s4+s14], $0x20, s19, s14, $0xb8;
	[tilespmem:$0x1C200] =	vst v63  }
0xa7: {  	s21 =	simm.s32 $0x20D0  }
0xa8: {  	[tilespmem:s20], [sflag:$0x3] =	stream.indirect.gather [hbm4b:s5+s14], $0x20, s21, s14, $0xb8;
	[tilespmem:$0x1C200] =	vst v63  }
0xa9: {  	s25 =	simm.s32 $0x39D0  }
0xaa: {  	[tilespmem:s22], [sflag:$0x3] =	stream.indirect.gather [hbm4b:s6+s14], $0x20, s25, s14, $0xb8;
	[tilespmem:$0x1C200] =	vst v63  }
0xab: {  	_ =	swait.ge [sflag:s23], $0x3200  }
0xac: {  	[sflag:s23] =	ssyncset.done $0x0  }
0xad: {  	[sflag:s23] =	ssyncadd.s32 $0xFFFFCE00  }
0xae: {  	_ =	swait.ge [sflag:s23], $0x3200  }
0xaf: {  	[sflag:s23] =	ssyncset.done $0x0  }
0xb0: {  	[sflag:s23] =	ssyncadd.s32 $0xFFFFCE00  }
0xb1: {  	_ =	swait.ge [sflag:s23], $0x3200  }
0xb2: {  	[sflag:s23] =	ssyncset.done $0x0  }
0xb3: {  	s29 =	simm.s32 $0x5140;
	[sflag:s23] =	ssyncadd.s32 $0xFFFFCE00  }
0xb4: {  	[hbm4b:s2+s14] =	stream.indirect.scatter [tilespmem:s15], [sflag:$0x4], $0x20, s29, s14, $0xb8;
	[tilespmem:$0x1C200] =	vst v63  }
0xb5: {  	s30 =	simm.s32 $0x6A40  }
0xb6: {  	[hbm4b:s2+s14] =	stream.indirect.scatter [tilespmem:s16], [sflag:$0x4], $0x20, s30, s14, $0xb8;
	[tilespmem:$0x1C200] =	vst v63  }
0xb7: {  	s31 =	simm.s32 $0x8340  }
0xb8: {  	[hbm4b:s2+s14] =	stream.indirect.scatter [tilespmem:s17], [sflag:$0x4], $0x20, s31, s14, $0xb8;
	[tilespmem:$0x1C200] =	vst v63  }
0xb9: {  	_ =	swait.ge [sflag:s28], $0x3200  }
0xba: {  	[sflag:s28] =	ssyncset.done $0x0  }
0xbb: {  	[sflag:s28] =	ssyncadd.s32 $0xFFFFCE00  }
0xbc: {  	_ =	swait.ge [sflag:s28], $0x3200  }
0xbd: {  	[sflag:s28] =	ssyncset.done $0x0  }
0xbe: {  	[sflag:s28] =	ssyncadd.s32 $0xFFFFCE00  }
0xbf: {  	_ =	swait.ge [sflag:s28], $0x3200  }
0xc0: {  	[sflag:s28] =	ssyncset.done $0x0  }
0xc1: {  	s12 =	simm.s32 $0x960;
	[sflag:s28] =	ssyncadd.s32 $0xFFFFCE00  }
0xc2: {  	[tilespmem:s15], [sflag:$0x2] =	stream.indirect.gather [hbm4b:s4+s14], $0x20, s12, s14, $0xb8;
	[tilespmem:$0x1C200] =	vst v63  }
0xc3: {  	s19 =	simm.s32 $0x2260  }
0xc4: {  	[tilespmem:s16], [sflag:$0x2] =	stream.indirect.gather [hbm4b:s5+s14], $0x20, s19, s14, $0xb8;
	[tilespmem:$0x1C200] =	vst v63  }
0xc5: {  	s21 =	simm.s32 $0x3B60  }
0xc6: {  	[tilespmem:s17], [sflag:$0x2] =	stream.indirect.gather [hbm4b:s6+s14], $0x20, s21, s14, $0xb8;
	[tilespmem:$0x1C200] =	vst v63  }
0xc7: {  	_ =	swait.ge [sflag:s1], $0x3200  }
0xc8: {  	[sflag:s1] =	ssyncset.done $0x0  }
0xc9: {  	[sflag:s1] =	ssyncadd.s32 $0xFFFFCE00  }
0xca: {  	_ =	swait.ge [sflag:s1], $0x3200  }
0xcb: {  	[sflag:s1] =	ssyncset.done $0x0  }
0xcc: {  	[sflag:s1] =	ssyncadd.s32 $0xFFFFCE00  }
0xcd: {  	_ =	swait.ge [sflag:s1], $0x3200  }
0xce: {  	[sflag:s1] =	ssyncset.done $0x0  }
0xcf: {  	s25 =	simm.s32 $0x52D0;
	[sflag:s1] =	ssyncadd.s32 $0xFFFFCE00  }
0xd0: {  	[hbm4b:s2+s14] =	stream.indirect.scatter [tilespmem:s18], [sflag:$0x5], $0x20, s25, s14, $0xb8;
	[tilespmem:$0x1C200] =	vst v63  }
0xd1: {  	s29 =	simm.s32 $0x6BD0  }
0xd2: {  	[hbm4b:s2+s14] =	stream.indirect.scatter [tilespmem:s20], [sflag:$0x5], $0x20, s29, s14, $0xb8;
	[tilespmem:$0x1C200] =	vst v63  }
0xd3: {  	s30 =	simm.s32 $0x84D0  }
0xd4: {  	[hbm4b:s2+s14] =	stream.indirect.scatter [tilespmem:s22], [sflag:$0x5], $0x20, s30, s14, $0xb8;
	[tilespmem:$0x1C200] =	vst v63  }
0xd5: {  	_ =	swait.ge [sflag:s24], $0x3200  }
0xd6: {  	[sflag:s24] =	ssyncset.done $0x0  }
0xd7: {  	[sflag:s24] =	ssyncadd.s32 $0xFFFFCE00  }
0xd8: {  	_ =	swait.ge [sflag:s24], $0x3200  }
0xd9: {  	[sflag:s24] =	ssyncset.done $0x0  }
0xda: {  	[sflag:s24] =	ssyncadd.s32 $0xFFFFCE00  }
0xdb: {  	_ =	swait.ge [sflag:s24], $0x3200  }
0xdc: {  	[sflag:s24] =	ssyncset.done $0x0  }
0xdd: {  	s31 =	simm.s32 $0xAF0;
	[sflag:s24] =	ssyncadd.s32 $0xFFFFCE00  }
0xde: {  	[tilespmem:s18], [sflag:$0x3] =	stream.indirect.gather [hbm4b:s4+s14], $0x20, s31, s14, $0xb8;
	[tilespmem:$0x1C200] =	vst v63  }
0xdf: {  	s12 =	simm.s32 $0x23F0  }
0xe0: {  	[tilespmem:s20], [sflag:$0x3] =	stream.indirect.gather [hbm4b:s5+s14], $0x20, s12, s14, $0xb8;
	[tilespmem:$0x1C200] =	vst v63  }
0xe1: {  	s19 =	simm.s32 $0x3CF0  }
0xe2: {  	[tilespmem:s22], [sflag:$0x3] =	stream.indirect.gather [hbm4b:s6+s14], $0x20, s19, s14, $0xb8;
	[tilespmem:$0x1C200] =	vst v63  }
0xe3: {  	_ =	swait.ge [sflag:s23], $0x3200  }
0xe4: {  	[sflag:s23] =	ssyncset.done $0x0  }
0xe5: {  	[sflag:s23] =	ssyncadd.s32 $0xFFFFCE00  }
0xe6: {  	_ =	swait.ge [sflag:s23], $0x3200  }
0xe7: {  	[sflag:s23] =	ssyncset.done $0x0  }
0xe8: {  	[sflag:s23] =	ssyncadd.s32 $0xFFFFCE00  }
0xe9: {  	_ =	swait.ge [sflag:s23], $0x3200  }
0xea: {  	[sflag:s23] =	ssyncset.done $0x0  }
0xeb: {  	s21 =	simm.s32 $0x5460;
	[sflag:s23] =	ssyncadd.s32 $0xFFFFCE00  }
0xec: {  	[hbm4b:s2+s14] =	stream.indirect.scatter [tilespmem:s15], [sflag:$0x4], $0x20, s21, s14, $0xb8;
	[tilespmem:$0x1C200] =	vst v63  }
0xed: {  	s25 =	simm.s32 $0x6D60  }
0xee: {  	[hbm4b:s2+s14] =	stream.indirect.scatter [tilespmem:s16], [sflag:$0x4], $0x20, s25, s14, $0xb8;
	[tilespmem:$0x1C200] =	vst v63  }
0xef: {  	s29 =	simm.s32 $0x8660  }
0xf0: {  	[hbm4b:s2+s14] =	stream.indirect.scatter [tilespmem:s17], [sflag:$0x4], $0x20, s29, s14, $0xb8;
	[tilespmem:$0x1C200] =	vst v63  }
0xf1: {  	_ =	swait.ge [sflag:s28], $0x3200  }
0xf2: {  	[sflag:s28] =	ssyncset.done $0x0  }
0xf3: {  	[sflag:s28] =	ssyncadd.s32 $0xFFFFCE00  }
0xf4: {  	_ =	swait.ge [sflag:s28], $0x3200  }
0xf5: {  	[sflag:s28] =	ssyncset.done $0x0  }
0xf6: {  	[sflag:s28] =	ssyncadd.s32 $0xFFFFCE00  }
0xf7: {  	_ =	swait.ge [sflag:s28], $0x3200  }
0xf8: {  	[sflag:s28] =	ssyncset.done $0x0  }
0xf9: {  	s30 =	simm.s32 $0xC80;
	[sflag:s28] =	ssyncadd.s32 $0xFFFFCE00  }
0xfa: {  	[tilespmem:s15], [sflag:$0x2] =	stream.indirect.gather [hbm4b:s4+s14], $0x20, s30, s14, $0xb8;
	[tilespmem:$0x1C200] =	vst v63  }
0xfb: {  	s31 =	simm.s32 $0x2580  }
0xfc: {  	[tilespmem:s16], [sflag:$0x2] =	stream.indirect.gather [hbm4b:s5+s14], $0x20, s31, s14, $0xb8;
	[tilespmem:$0x1C200] =	vst v63  }
0xfd: {  	s12 =	simm.s32 $0x3E80  }
0xfe: {  	[tilespmem:s17], [sflag:$0x2] =	stream.indirect.gather [hbm4b:s6+s14], $0x20, s12, s14, $0xb8;
	[tilespmem:$0x1C200] =	vst v63  }
0xff: {  	_ =	swait.ge [sflag:s1], $0x3200  }
0x100: {  	[sflag:s1] =	ssyncset.done $0x0  }
0x101: {  	[sflag:s1] =	ssyncadd.s32 $0xFFFFCE00  }
0x102: {  	_ =	swait.ge [sflag:s1], $0x3200  }
0x103: {  	[sflag:s1] =	ssyncset.done $0x0  }
0x104: {  	[sflag:s1] =	ssyncadd.s32 $0xFFFFCE00  }
0x105: {  	_ =	swait.ge [sflag:s1], $0x3200  }
0x106: {  	[sflag:s1] =	ssyncset.done $0x0  }
0x107: {  	s19 =	simm.s32 $0x55F0;
	[sflag:s1] =	ssyncadd.s32 $0xFFFFCE00  }
0x108: {  	[hbm4b:s2+s14] =	stream.indirect.scatter [tilespmem:s18], [sflag:$0x5], $0x20, s19, s14, $0xb8;
	[tilespmem:$0x1C200] =	vst v63  }
0x109: {  	s21 =	simm.s32 $0x6EF0  }
0x10a: {  	[hbm4b:s2+s14] =	stream.indirect.scatter [tilespmem:s20], [sflag:$0x5], $0x20, s21, s14, $0xb8;
	[tilespmem:$0x1C200] =	vst v63  }
0x10b: {  	s25 =	simm.s32 $0x87F0  }
0x10c: {  	[hbm4b:s2+s14] =	stream.indirect.scatter [tilespmem:s22], [sflag:$0x5], $0x20, s25, s14, $0xb8;
	[tilespmem:$0x1C200] =	vst v63  }
0x10d: {  	_ =	swait.ge [sflag:s24], $0x3200  }
0x10e: {  	[sflag:s24] =	ssyncset.done $0x0  }
0x10f: {  	[sflag:s24] =	ssyncadd.s32 $0xFFFFCE00  }
0x110: {  	_ =	swait.ge [sflag:s24], $0x3200  }
0x111: {  	[sflag:s24] =	ssyncset.done $0x0  }
0x112: {  	[sflag:s24] =	ssyncadd.s32 $0xFFFFCE00  }
0x113: {  	_ =	swait.ge [sflag:s24], $0x3200  }
0x114: {  	[sflag:s24] =	ssyncset.done $0x0  }
0x115: {  	s29 =	simm.s32 $0xE10;
	[sflag:s24] =	ssyncadd.s32 $0xFFFFCE00  }
0x116: {  	[tilespmem:s18], [sflag:$0x3] =	stream.indirect.gather [hbm4b:s4+s14], $0x20, s29, s14, $0xb8;
	[tilespmem:$0x1C200] =	vst v63  }
0x117: {  	s30 =	simm.s32 $0x2710  }
0x118: {  	[tilespmem:s20], [sflag:$0x3] =	stream.indirect.gather [hbm4b:s5+s14], $0x20, s30, s14, $0xb8;
	[tilespmem:$0x1C200] =	vst v63  }
0x119: {  	s31 =	simm.s32 $0x4010  }
0x11a: {  	[tilespmem:s22], [sflag:$0x3] =	stream.indirect.gather [hbm4b:s6+s14], $0x20, s31, s14, $0xb8;
	[tilespmem:$0x1C200] =	vst v63  }
0x11b: {  	_ =	swait.ge [sflag:s23], $0x3200  }
0x11c: {  	[sflag:s23] =	ssyncset.done $0x0  }
0x11d: {  	[sflag:s23] =	ssyncadd.s32 $0xFFFFCE00  }
0x11e: {  	_ =	swait.ge [sflag:s23], $0x3200  }
0x11f: {  	[sflag:s23] =	ssyncset.done $0x0  }
0x120: {  	[sflag:s23] =	ssyncadd.s32 $0xFFFFCE00  }
0x121: {  	_ =	swait.ge [sflag:s23], $0x3200  }
0x122: {  	[sflag:s23] =	ssyncset.done $0x0  }
0x123: {  	s12 =	simm.s32 $0x5780;
	[sflag:s23] =	ssyncadd.s32 $0xFFFFCE00  }
0x124: {  	[hbm4b:s2+s14] =	stream.indirect.scatter [tilespmem:s15], [sflag:$0x4], $0x20, s12, s14, $0xb8;
	[tilespmem:$0x1C200] =	vst v63  }
0x125: {  	s19 =	simm.s32 $0x7080  }
0x126: {  	[hbm4b:s2+s14] =	stream.indirect.scatter [tilespmem:s16], [sflag:$0x4], $0x20, s19, s14, $0xb8;
	[tilespmem:$0x1C200] =	vst v63  }
0x127: {  	s21 =	simm.s32 $0x8980  }
0x128: {  	[hbm4b:s2+s14] =	stream.indirect.scatter [tilespmem:s17], [sflag:$0x4], $0x20, s21, s14, $0xb8;
	[tilespmem:$0x1C200] =	vst v63  }
0x129: {  	_ =	swait.ge [sflag:s28], $0x3200  }
0x12a: {  	[sflag:s28] =	ssyncset.done $0x0  }
0x12b: {  	[sflag:s28] =	ssyncadd.s32 $0xFFFFCE00  }
0x12c: {  	_ =	swait.ge [sflag:s28], $0x3200  }
0x12d: {  	[sflag:s28] =	ssyncset.done $0x0  }
0x12e: {  	[sflag:s28] =	ssyncadd.s32 $0xFFFFCE00  }
0x12f: {  	_ =	swait.ge [sflag:s28], $0x3200  }
0x130: {  	[sflag:s28] =	ssyncset.done $0x0  }
0x131: {  	s25 =	simm.s32 $0xFA0;
	[sflag:s28] =	ssyncadd.s32 $0xFFFFCE00  }
0x132: {  	[tilespmem:s15], [sflag:$0x2] =	stream.indirect.gather [hbm4b:s4+s14], $0x20, s25, s14, $0xb8;
	[tilespmem:$0x1C200] =	vst v63  }
0x133: {  	s29 =	simm.s32 $0x28A0  }
0x134: {  	[tilespmem:s16], [sflag:$0x2] =	stream.indirect.gather [hbm4b:s5+s14], $0x20, s29, s14, $0xb8;
	[tilespmem:$0x1C200] =	vst v63  }
0x135: {  	s30 =	simm.s32 $0x41A0  }
0x136: {  	[tilespmem:s17], [sflag:$0x2] =	stream.indirect.gather [hbm4b:s6+s14], $0x20, s30, s14, $0xb8;
	[tilespmem:$0x1C200] =	vst v63  }
0x137: {  	_ =	swait.ge [sflag:s1], $0x3200  }
0x138: {  	[sflag:s1] =	ssyncset.done $0x0  }
0x139: {  	[sflag:s1] =	ssyncadd.s32 $0xFFFFCE00  }
0x13a: {  	_ =	swait.ge [sflag:s1], $0x3200  }
0x13b: {  	[sflag:s1] =	ssyncset.done $0x0  }
0x13c: {  	[sflag:s1] =	ssyncadd.s32 $0xFFFFCE00  }
0x13d: {  	_ =	swait.ge [sflag:s1], $0x3200  }
0x13e: {  	[sflag:s1] =	ssyncset.done $0x0  }
0x13f: {  	s31 =	simm.s32 $0x5910;
	[sflag:s1] =	ssyncadd.s32 $0xFFFFCE00  }
0x140: {  	[hbm4b:s2+s14] =	stream.indirect.scatter [tilespmem:s18], [sflag:$0x5], $0x20, s31, s14, $0xb8;
	[tilespmem:$0x1C200] =	vst v63  }
0x141: {  	s12 =	simm.s32 $0x7210  }
0x142: {  	[hbm4b:s2+s14] =	stream.indirect.scatter [tilespmem:s20], [sflag:$0x5], $0x20, s12, s14, $0xb8;
	[tilespmem:$0x1C200] =	vst v63  }
0x143: {  	s19 =	simm.s32 $0x8B10  }
0x144: {  	[hbm4b:s2+s14] =	stream.indirect.scatter [tilespmem:s22], [sflag:$0x5], $0x20, s19, s14, $0xb8;
	[tilespmem:$0x1C200] =	vst v63  }
0x145: {  	_ =	swait.ge [sflag:s24], $0x3200  }
0x146: {  	[sflag:s24] =	ssyncset.done $0x0  }
0x147: {  	[sflag:s24] =	ssyncadd.s32 $0xFFFFCE00  }
0x148: {  	_ =	swait.ge [sflag:s24], $0x3200  }
0x149: {  	[sflag:s24] =	ssyncset.done $0x0  }
0x14a: {  	[sflag:s24] =	ssyncadd.s32 $0xFFFFCE00  }
0x14b: {  	_ =	swait.ge [sflag:s24], $0x3200  }
0x14c: {  	[sflag:s24] =	ssyncset.done $0x0  }
0x14d: {  	s21 =	simm.s32 $0x1130;
	[sflag:s24] =	ssyncadd.s32 $0xFFFFCE00  }
0x14e: {  	[tilespmem:s18], [sflag:$0x3] =	stream.indirect.gather [hbm4b:s4+s14], $0x20, s21, s14, $0xb8;
	[tilespmem:$0x1C200] =	vst v63  }
0x14f: {  	s25 =	simm.s32 $0x2A30  }
0x150: {  	[tilespmem:s20], [sflag:$0x3] =	stream.indirect.gather [hbm4b:s5+s14], $0x20, s25, s14, $0xb8;
	[tilespmem:$0x1C200] =	vst v63  }
0x151: {  	s29 =	simm.s32 $0x4330  }
0x152: {  	[tilespmem:s22], [sflag:$0x3] =	stream.indirect.gather [hbm4b:s6+s14], $0x20, s29, s14, $0xb8;
	[tilespmem:$0x1C200] =	vst v63  }
0x153: {  	_ =	swait.ge [sflag:s23], $0x3200  }
0x154: {  	[sflag:s23] =	ssyncset.done $0x0  }
0x155: {  	[sflag:s23] =	ssyncadd.s32 $0xFFFFCE00  }
0x156: {  	_ =	swait.ge [sflag:s23], $0x3200  }
0x157: {  	[sflag:s23] =	ssyncset.done $0x0  }
0x158: {  	[sflag:s23] =	ssyncadd.s32 $0xFFFFCE00  }
0x159: {  	_ =	swait.ge [sflag:s23], $0x3200  }
0x15a: {  	[sflag:s23] =	ssyncset.done $0x0  }
0x15b: {  	s30 =	simm.s32 $0x5AA0;
	[sflag:s23] =	ssyncadd.s32 $0xFFFFCE00  }
0x15c: {  	[hbm4b:s2+s14] =	stream.indirect.scatter [tilespmem:s15], [sflag:$0x4], $0x20, s30, s14, $0xb8;
	[tilespmem:$0x1C200] =	vst v63  }
0x15d: {  	s31 =	simm.s32 $0x73A0  }
0x15e: {  	[hbm4b:s2+s14] =	stream.indirect.scatter [tilespmem:s16], [sflag:$0x4], $0x20, s31, s14, $0xb8;
	[tilespmem:$0x1C200] =	vst v63  }
0x15f: {  	s12 =	simm.s32 $0x8CA0  }
0x160: {  	[hbm4b:s2+s14] =	stream.indirect.scatter [tilespmem:s17], [sflag:$0x4], $0x20, s12, s14, $0xb8;
	[tilespmem:$0x1C200] =	vst v63  }
0x161: {  	_ =	swait.ge [sflag:s28], $0x3200  }
0x162: {  	[sflag:s28] =	ssyncset.done $0x0  }
0x163: {  	[sflag:s28] =	ssyncadd.s32 $0xFFFFCE00  }
0x164: {  	_ =	swait.ge [sflag:s28], $0x3200  }
0x165: {  	[sflag:s28] =	ssyncset.done $0x0  }
0x166: {  	[sflag:s28] =	ssyncadd.s32 $0xFFFFCE00  }
0x167: {  	_ =	swait.ge [sflag:s28], $0x3200  }
0x168: {  	[sflag:s28] =	ssyncset.done $0x0  }
0x169: {  	s19 =	simm.s32 $0x12C0;
	[sflag:s28] =	ssyncadd.s32 $0xFFFFCE00  }
0x16a: {  	[tilespmem:s15], [sflag:$0x2] =	stream.indirect.gather [hbm4b:s4+s14], $0x20, s19, s14, $0xb8;
	[tilespmem:$0x1C200] =	vst v63  }
0x16b: {  	s21 =	simm.s32 $0x2BC0  }
0x16c: {  	[tilespmem:s16], [sflag:$0x2] =	stream.indirect.gather [hbm4b:s5+s14], $0x20, s21, s14, $0xb8;
	[tilespmem:$0x1C200] =	vst v63  }
0x16d: {  	s25 =	simm.s32 $0x44C0  }
0x16e: {  	[tilespmem:s17], [sflag:$0x2] =	stream.indirect.gather [hbm4b:s6+s14], $0x20, s25, s14, $0xb8;
	[tilespmem:$0x1C200] =	vst v63  }
0x16f: {  	_ =	swait.ge [sflag:s1], $0x3200  }
0x170: {  	[sflag:s1] =	ssyncset.done $0x0  }
0x171: {  	[sflag:s1] =	ssyncadd.s32 $0xFFFFCE00  }
0x172: {  	_ =	swait.ge [sflag:s1], $0x3200  }
0x173: {  	[sflag:s1] =	ssyncset.done $0x0  }
0x174: {  	[sflag:s1] =	ssyncadd.s32 $0xFFFFCE00  }
0x175: {  	_ =	swait.ge [sflag:s1], $0x3200  }
0x176: {  	[sflag:s1] =	ssyncset.done $0x0  }
0x177: {  	s29 =	simm.s32 $0x5C30;
	[sflag:s1] =	ssyncadd.s32 $0xFFFFCE00  }
0x178: {  	[hbm4b:s2+s14] =	stream.indirect.scatter [tilespmem:s18], [sflag:$0x5], $0x20, s29, s14, $0xb8;
	[tilespmem:$0x1C200] =	vst v63  }
0x179: {  	s30 =	simm.s32 $0x7530  }
0x17a: {  	[hbm4b:s2+s14] =	stream.indirect.scatter [tilespmem:s20], [sflag:$0x5], $0x20, s30, s14, $0xb8;
	[tilespmem:$0x1C200] =	vst v63  }
0x17b: {  	s31 =	simm.s32 $0x8E30  }
0x17c: {  	[hbm4b:s2+s14] =	stream.indirect.scatter [tilespmem:s22], [sflag:$0x5], $0x20, s31, s14, $0xb8;
	[tilespmem:$0x1C200] =	vst v63  }
0x17d: {  	_ =	swait.ge [sflag:s24], $0x3200  }
0x17e: {  	[sflag:s24] =	ssyncset.done $0x0  }
0x17f: {  	[sflag:s24] =	ssyncadd.s32 $0xFFFFCE00  }
0x180: {  	_ =	swait.ge [sflag:s24], $0x3200  }
0x181: {  	[sflag:s24] =	ssyncset.done $0x0  }
0x182: {  	[sflag:s24] =	ssyncadd.s32 $0xFFFFCE00  }
0x183: {  	_ =	swait.ge [sflag:s24], $0x3200  }
0x184: {  	[sflag:s24] =	ssyncset.done $0x0  }
0x185: {  	s12 =	simm.s32 $0x1450;
	[sflag:s24] =	ssyncadd.s32 $0xFFFFCE00  }
0x186: {  	[tilespmem:s18], [sflag:$0x3] =	stream.indirect.gather [hbm4b:s4+s14], $0x20, s12, s14, $0xb8;
	[tilespmem:$0x1C200] =	vst v63  }
0x187: {  	s19 =	simm.s32 $0x2D50  }
0x188: {  	[tilespmem:s20], [sflag:$0x3] =	stream.indirect.gather [hbm4b:s5+s14], $0x20, s19, s14, $0xb8;
	[tilespmem:$0x1C200] =	vst v63  }
0x189: {  	s21 =	simm.s32 $0x4650  }
0x18a: {  	[tilespmem:s22], [sflag:$0x3] =	stream.indirect.gather [hbm4b:s6+s14], $0x20, s21, s14, $0xb8;
	[tilespmem:$0x1C200] =	vst v63  }
0x18b: {  	_ =	swait.ge [sflag:s23], $0x3200  }
0x18c: {  	[sflag:s23] =	ssyncset.done $0x0  }
0x18d: {  	[sflag:s23] =	ssyncadd.s32 $0xFFFFCE00  }
0x18e: {  	_ =	swait.ge [sflag:s23], $0x3200  }
0x18f: {  	[sflag:s23] =	ssyncset.done $0x0  }
0x190: {  	[sflag:s23] =	ssyncadd.s32 $0xFFFFCE00  }
0x191: {  	_ =	swait.ge [sflag:s23], $0x3200  }
0x192: {  	[sflag:s23] =	ssyncset.done $0x0  }
0x193: {  	s25 =	simm.s32 $0x5DC0;
	[sflag:s23] =	ssyncadd.s32 $0xFFFFCE00  }
0x194: {  	[hbm4b:s2+s14] =	stream.indirect.scatter [tilespmem:s15], [sflag:$0x4], $0x20, s25, s14, $0xb8;
	[tilespmem:$0x1C200] =	vst v63  }
0x195: {  	s29 =	simm.s32 $0x76C0  }
0x196: {  	[hbm4b:s2+s14] =	stream.indirect.scatter [tilespmem:s16], [sflag:$0x4], $0x20, s29, s14, $0xb8;
	[tilespmem:$0x1C200] =	vst v63  }
0x197: {  	s30 =	simm.s32 $0x8FC0  }
0x198: {  	[hbm4b:s2+s14] =	stream.indirect.scatter [tilespmem:s17], [sflag:$0x4], $0x20, s30, s14, $0xb8;
	[tilespmem:$0x1C200] =	vst v63  }
0x199: {  	_ =	swait.ge [sflag:s28], $0x3200  }
0x19a: {  	[sflag:s28] =	ssyncset.done $0x0  }
0x19b: {  	[sflag:s28] =	ssyncadd.s32 $0xFFFFCE00  }
0x19c: {  	_ =	swait.ge [sflag:s28], $0x3200  }
0x19d: {  	[sflag:s28] =	ssyncset.done $0x0  }
0x19e: {  	[sflag:s28] =	ssyncadd.s32 $0xFFFFCE00  }
0x19f: {  	_ =	swait.ge [sflag:s28], $0x3200  }
0x1a0: {  	[sflag:s28] =	ssyncset.done $0x0  }
0x1a1: {  	s31 =	simm.s32 $0x15E0;
	[sflag:s28] =	ssyncadd.s32 $0xFFFFCE00  }
0x1a2: {  	[tilespmem:s15], [sflag:$0x2] =	stream.indirect.gather [hbm4b:s4+s14], $0x20, s31, s14, $0xb8;
	[tilespmem:$0x1C200] =	vst v63  }
0x1a3: {  	s12 =	simm.s32 $0x2EE0  }
0x1a4: {  	[tilespmem:s16], [sflag:$0x2] =	stream.indirect.gather [hbm4b:s5+s14], $0x20, s12, s14, $0xb8;
	[tilespmem:$0x1C200] =	vst v63  }
0x1a5: {  	s19 =	simm.s32 $0x47E0  }
0x1a6: {  	[tilespmem:s17], [sflag:$0x2] =	stream.indirect.gather [hbm4b:s6+s14], $0x20, s19, s14, $0xb8;
	[tilespmem:$0x1C200] =	vst v63  }
0x1a7: {  	_ =	swait.ge [sflag:s1], $0x3200  }
0x1a8: {  	[sflag:s1] =	ssyncset.done $0x0  }
0x1a9: {  	[sflag:s1] =	ssyncadd.s32 $0xFFFFCE00  }
0x1aa: {  	_ =	swait.ge [sflag:s1], $0x3200  }
0x1ab: {  	[sflag:s1] =	ssyncset.done $0x0  }
0x1ac: {  	[sflag:s1] =	ssyncadd.s32 $0xFFFFCE00  }
0x1ad: {  	_ =	swait.ge [sflag:s1], $0x3200  }
0x1ae: {  	[sflag:s1] =	ssyncset.done $0x0  }
0x1af: {  	s21 =	simm.s32 $0x5F50;
	[sflag:s1] =	ssyncadd.s32 $0xFFFFCE00  }
0x1b0: {  	[hbm4b:s2+s14] =	stream.indirect.scatter [tilespmem:s18], [sflag:$0x5], $0x20, s21, s14, $0xb8;
	[tilespmem:$0x1C200] =	vst v63  }
0x1b1: {  	s25 =	simm.s32 $0x7850  }
0x1b2: {  	[hbm4b:s2+s14] =	stream.indirect.scatter [tilespmem:s20], [sflag:$0x5], $0x20, s25, s14, $0xb8;
	[tilespmem:$0x1C200] =	vst v63  }
0x1b3: {  	s29 =	simm.s32 $0x9150  }
0x1b4: {  	[hbm4b:s2+s14] =	stream.indirect.scatter [tilespmem:s22], [sflag:$0x5], $0x20, s29, s14, $0xb8;
	[tilespmem:$0x1C200] =	vst v63  }
0x1b5: {  	_ =	swait.ge [sflag:s24], $0x3200  }
0x1b6: {  	[sflag:s24] =	ssyncset.done $0x0  }
0x1b7: {  	[sflag:s24] =	ssyncadd.s32 $0xFFFFCE00  }
0x1b8: {  	_ =	swait.ge [sflag:s24], $0x3200  }
0x1b9: {  	[sflag:s24] =	ssyncset.done $0x0  }
0x1ba: {  	[sflag:s24] =	ssyncadd.s32 $0xFFFFCE00  }
0x1bb: {  	_ =	swait.ge [sflag:s24], $0x3200  }
0x1bc: {  	[sflag:s24] =	ssyncset.done $0x0  }
0x1bd: {  	s30 =	simm.s32 $0x1770;
	[sflag:s24] =	ssyncadd.s32 $0xFFFFCE00  }
0x1be: {  	[tilespmem:s18], [sflag:$0x3] =	stream.indirect.gather [hbm4b:s4+s14], $0x20, s30, s14, $0xb8;
	[tilespmem:$0x1C200] =	vst v63  }
0x1bf: {  	s31 =	simm.s32 $0x3070  }
0x1c0: {  	[tilespmem:s20], [sflag:$0x3] =	stream.indirect.gather [hbm4b:s5+s14], $0x20, s31, s14, $0xb8;
	[tilespmem:$0x1C200] =	vst v63  }
0x1c1: {  	s12 =	simm.s32 $0x4970  }
0x1c2: {  	[tilespmem:s22], [sflag:$0x3] =	stream.indirect.gather [hbm4b:s6+s14], $0x20, s12, s14, $0xb8;
	[tilespmem:$0x1C200] =	vst v63  }
0x1c3: {  	_ =	swait.ge [sflag:s23], $0x3200  }
0x1c4: {  	[sflag:s23] =	ssyncset.done $0x0  }
0x1c5: {  	[sflag:s23] =	ssyncadd.s32 $0xFFFFCE00  }
0x1c6: {  	_ =	swait.ge [sflag:s23], $0x3200  }
0x1c7: {  	[sflag:s23] =	ssyncset.done $0x0  }
0x1c8: {  	[sflag:s23] =	ssyncadd.s32 $0xFFFFCE00  }
0x1c9: {  	_ =	swait.ge [sflag:s23], $0x3200  }
0x1ca: {  	[sflag:s23] =	ssyncset.done $0x0  }
0x1cb: {  	s19 =	simm.s32 $0x60E0;
	[sflag:s23] =	ssyncadd.s32 $0xFFFFCE00  }
0x1cc: {  	[hbm4b:s2+s14] =	stream.indirect.scatter [tilespmem:s15], [sflag:$0x4], $0x20, s19, s14, $0xb8;
	[tilespmem:$0x1C200] =	vst v63  }
0x1cd: {  	s21 =	simm.s32 $0x79E0  }
0x1ce: {  	[hbm4b:s2+s14] =	stream.indirect.scatter [tilespmem:s16], [sflag:$0x4], $0x20, s21, s14, $0xb8;
	[tilespmem:$0x1C200] =	vst v63  }
0x1cf: {  	s25 =	simm.s32 $0x92E0  }
0x1d0: {  	[hbm4b:s2+s14] =	stream.indirect.scatter [tilespmem:s17], [sflag:$0x4], $0x20, s25, s14, $0xb8;
	[tilespmem:$0x1C200] =	vst v63  }
0x1d1: {  	_ =	swait.ge [sflag:s1], $0x3200  }
0x1d2: {  	[sflag:s1] =	ssyncset.done $0x0  }
0x1d3: {  	[sflag:s1] =	ssyncadd.s32 $0xFFFFCE00  }
0x1d4: {  	_ =	swait.ge [sflag:s1], $0x3200  }
0x1d5: {  	[sflag:s1] =	ssyncset.done $0x0  }
0x1d6: {  	[sflag:s1] =	ssyncadd.s32 $0xFFFFCE00  }
0x1d7: {  	_ =	swait.ge [sflag:s1], $0x3200  }
0x1d8: {  	[sflag:s1] =	ssyncset.done $0x0  }
0x1d9: {  	s29 =	simm.s32 $0x6270;
	[sflag:s1] =	ssyncadd.s32 $0xFFFFCE00  }
0x1da: {  	[hbm4b:s2+s14] =	stream.indirect.scatter [tilespmem:s18], [sflag:$0x5], $0x20, s29, s14, $0xb8;
	[tilespmem:$0x1C200] =	vst v63  }
0x1db: {  	s30 =	simm.s32 $0x7B70  }
0x1dc: {  	[hbm4b:s2+s14] =	stream.indirect.scatter [tilespmem:s20], [sflag:$0x5], $0x20, s30, s14, $0xb8;
	[tilespmem:$0x1C200] =	vst v63  }
0x1dd: {  	s31 =	simm.s32 $0x9470  }
0x1de: {  	[hbm4b:s2+s14] =	stream.indirect.scatter [tilespmem:s22], [sflag:$0x5], $0x20, s31, s14, $0xb8;
	[tilespmem:$0x1C200] =	vst v63  }
0x1df: {  	_ =	swait.ge [sflag:s28], $0x3200  }
0x1e0: {  	[sflag:s28] =	ssyncset.done $0x0  }
0x1e1: {  	[sflag:s28] =	ssyncadd.s32 $0xFFFFCE00  }
0x1e2: {  	_ =	swait.ge [sflag:s28], $0x3200  }
0x1e3: {  	[sflag:s28] =	ssyncset.done $0x0  }
0x1e4: {  	[sflag:s28] =	ssyncadd.s32 $0xFFFFCE00  }
0x1e5: {  	_ =	swait.ge [sflag:s28], $0x3200  }
0x1e6: {  	[sflag:s28] =	ssyncset.done $0x0  }
0x1e7: {  	[sflag:s28] =	ssyncadd.s32 $0xFFFFCE00  }
0x1e8: {  	_ =	swait.ge [sflag:s24], $0x3200  }
0x1e9: {  	[sflag:s24] =	ssyncset.done $0x0  }
0x1ea: {  	s26 =	sadd.s32 $0x1, s26;
	[sflag:s24] =	ssyncadd.s32 $0xFFFFCE00  }
0x1eb: {  	p0 =	sne.s32 s26, s10;
	_ =	swait.ge [sflag:s24], $0x3200  }
.Ltmp2:
0x1ec: {  	[sflag:s24] =	ssyncset.done $0x0;
	(pc) =	sbr.rel @p0 .LBB2_1-.Ltmp2, $4  }
0x1ed: {  	[sflag:s24] =	ssyncadd.s32 $0xFFFFCE00  }
0x1ee: {  	_ =	swait.ge [sflag:s24], $0x3200  }
0x1ef: {  	[sflag:s24] =	ssyncset.done $0x0  }
0x1f0: {  	[sflag:s24] =	ssyncadd.s32 $0xFFFFCE00  }
0x1f1: {  	_ =	sfence.sel $0x180000  }
0x1f2: {  	[bflag:$0x0] =	sbarrier.arrive $0xFFFF  }
0x1f3: {  	_ =	strace $0x90000047  }
0x1f4: {  	s0 =	stileid.u32;
	[bflag:$0x2] =	sbarrier.arrive $0xFFFF  }
0x1f5: {  	p0 =	sne.s32 s0, $0x0;
	s0 =	rddreg [dreg:$0x2]  }
0x1f6: {  	s0 =	sadd.s32 @!p0 $0x100000, s0  }
0x1f7: {  	[sflag:s0] =	ssyncadd.tile.s32 @!p0 $0x1;
	_ =	shalt  }
.Lfunc_end2:
_tile_overlayer_lowered:
.L_overlay_start_2:
0x1f8: {  	(tag) =	ssettag $0x2  }
0x1f9: {  	s0 =	rddreg [dreg:$0x0];
	s2 =	stileid.u32  }
0x1fa: {  	s1 =	rddreg [dreg:$0x1];
	p0 =	sne.s32 s2, $0x0  }
0x1fb: {  	s3 =	rddreg [dreg:$0x2];
	[bflag:$0x3] =	sbarrier.arrive $0xFFFF;
	s2 =	simm.s32 @!p0 $0x1C06  }
0x1fc: {  	[timem:s3], [sflag:s2] =	dma.local @!p0 [hbm:s0], s1  }
0x1fd: {  	s0 =	simm.s32 @!p0 $0x6  }
0x1fe: {  	_ =	swait.ge @!p0 [sflag:s0], s1  }
0x1ff: {  	s1 =	ssub.s32 @!p0 $0x0, s1;
	[sflag:s0] =	ssyncset.done @!p0 $0x0  }
0x200: {  	[sflag:s0] =	ssyncadd.s32 @!p0 s1  }
0x201: {  	[bflag:$0x3] =	sbarrier.arrive $0xFFFF  }
0x202: {  	_ =	shalt  }

// kernel: sparse-core-data-format-call.cloned.1.call-start
scs
called_computation_lowered:
.L_overlay_start_0:
0x0: {  	s2 =	sld [smem:$0x3FD9]  }
0x1: {  	s3 =	sld [smem:$0x3FFE];
	_ =	sdelay $0x1  }
0x2: {  	s1 =	srdreg.scid  }
0x3: {  	s0 =	sand.u32 $0x1, s1  }
0x4: {  	s18 =	sshll.u32 s0, $0xA;
	s2 =	sadd.s32 s3, s2  }
0x5: {  	s2 =	sadd.s32 s2, s18  }
0x6: {  	[smem:$0x3FC2] =	sst s2  }
0x7: {  	_ = 	snop  }
0x8: {  	s2 =	sld [smem:$0x3FD0];
	(tm) =	ssettm $0x1  }
0x9: {  	s19 =	sld [smem:$0x3FFB];
	_ =	sdelay $0x3  }
0xa: {  	_ =	strace s19  }
0xb: {  	s3 =	sld [smem:$0x3FFC];
	_ =	sdelay $0x3  }
0xc: {  	_ =	strace s3  }
0xd: {  	s3 =	sld [smem:$0x3FFD];
	_ =	sdelay $0x3  }
0xe: {  	_ =	strace s3  }
0xf: {  	_ =	strace $0x8FFFFFFF  }
0x10: {  	s20 =	sld [smem:$0x3FDB];
	_ =	sdelay $0x1  }
0x11: {  	s4 =	simm.s32 $_scs_section_size  }
0x12: {  	s5 =	simm.s32 $_size__tile_overlayer_lowered;
	s6 =	simm.s32 $_tile_overlayer_lowered  }
0x13: {  	s23 =	simm.s32 $0x1BFF;
	s22 =	sshll.u32 s6, $0x1;
	s3 =	sadd.s32 s4, s20  }
0x14: {  	s7 =	simm.s32 $0x0;
	s21 =	sshll.u32 s5, $0x1;
	s5 =	sadd.s32 s22, s3  }
0x15: {  	[timem:s7], [sflag:s23] =	dma.local [hbm:s5], s21  }
0x16: {  	_ =	swait.ge [sflag:s23], s21  }
0x17: {  	s4 =	ssub.s32 $0x0, s21;
	[sflag:s23] =	ssyncset.done $0x0  }
0x18: {  	[sflag:s23] =	ssyncadd.s32 s4;
	_ =	sdelay $0x1  }
0x19: {  	s24 =	simm.s32 $0x1B8B  }
0x1a: {  	_ =	swait.ge [sflag:s24], $0x1  }
0x1b: {  	[sflag:s24] =	ssyncset.done $0x0  }
0x1c: {  	s26 =	simm.s32 $0x1B8E;
	s25 =	sld [smem:$0x3FFE];
	[sflag:s24] =	ssyncadd.s32 $0xFFFFFFFF  }
0x1d: {  	s27 =	simm.s32 $execute0_lowered;
	[smem:$0x3FD2] =	sst s26  }
0x1e: {  	s5 =	sshll.u32 s27, $0x1;
	_ =	strace $0x80000049;
	[dreg:$0x1] =	wrdreg $0xFFFFFFFF  }
0x1f: {  	s28 =	simm.s32 $_size_execute0_lowered;
	s3 =	sadd.s32 s3, s5;
	[dreg:$0x0] =	wrdreg $0x0  }
0x20: {  	s5 =	sshll.u32 s28, $0x1;
	[dreg:$0x2] =	wrdreg s3  }
0x21: {  	[dreg:$0x3] =	wrdreg s5  }
0x22: {  	[dreg:$0x4] =	wrdreg $0xC0  }
0x23: {  	_ =	task [dreg:s7], $0x5FFFF  }
0x24: {  	[dreg:$0x1] =	wrdreg $0xFFFFFFFF  }
0x25: {  	[dreg:$0x0] =	wrdreg $0x60  }
0x26: {  	[dreg:$0x2] =	wrdreg s25  }
0x27: {  	[dreg:$0x3] =	wrdreg s2  }
0x28: {  	[dreg:$0x4] =	wrdreg $0x9  }
0x29: {  	_ =	task.clear_ibuf [dreg:s7], $0x5FFFF;
	_ =	strace $0x90000049  }
0x2a: {  	s29 =	simm.s32 $0x9;
	_ =	strace $0x8000004B  }
0x2b: {  	_ =	swait.ge [sflag:s29], $0x1  }
0x2c: {  	[sflag:s29] =	ssyncadd.s32 $0xFFFFFFFF  }
0x2d: {  	_ =	strace $0x9000004B  }
0x2e: {  	_ =	sfence  }
0x2f: {  	s30 =	sld [smem:$0x0];
	_ =	sdelay $0x2  }
0x30: {  	s31 =	sshll.u32 s1, $0xD;
	s1 =	sshrl.u32 s1, $0x2  }
0x31: {  	s3 =	sand.u32 $0x4000, s31;
	s1 =	sadd.s32 s1, s30  }
0x32: {  	s0 =	sor.u32 s3, s0;
	s1 =	sshll.u32 s1, $0x11  }
0x33: {  	s0 =	sor.u32 s1, s0  }
0x34: {  	s0 =	sadd.s32 $0x8F2B, s0  }
0x35: {  	[sflag:s0] =	ssyncadd.remote.s32 $0x1  }
0x36: {  	_ =	sfence.sel $0xFFFF  }
0x37: {  	[dreg:$0x0] =	wrdreg $0xFFFFFFFF;
	(pc) =	sbr.abs _section_cstart, $3  }
0x38: {  	[dreg:$0x1] =	wrdreg $0xFFFFFFFF  }
0x39: {  	_ =	task.clear_ibuf [dreg:s7], $0x2FFFF;
	_ =	strace $0x9FFFFFFF  }
0x3a: {  	(tm) =	ssettm $0x7FFFFFFF  }
0x3b: {  	_ =	shalt  }
tec
execute0_lowered:
.L_overlay_start_1:
0x0: {  	(tag) =	ssettag $0x1  }
0x1: {  	s0 =	srdreg.scid  }
0x2: {  	s1 =	sshll.u32 s0, $0x4  }
0x3: {  	s6 =	rddreg [dreg:$0x0];
	s0 =	stileid.u32;
	s1 =	sand.u32 $0x10, s1  }
0x4: {  	s3 =	rddreg [dreg:$0x1];
	s1 =	sor.u32 s0, s1  }
0x5: {  	s5 =	simm.s32 $0x1;
	s31 =	simm.s32 $0x2;
	s2 =	sshll.u32 s1, $0x7  }
0x6: {  	s15 =	simm.s32 $0x0;
	s8 =	simm.s32 $0x8000;
	s4 =	ssub.s32 $0x1000, s2  }
0x7: {  	s14 =	simm.s32 $0x0;
	s9 =	simm.s32 $0x0;
	s30 =	sand.u32 $0xF80, s4  }
0x8: {  	s10 =	simm.s32 $0x0;
	s11 =	simm.s32 $0x0;
	p0 =	sne.s32 s30, $0x0  }
.Ltmp0:
0x9: {  	s7 =	sshrl.u32 s4, $0xC;
	s5 =	simm.s32 @!p0 $0x0;
	(pc) =	sbr.rel .LBB1_1-.Ltmp0, $4  }
0xa: {  	s13 =	simm.s32 $0x0;
	s1 =	rddreg [dreg:$0x2];
	s5 =	sadd.s32 s5, s7  }
0xb: {  	_ =	strace $0x8000004A;
	s4 =	simm.s32 $0x1;
	s5 =	smul.u32 $0x32, s5  }
0xc: {  	s6 =	sadd.s32 $0x1200, s6;
	s12 =	smov.u32 s2;
	[sflag:s4] =	ssyncpa.u1 $0x0  }
0xd: {  	[sflag:s31] =	ssyncpa.u1 $0x0;
	p0 =	por $0x0, $0x0;
	s7 =	sor.u32 $0x1, s5  }
.LBB1_4:
0xe: {  	s20 =	sshra.s32 s20, $0x2;
	s28 =	sshll.u32 s10, $0x3;
	p1 =	sgt.s32 s9, $0x31  }
0xf: {  	s21 =	smov.u32 s9;
	s23 =	sshra.s32 s9, $0x1F;
	s24 =	smov.u32 s10  }
0x10: {  	v5 =	vld [tilespmem:s17+$0xFFFFFFD0];
	[tilespmem:s18+$0x2040 ss:$0x81] =	vst.msk $0xffff, v4;
	s25 =	sshra.s32 s10, $0x1F;
	s26 =	sand.u32 $0x78, s10;
	s19 =	sadd.s32 s20, s19  }
0x11: {  	v58 =	vld [tilespmem:s17+$0xFFFFFFE0];
	[tilespmem:s18+$0x2850 ss:$0x81] =	vst.msk $0xffff, v3;
	s22 =	sshrl.u32 s28, $0xC;
	s21 =	simm.s32 @!p1 $0x31;
	s23 =	sand.u32 s23, s9  }
0x12: {  	v59 =	vld [tilespmem:s17+$0xFFFFFFF0];
	[tilespmem:s18+$0x3060 ss:$0x81] =	vst.msk $0xffff, v2;
	p1 =	sgt.s32 s10, $0xF80;
	s29 =	sand.u32 s25, s10;
	s20 =	sand.u32 $0xC00, s28  }
0x13: {  	v60 =	vld [tilespmem:s17+$0x0];
	[tilespmem:s18+$0x0 ss:$0x81] =	vst.msk $0xffff, v0;
	s28 =	smul.u32 $0xC000, s9;
	s21 =	ssub.s32 s21, s23;
	s24 =	simm.s32 @!p1 $0xF80  }
0x14: {  	v61 =	vld [tilespmem:s17+$0x10];
	s30 =	smulhi.u32 $0x2AAAAAB, s22;
	[tilespmem:s19+$0x3870 ss:$0x81] =	vst.msk $0xffff, v1;
	s20 =	sor.u32 s26, s20;
	s31 =	ssub.s32 $0x32, s21  }
0x15: {  	v62 =	vld [tilespmem:s17+$0x20];
	s23 =	ssub.s32 s24, s29;
	s21 =	sadd.s32 $0xFFFFFFCF, s21;
	s25 =	smul.u32 $0x60, s31;
	[tilespmem:s19+$0x810 ss:$0x81] =	vst.msk $0xffff, v5  }
0x16: {  	v63 =	vld [tilespmem:s17+$0xFFFFFFC0];
	s18 =	smul.u32 $0x60, s30;
	p1 =	sgt.s32 s21, $0x0;
	s27 =	sadd.s32 $0xFFFFF080, s23;
	[tilespmem:s19+$0x1020 ss:$0x81] =	vst.msk $0xffff, v58  }
0x17: {  	s17 =	ssub.s32 $0x1000, s23;
	[tilespmem:s19+$0x1830 ss:$0x81] =	vst.msk $0xffff, v59;
	s25 =	simm.s32 @p1 $0x0;
	p1 =	sgt.s32 s27, $0x7F  }
0x18: {  	s29 =	sand.u32 $0x7, s10;
	[tilespmem:s19+$0x2040 ss:$0x81] =	vst.msk $0xffff, v60;
	s18 =	ssub.s32 s22, s18;
	s17 =	simm.s32 @p1 $0x0  }
0x19: {  	s21 =	sadd.s32 s3, s28;
	[tilespmem:s19+$0x2850 ss:$0x81] =	vst.msk $0xffff, v61;
	s18 =	sshll.u32 s18, $0x9;
	s17 =	smul.u32 s17, s25  }
0x1a: {  	s20 =	sshrl.u32 s20, $0x3;
	s30 =	sshll.u32 s29, $0x12;
	[tilespmem:s19+$0x3060 ss:$0x81] =	vst.msk $0xffff, v62;
	s18 =	sadd.s32 s18, s21  }
0x1b: {  	[tilespmem:s19+$0x0 ss:$0x81] =	vst.msk $0xffff, v63;
	s31 =	sor.u32 $0x400, s30;
	s18 =	sadd.s32 s20, s18;
	s17 =	sand.u32 $0x3FFFFFE0, s17  }
0x1c: {  	[hbm4b:s18+s31] =	stream.strided.scatter [tilespmem:s16], [sflag:$0x2], s17, s8, s31, $0x20;
	[tilespmem:$0x10100] =	vst v63  }
.LBB1_5:
0x1d: {  	p1 =	slt.u32 s13, $0x2  }
0x1e: {  	s17 =	smov.u32 s15;
	p2 =	sgt.s32 @!p1 s15, $0x31;
	s16 =	sshra.s32 @!p1 s15, $0x1F  }
0x1f: {  	p3 =	sgt.s32 @!p1 s14, $0xF80;
	s18 =	sshra.s32 @!p1 s14, $0x1F;
	p2 =	por !p2, p1  }
0x20: {  	s15 =	sand.u32 @!p1 s16, s15;
	p3 =	por !p3, p1;
	s16 =	smov.u32 s14  }
0x21: {  	s14 =	sand.u32 @!p1 s18, s14;
	s17 =	simm.s32 @p2 $0x31;
	s16 =	simm.s32 @p3 $0xF80  }
0x22: {  	s18 =	smov.u32 s12;
	s15 =	ssub.s32 @!p1 s17, s15;
	s14 =	ssub.s32 @!p1 s16, s14  }
0x23: {  	s16 =	sadd.s32 @!p1 $0xFFFFFFCF, s15;
	s15 =	ssub.s32 @!p1 $0x32, s15;
	s17 =	sadd.s32 @!p1 $0xFFFFF080, s14  }
0x24: {  	p2 =	sgt.s32 @!p1 s16, $0x0;
	s15 =	smul.u32 @!p1 $0x60, s15;
	p3 =	sgt.s32 @!p1 s17, $0x7F  }
0x25: {  	s14 =	ssub.s32 @!p1 $0x1000, s14;
	p2 =	por !p2, p1;
	p3 =	por !p3, p1  }
0x26: {  	s16 =	sadd.s32 $0x1, s11;
	s15 =	simm.s32 @!p2 $0x0;
	s14 =	simm.s32 @!p3 $0x0  }
0x27: {  	p2 =	sgt.s32 s16, $0x31;
	s14 =	smul.u32 @!p1 s14, s15;
	s15 =	sadd.s32 $0x1000, s12  }
0x28: {  	s18 =	smov.u32 @p2 s15  }
0x29: {  	s16 =	simm.s32 @p2 $0x0;
	p2 =	sgt.s32 s18, $0xFFF  }
0x2a: {  	s18 =	smov.u32 @p2 s2;
	p2 =	sne.s32 s13, s7  }
.Ltmp1:
0x2b: {  	p0 =	por !p0, !p0;
	s17 =	simm.s32 @!p1 $0x2;
	(pc) =	sbr.rel @!p2 .LBB1_6-.Ltmp1, $4  }
0x2c: {  	s15 =	smov.u32 s9;
	s9 =	smov.u32 s11;
	s14 =	sand.u32 @!p1 $0x3FFFFFE0, s14  }
0x2d: {  	s11 =	smov.u32 s16;
	_ =	swait.ge @!p1 [sflag:s17], s14;
	s19 =	ssub.s32 @!p1 $0x0, s14  }
0x2e: {  	s14 =	smov.u32 s10;
	s13 =	sadd.s32 $0x1, s13;
	[sflag:s17] =	ssyncset.done @!p1 $0x0  }
0x2f: {  	s10 =	smov.u32 s12;
	s12 =	smov.u32 s18;
	[sflag:s17] =	ssyncadd.s32 @!p1 s19  }
.LBB1_1:
0x30: {  	p1 =	sge.u32 s13, s5  }
0x31: {  	s16 =	sand.u32 @!p1 $0x1FFFFFF, s11  }
0x32: {  	s17 =	smulhi.u32 @!p1 $0x4924925, s16;
	_ =	sdelay $0x1  }
0x33: {  	s17 =	smul.u32 @!p1 $0x38, s17  }
0x34: {  	s18 =	sxor.u32 @!p1 $0xFFFFFFFF, s13;
	s19 =	smul.u32 @!p1 $0x380, s12  }
0x35: {  	s31 =	sadd.s32 $0xFFFFFFFF, s13;
	s18 =	sshll.u32 @!p1 s18, $0xE;
	s16 =	ssub.s32 @!p1 s16, s17  }
0x36: {  	s17 =	sand.u32 @!p1 $0x4000, s18;
	s18 =	sadd.s32 @!p1 s6, s19;
	s16 =	sshll.u32 @!p1 s16, $0x4  }
0x37: {  	s19 =	simm.s32 @!p1 $0x1C00;
	s16 =	sadd.s32 @!p1 s16, s18;
	s18 =	simm.s32 @!p1 $0x80  }
0x38: {  	[tilespmem:s17], [sflag:$0x1] =	stream.strided.gather @!p1 [hbm4b:s16+s18], $0x4000, s19, s18, $0x38;
	[tilespmem:$0x10100] =	vst v63  }
0x39: {  	p1 =	sge.u32 s31, s5  }
.Ltmp2:
0x3a: {  	_ = 	snop;
	(pc) =	sbr.rel @p1 .LBB1_5-.Ltmp2, $1  }
0x3b: {  	_ =	sdelay $0x3  }
0x3c: {  	s16 =	simm.s32 $0x1  }
0x3d: {  	_ =	swait.ge [sflag:s4], $0x4000;
	s16 =	simm.s32 @!p0 $0x0  }
0x3e: {  	[sflag:s4] =	ssyncset.done $0x0;
	s17 =	sshll.u32 s16, $0xE  }
0x3f: {  	[sflag:s4] =	ssyncadd.s32 $0xFFFFC000;
	s17 =	sor.u32 $0x40, s17  }
0x40: {  	s16 =	smul.u32 $0x10200, s16;
	v0 =	vld [tilespmem:s17+$0x30]  }
0x41: {  	v1 =	vld [tilespmem:s17+$0xFFFFFFD0]  }
0x42: {  	s16 =	sshrl.u32 s16, $0x2;
	v5 =	vld [tilespmem:s17+$0xFFFFFFE0]  }
0x43: {  	v6 =	vld [tilespmem:s17+$0xFFFFFFF0];
	s19 =	sor.u32 $0x8000, s16  }
0x44: {  	s31 =	sand.u32 $0x1, s13;
	v4 =	vld [tilespmem:s17+$0x0];
	s18 =	sadd.s32 $0x0, s19  }
0x45: {  	v3 =	vld [tilespmem:s17+$0x10];
	s16 =	smul.u32 $0x10200, s31;
	[tilespmem:s18+$0x3870 ss:$0x81] =	vst.msk $0xffff, v0  }
0x46: {  	v2 =	vld [tilespmem:s17+$0x20];
	[tilespmem:s18+$0x810 ss:$0x81] =	vst.msk $0xffff, v1  }
0x47: {  	s16 =	sshrl.u32 s16, $0x2;
	v0 =	vld [tilespmem:s17+$0xFFFFFFC0];
	[tilespmem:s18+$0x1020 ss:$0x81] =	vst.msk $0xffff, v5;
	s17 =	sadd.s32 $0x80, s17  }
0x48: {  	s20 =	simm.s32 $0x4;
	s21 =	simm.s32 $0x8;
	s16 =	sor.u32 $0x8000, s16;
	[tilespmem:s18+$0x1830 ss:$0x81] =	vst.msk $0xffff, v6;
	v1 =	vld [tilespmem:s17+$0x30]  }
.LBB1_3:
0x49: {  	p1 =	sne.s32 s21, $0x1FC;
	v5 =	vld [tilespmem:s17+$0xFFFFFFD0];
	[tilespmem:s18+$0x2040 ss:$0x81] =	vst.msk $0xffff, v4  }
0x4a: {  	v6 =	vld [tilespmem:s17+$0xFFFFFFE0];
	[tilespmem:s18+$0x2850 ss:$0x81] =	vst.msk $0xffff, v3  }
0x4b: {  	s22 =	sshra.s32 s20, $0x2;
	s20 =	smov.u32 s21;
	v7 =	vld [tilespmem:s17+$0xFFFFFFF0];
	[tilespmem:s18+$0x3060 ss:$0x81] =	vst.msk $0xffff, v2  }
.Ltmp3:
0x4c: {  	v4 =	vld [tilespmem:s17+$0x0];
	[tilespmem:s18+$0x0 ss:$0x81] =	vst.msk $0xffff, v0;
	s18 =	sadd.s32 s22, s19;
	(pc) =	sbr.rel @p1 .LBB1_3-.Ltmp3, $4  }
0x4d: {  	v3 =	vld [tilespmem:s17+$0x10];
	[tilespmem:s18+$0x3870 ss:$0x81] =	vst.msk $0xffff, v1  }
0x4e: {  	[tilespmem:s18+$0x810 ss:$0x81] =	vst.msk $0xffff, v5;
	v2 =	vld [tilespmem:s17+$0x20]  }
0x4f: {  	v0 =	vld [tilespmem:s17+$0xFFFFFFC0];
	[tilespmem:s18+$0x1020 ss:$0x81] =	vst.msk $0xffff, v6;
	s17 =	sadd.s32 $0x80, s17  }
0x50: {  	s21 =	sadd.s32 $0x4, s21;
	v1 =	vld [tilespmem:s17+$0x30];
	[tilespmem:s18+$0x1830 ss:$0x81] =	vst.msk $0xffff, v7  }
.Ltmp4:
0x51: {  	_ = 	snop;
	(pc) =	sbr.rel .LBB1_4-.Ltmp4, $1  }
0x52: {  	_ =	sdelay $0x3  }
.LBB1_6:
0x53: {  	_ =	sfence.sel $0x180000  }
0x54: {  	s2 =	simm.s32 $0x1;
	[bflag:$0x0] =	sbarrier.arrive $0xFFFF  }
0x55: {  	s31 =	simm.s32 $0x2;
	[sflag:s2] =	ssyncpa.u1 $0x1  }
0x56: {  	[sflag:s31] =	ssyncpa.u1 $0x1  }
0x57: {  	p0 =	sne.s32 s0, $0x0;
	_ =	strace $0x9000004A  }
0x58: {  	s0 =	sadd.s32 @!p0 $0x100000, s1;
	[bflag:$0x2] =	sbarrier.arrive $0xFFFF  }
0x59: {  	[sflag:s0] =	ssyncadd.tile.s32 @!p0 $0x1;
	_ =	shalt  }
.Lfunc_end1:
_tile_overlayer_lowered:
.L_overlay_start_2:
0x5a: {  	(tag) =	ssettag $0x2  }
0x5b: {  	s0 =	rddreg [dreg:$0x0];
	s2 =	stileid.u32  }
0x5c: {  	s1 =	rddreg [dreg:$0x1];
	p0 =	sne.s32 s2, $0x0  }
0x5d: {  	s3 =	rddreg [dreg:$0x2];
	[bflag:$0x3] =	sbarrier.arrive $0xFFFF;
	s2 =	simm.s32 @!p0 $0x1C01  }
0x5e: {  	[timem:s3], [sflag:s2] =	dma.local @!p0 [hbm:s0], s1  }
0x5f: {  	s0 =	simm.s32 @!p0 $0x1  }
0x60: {  	_ =	swait.ge @!p0 [sflag:s0], s1  }
0x61: {  	s1 =	ssub.s32 @!p0 $0x0, s1;
	[sflag:s0] =	ssyncset.done @!p0 $0x0  }
0x62: {  	[sflag:s0] =	ssyncadd.s32 @!p0 s1  }
0x63: {  	[bflag:$0x3] =	sbarrier.arrive $0xFFFF  }
0x64: {  	_ =	shalt  }

</sc_bundles>
